<compile_context>
chip_gen: v7x
topology: tpu7x:2x2x1
jax: 0.10.2.dev20260603
libtpu: 0.0.44.dev20260713+nightly
codegen_flags: <defaults>
</compile_context>

<pallas_src>
import functools

import jax
import jax.numpy as jnp
from jax import lax
from jax.experimental import pallas as pl
from jax.experimental.pallas import tpu as pltpu
from jax.experimental.pallas import tpu_sc as plsc

N = 10000
E = 320000
D = 128
NC = 2
NS = 16
NW = NC * NS
NPAD = 10240
RPS = NPAD // NS
CHUNK = 64
IBLK = 16
NBUF = 4
KTOT = 320
TOTC = NS * KTOT
EPAD = TOTC * CHUNK
NCHUNK = TOTC // NW
K0 = 304
K1 = 16
assert K0 + K1 == KTOT and K0 % IBLK == 0 and K1 % IBLK == 0
DEGW = 128

_HIGH = lax.Precision.HIGHEST


def _sc_mesh():
    return plsc.VectorSubcoreMesh(core_axis_name="c", subcore_axis_name="s")


def _sc_degree(dst_idx):
    @functools.partial(
        pl.kernel,
        out_type=jax.ShapeDtypeStruct((NC, NPAD, DEGW), jnp.float32),
        mesh=_sc_mesh(),
        scratch_types=[
            pltpu.VMEM((NCHUNK, CHUNK), jnp.int32),
            pltpu.VMEM((CHUNK, DEGW), jnp.float32),
            pltpu.VMEM((CHUNK, DEGW), jnp.float32),
            pltpu.VMEM_SHARED((NPAD, DEGW), jnp.float32),
            pltpu.SemaphoreType.DMA,
        ],
    )
    def k(d_hbm, out_hbm, didx, zbuf, ones, acc, sem):
        c = lax.axis_index("c")
        s = lax.axis_index("s")
        w = c * NS + s
        pltpu.sync_copy(d_hbm.at[pl.ds(w * NCHUNK, NCHUNK)], didx)

        @pl.loop(0, CHUNK)
        def _(i):
            zbuf.at[i, pl.ds(0, DEGW)][...] = jnp.zeros((DEGW,), jnp.float32)
            ones.at[i, pl.ds(0, DEGW)][...] = jnp.full((DEGW,), 1.0, jnp.float32)

        @pl.loop(0, RPS, step=CHUNK)
        def _(r):
            pltpu.sync_copy(zbuf, acc.at[pl.ds(s * RPS + r, CHUNK)])

        plsc.subcore_barrier()

        @pl.loop(0, NCHUNK, step=8)
        def _(j):
            for t in range(8):
                pltpu.async_copy(ones, acc.at[didx.at[j + t]], sem, add=True)
            for t in range(8):
                pltpu.make_async_copy(ones, acc.at[didx.at[j + t]], sem).wait()

        plsc.subcore_barrier()
        pltpu.sync_copy(acc.at[pl.ds(s * RPS, RPS)],
                        out_hbm.at[c, pl.ds(s * RPS, RPS)])

    return k(dst_idx)


def _sc_propagate(u_pad, src_idx, dst_idx):
    @functools.partial(
        pl.kernel,
        out_type=jax.ShapeDtypeStruct((NC, NPAD, D), jnp.float32),
        mesh=_sc_mesh(),
        scratch_types=[
            pltpu.VMEM((IBLK, CHUNK), jnp.int32),
            pltpu.VMEM((IBLK, CHUNK), jnp.int32),
        ] + [pltpu.VMEM((CHUNK, D), jnp.float32) for _ in range(NBUF)] + [
            pltpu.VMEM_SHARED((NPAD, D), jnp.float32),
        ] + [pltpu.SemaphoreType.DMA for _ in range(NBUF)],
    )
    def k(u_hbm, s_hbm, d_hbm, out_hbm, sidx, didx, *rest):
        rows = rest[:NBUF]
        acc = rest[NBUF]
        sems = rest[NBUF + 1:]
        c = lax.axis_index("c")
        s = lax.axis_index("s")
        u_mine = u_hbm.at[c]
        base = jnp.where(c == 0, s * K0, NS * K0 + s * K1)
        count = jnp.where(c == 0, K0, K1)

        @pl.loop(0, CHUNK)
        def _(i):
            @pl.loop(0, D, step=16)
            def _(j):
                rows[0].at[i, pl.ds(j, 16)][...] = jnp.zeros((16,), jnp.float32)

        @pl.loop(0, RPS, step=CHUNK)
        def _(r):
            pltpu.sync_copy(rows[0], acc.at[pl.ds(s * RPS + r, CHUNK)])

        plsc.subcore_barrier()

        def gather(j, q):
            return pltpu.async_copy(u_mine.at[sidx.at[j]], rows[q], sems[q])

        def gather_wait(j, q):
            pltpu.make_async_copy(u_mine.at[sidx.at[j]], rows[q], sems[q]).wait()

        @pl.loop(0, count, step=IBLK)
        def _(b):
            pltpu.sync_copy(s_hbm.at[pl.ds(base + b, IBLK)], sidx)
            pltpu.sync_copy(d_hbm.at[pl.ds(base + b, IBLK)], didx)
            for q in range(NBUF):
                gather(q, q)

            @pl.loop(0, IBLK, step=NBUF)
            def _(j):
                for q in range(NBUF):
                    gather_wait(j + q, q)
                    pltpu.sync_copy(rows[q], acc.at[didx.at[j + q]], add=True)

                    @pl.when(j + q + NBUF < IBLK)
                    def _():
                        gather(j + q + NBUF, q)

        plsc.subcore_barrier()
        pltpu.sync_copy(acc.at[pl.ds(s * RPS, RPS)],
                        out_hbm.at[c, pl.ds(s * RPS, RPS)])

    return k(u_pad, src_idx, dst_idx)


_BLK = 512
_GRID = (NPAD // _BLK,)


def _tc_first(x, w, degp):
    def body(x_ref, w_ref, deg_ref, u_ref, dinv_ref):
        deg = deg_ref[0][:, 0:1] + deg_ref[1][:, 0:1] + 1.0
        dinv = lax.rsqrt(deg)
        xw = jnp.dot(x_ref[...], w_ref[...], precision=_HIGH,
                     preferred_element_type=jnp.float32)
        u = xw * dinv
        u_ref[0] = u
        u_ref[1] = u
        dinv_ref[...] = jnp.broadcast_to(dinv, (_BLK, DEGW))

    return pl.pallas_call(
        body,
        grid=_GRID,
        in_specs=[pl.BlockSpec((_BLK, D), lambda i: (i, 0)),
                  pl.BlockSpec((D, D), lambda i: (0, 0)),
                  pl.BlockSpec((NC, _BLK, DEGW), lambda i: (0, i, 0))],
        out_specs=[pl.BlockSpec((NC, _BLK, D), lambda i: (0, i, 0)),
                   pl.BlockSpec((_BLK, DEGW), lambda i: (i, 0))],
        out_shape=[jax.ShapeDtypeStruct((NC, NPAD, D), jnp.float32),
                   jax.ShapeDtypeStruct((NPAD, DEGW), jnp.float32)],
    )(x, w, degp)


def _tc_mid(sp, u1, dinv16, w2, b1):
    def body(sp_ref, u_ref, dinv_ref, w_ref, b_ref, o_ref):
        dinv = dinv_ref[:, 0:1]
        pre = dinv * (sp_ref[0] + sp_ref[1] + u_ref[0]) + b_ref[...]
        h = jnp.maximum(pre, 0.0)
        u2 = jnp.dot(h, w_ref[...], precision=_HIGH,
                     preferred_element_type=jnp.float32) * dinv
        o_ref[0] = u2
        o_ref[1] = u2

    return pl.pallas_call(
        body,
        grid=_GRID,
        in_specs=[pl.BlockSpec((NC, _BLK, D), lambda i: (0, i, 0)),
                  pl.BlockSpec((NC, _BLK, D), lambda i: (0, i, 0)),
                  pl.BlockSpec((_BLK, DEGW), lambda i: (i, 0)),
                  pl.BlockSpec((D, D), lambda i: (0, 0)),
                  pl.BlockSpec((1, D), lambda i: (0, 0))],
        out_specs=pl.BlockSpec((NC, _BLK, D), lambda i: (0, i, 0)),
        out_shape=jax.ShapeDtypeStruct((NC, NPAD, D), jnp.float32),
    )(sp, u1, dinv16, w2, b1)


def _tc_final(sp, u2, dinv16, b2):
    def body(sp_ref, u_ref, dinv_ref, b_ref, o_ref):
        dinv = dinv_ref[:, 0:1]
        o_ref[...] = dinv * (sp_ref[0] + sp_ref[1] + u_ref[0]) + b_ref[...]

    return pl.pallas_call(
        body,
        grid=_GRID,
        in_specs=[pl.BlockSpec((NC, _BLK, D), lambda i: (0, i, 0)),
                  pl.BlockSpec((NC, _BLK, D), lambda i: (0, i, 0)),
                  pl.BlockSpec((_BLK, DEGW), lambda i: (i, 0)),
                  pl.BlockSpec((1, D), lambda i: (0, 0))],
        out_specs=pl.BlockSpec((_BLK, D), lambda i: (i, 0)),
        out_shape=jax.ShapeDtypeStruct((NPAD, D), jnp.float32),
    )(sp, u2, dinv16, b2)


def kernel(x, edge_index, W1, b1, W2, b2):
    src = edge_index[0]
    dst = edge_index[1]
    pad = jnp.full((EPAD - E,), N, jnp.int32)
    src_r = jnp.concatenate([src, pad]).reshape(TOTC, CHUNK)
    dst_r = jnp.concatenate([dst, pad]).reshape(TOTC, CHUNK)
    x_pad = jnp.concatenate([x, jnp.zeros((NPAD - N, D), x.dtype)], axis=0)
    b1r = b1.reshape(1, D)
    b2r = b2.reshape(1, D)

    degp = _sc_degree(dst_r)
    u1, dinv16 = _tc_first(x_pad, W1, degp)

    s1 = _sc_propagate(u1, src_r, dst_r)
    u2 = _tc_mid(s1, u1, dinv16, W2, b1r)

    s2 = _sc_propagate(u2, src_r, dst_r)
    z = _tc_final(s2, u2, dinv16, b2r)

    return z[:N]

# --- scband reference (transcript-rebuilt; emitter-appended) ---
"""Pipeline reference for scband-link-prediction-model-64716567216668 (READ-ONLY COPY).

The authoritative reference and input builder live on the scoring server;
editing this copy changes nothing except your own understanding.
"""

import jax, jax.numpy as jnp
import numpy as np

N = 10000
E = 320000
D_IN = 128
D_H = 128
D_OUT = 128


def setup_inputs(seed: int = 0) -> dict:
    key = jax.random.key(seed)
    k1, k2, k3, k4 = jax.random.split(key, 4)
    x = jax.random.normal(k1, (N, D_IN), dtype=jnp.float32)
    edge_index = jax.random.randint(k2, (2, E), 0, N, dtype=jnp.int32)
    # GCNConv weights (glorot-style scale) and zero biases, per init_kwargs
    W1 = jax.random.normal(k3, (D_IN, D_H), dtype=jnp.float32) * (1.0 / np.sqrt(D_IN))
    b1 = jnp.zeros((D_H,), dtype=jnp.float32)
    W2 = jax.random.normal(k4, (D_H, D_OUT), dtype=jnp.float32) * (1.0 / np.sqrt(D_H))
    b2 = jnp.zeros((D_OUT,), dtype=jnp.float32)
    return {"x": x, "edge_index": edge_index, "W1": W1, "b1": b1, "W2": W2, "b2": b2}


def _gcn_conv(x, src, dst, W, b):
    # PyG GCNConv with add_self_loops already applied to (src, dst):
    # x' = D^{-1/2} A_hat D^{-1/2} (x W) + b, aggregation into dst nodes.
    xw = x @ W
    deg = jnp.zeros((N,), dtype=xw.dtype).at[dst].add(1.0)
    dinv = jnp.where(deg > 0, 1.0 / jnp.sqrt(deg), 0.0)
    norm = dinv[src] * dinv[dst]
    msg = xw[src] * norm[:, None]
    out = jnp.zeros((N, W.shape[1]), dtype=xw.dtype).at[dst].add(msg)
    return out + b


def reference(x, edge_index, W1, b1, W2, b2):
    # forward == encode(x, edge_index)
    loop = jnp.arange(N, dtype=edge_index.dtype)
    src = jnp.concatenate([edge_index[0], loop])
    dst = jnp.concatenate([edge_index[1], loop])
    h = _gcn_conv(x, src, dst, W1, b1)
    h = jax.nn.relu(h)
    # dropout(p=0.5) is identity in eval mode
    z = _gcn_conv(h, src, dst, W2, b2)
    return z

if __name__ == "__main__":
    import jax
    _d = setup_inputs()
    print(jax.jit(kernel)(*tuple(_d.values())))

</pallas_src>

<mosaic_0001>
#map = affine_map<(d0, d1) -> (0, 0, 0)>
#map1 = affine_map<(d0, d1) -> (0, 0)>
module attributes {stable_mosaic.version = 14 : i64} {
  func.func @k(%arg0: i32, %arg1: i32, %arg2: memref<2x10240x128xf32, #tpu.memory_space<hbm>>, %arg3: memref<5120x64xi32, #tpu.memory_space<hbm>>, %arg4: memref<5120x64xi32, #tpu.memory_space<hbm>>, %arg5: memref<2x10240x128xf32, #tpu.memory_space<hbm>>, %arg6: memref<16x64xi32, #tpu.memory_space<vmem>>, %arg7: memref<16x64xi32, #tpu.memory_space<vmem>>, %arg8: memref<64x128xf32, #tpu.memory_space<vmem>>, %arg9: memref<64x128xf32, #tpu.memory_space<vmem>>, %arg10: memref<64x128xf32, #tpu.memory_space<vmem>>, %arg11: memref<64x128xf32, #tpu.memory_space<vmem>>, %arg12: memref<10240x128xf32, #tpu.memory_space<vmem_shared>>, %arg13: memref<!tpu.dma_semaphore, #tpu.memory_space<semaphore_mem>>, %arg14: memref<!tpu.dma_semaphore, #tpu.memory_space<semaphore_mem>>, %arg15: memref<!tpu.dma_semaphore, #tpu.memory_space<semaphore_mem>>, %arg16: memref<!tpu.dma_semaphore, #tpu.memory_space<semaphore_mem>>) attributes {dimension_semantics = [#tpu.dimension_semantics<core_parallel>, #tpu.dimension_semantics<subcore_parallel>], iteration_bounds = array<i64: 2, 16>, scalar_prefetch = 0 : i64, scratch_operands = 11 : i64, tpu.core_type = #tpu.core_type<sc_vector_subcore>, window_params = [{transform_indices = #map}, {transform_indices = #map1}, {transform_indices = #map1}, {transform_indices = #map}]} {
    %eq3A = arith.constant 0 : i32
    %eq3A_0 = arith.cmpi eq, %arg0, %eq3A : i32
    %mul3A = arith.constant 304 : i32
    %mul3A_1 = arith.muli %arg1, %mul3A : i32
    %mul3A_2 = arith.constant 16 : i32
    %mul3A_3 = arith.muli %arg1, %mul3A_2 : i32
    %add3A = arith.constant 4864 : i32
    %add3A_4 = arith.addi %add3A, %mul3A_3 : i32
    %select_n3A = arith.select %eq3A_0, %mul3A_1, %add3A_4 : i32
    %eq3A_5 = arith.constant 0 : i32
    %eq3A_6 = arith.cmpi eq, %arg0, %eq3A_5 : i32
    %jit3A = arith.constant 304 : i32
    %jit3A_7 = arith.constant 16 : i32
    %select_n3A_8 = arith.select %eq3A_6, %jit3A, %jit3A_7 : i32
    %scan3A = arith.constant 0 : i32
    %scan3A_9 = arith.constant 64 : i32
    %scan3A_10 = arith.addi %scan3A, %scan3A_9 : i32
    %scan3A_11 = arith.constant 1 : i32
    scf.for %scan3A_39 = %scan3A to %scan3A_10 step %scan3A_11  : i32 {
      %mul3A_40 = arith.constant 1 : i32
      %mul3A_41 = arith.muli %scan3A_39, %mul3A_40 : i32
      %add3A_42 = arith.constant 0 : i32
      %add3A_43 = arith.addi %add3A_42, %mul3A_41 : i32
      %scan3A_44 = arith.constant 0 : i32
      %scan3A_45 = arith.constant 8 : i32
      %scan3A_46 = arith.addi %scan3A_44, %scan3A_45 : i32
      %scan3A_47 = arith.constant 1 : i32
      scf.for %scan3A_49 = %scan3A_44 to %scan3A_46 step %scan3A_47  : i32 {
        %mul3A_50 = arith.constant 16 : i32
        %mul3A_51 = arith.muli %scan3A_49, %mul3A_50 : i32
        %add3A_52 = arith.constant 0 : i32
        %add3A_53 = arith.addi %add3A_52, %mul3A_51 : i32
        %broadcast_in_dim3A = arith.constant 0.000000e+00 : f32
        %broadcast_in_dim3A_54 = vector.broadcast %broadcast_in_dim3A : f32 to vector<16xf32>
        %swap3A = arith.index_cast %add3A_43 : i32 to index
        %swap3A_55 = arith.index_cast %add3A_53 : i32 to index
        %swap3A_56 = tpu.vector_load %arg8[%swap3A, %swap3A_55] {strides = array<i32>} : memref<64x128xf32, #tpu.memory_space<vmem>>, vector<1x16xf32>,
        %swap3A_57 = vector.shape_cast %swap3A_56 : vector<1x16xf32> to vector<16xf32>
        %swap3A_58 = vector.shape_cast %broadcast_in_dim3A_54 : vector<16xf32> to vector<1x16xf32>
        tpu.vector_store %arg8[%swap3A, %swap3A_55], %swap3A_58 {strides = array<i32>} : memref<64x128xf32, #tpu.memory_space<vmem>>, vector<1x16xf32>,
      }
      %scan3A_48 = arith.constant 8 : i32
    }
    %scan3A_12 = arith.constant 64 : i32
    %scan3A_13 = arith.constant 0 : i32
    %scan3A_14 = arith.constant 10 : i32
    %scan3A_15 = arith.addi %scan3A_13, %scan3A_14 : i32
    %scan3A_16 = arith.constant 1 : i32
    scf.for %scan3A_39 = %scan3A_13 to %scan3A_15 step %scan3A_16  : i32 {
      %mul3A_40 = arith.constant 64 : i32
      %mul3A_41 = arith.muli %scan3A_39, %mul3A_40 : i32
      %add3A_42 = arith.constant 0 : i32
      %add3A_43 = arith.addi %add3A_42, %mul3A_41 : i32
      %mul3A_44 = arith.constant 640 : i32
      %mul3A_45 = arith.muli %arg1, %mul3A_44 : i32
      %add3A_46 = arith.addi %mul3A_45, %add3A_43 : i32
      "tpu.region"() ({
        %run_scoped3A = tpu.sem_alloc : memref<!tpu.dma_semaphore, #tpu.memory_space<semaphore_mem>>
        %dma_start3A = arith.constant 0 : i32
        %dma_start3A_47 = tpu.memref_slice %arg12[%add3A_46, %dma_start3A] : memref<10240x128xf32, #tpu.memory_space<vmem_shared>> -> memref<64x128xf32, #tpu.memory_space<vmem_shared>>
        %dma_start3A_48 = arith.constant 0 : i32
        %dma_start3A_49 = tpu.memref_slice %arg12[%add3A_46, %dma_start3A_48] : memref<10240x128xf32, #tpu.memory_space<vmem_shared>> -> memref<64x128xf32, #tpu.memory_space<vmem_shared>>
        tpu.enqueue_dma source(%arg8 : memref<64x128xf32, #tpu.memory_space<vmem>>) target(%dma_start3A_49 : memref<64x128xf32, #tpu.memory_space<vmem_shared>>) target_semaphore(%run_scoped3A : memref<!tpu.dma_semaphore, #tpu.memory_space<semaphore_mem>>)
        %dma_wait3A = arith.constant 0 : i32
        %dma_wait3A_50 = tpu.memref_slice %arg12[%add3A_46, %dma_wait3A] : memref<10240x128xf32, #tpu.memory_space<vmem_shared>> -> memref<64x128xf32, #tpu.memory_space<vmem_shared>>
        %dma_wait3A_51 = arith.constant 0 : i32
        %dma_wait3A_52 = tpu.memref_slice %arg12[%add3A_46, %dma_wait3A_51] : memref<10240x128xf32, #tpu.memory_space<vmem_shared>> -> memref<64x128xf32, #tpu.memory_space<vmem_shared>>
        tpu.wait_dma2 semaphore(%run_scoped3A : memref<!tpu.dma_semaphore, #tpu.memory_space<semaphore_mem>>) src(%arg8 : memref<64x128xf32, #tpu.memory_space<vmem>>) dst(%dma_wait3A_52 : memref<64x128xf32, #tpu.memory_space<vmem_shared>>)
        tpu.yield
      }) : () -> ()
    }
    %scan3A_17 = arith.constant 10 : i32
    %barrier3A = arith.constant 0 : index
    tpu.barrier barrier_id(%barrier3A)
    %sub3A = arith.constant 0 : i32
    %sub3A_18 = arith.subi %select_n3A_8, %sub3A : i32
    %sub3A_19 = arith.constant 16 : i32
    %sub3A_20 = arith.constant 1 : i32
    %sub3A_21 = arith.subi %sub3A_19, %sub3A_20 : i32
    %add3A_22 = arith.addi %sub3A_18, %sub3A_21 : i32
    %div3A = arith.constant 16 : i32
    %div3A_23 = arith.divsi %add3A_22, %div3A : i32
    %while3A = arith.constant 16 : i32
    %while3A_24 = arith.constant 0 : i32
    %while3A_25 = arith.constant 0 : i32
    %while3A_26 = arith.subi %div3A_23, %while3A_25 : i32
    %while3A_27 = arith.addi %while3A_25, %while3A_26 : i32
    %while3A_28 = arith.constant 1 : i32
    %while3A_29 = arith.divsi %while3A_26, %while3A_28 : i32
    %while3A_30 = arith.muli %while3A_29, %while3A_28 : i32
    %while3A_31 = arith.addi %while3A_25, %while3A_30 : i32
    %while3A_32 = arith.constant 1 : i32
    scf.for %while3A_39 = %while3A_25 to %while3A_31 step %while3A_32  : i32 {
      %mul3A_40 = arith.muli %while3A_39, %while3A : i32
      %add3A_41 = arith.addi %while3A_24, %mul3A_40 : i32
      %add3A_42 = arith.addi %select_n3A, %add3A_41 : i32
      "tpu.region"() ({
        %run_scoped3A = tpu.sem_alloc : memref<!tpu.dma_semaphore, #tpu.memory_space<semaphore_mem>>
        %dma_start3A_92 = arith.constant 0 : i32
        %dma_start3A_93 = tpu.memref_slice %arg3[%add3A_42, %dma_start3A_92] : memref<5120x64xi32, #tpu.memory_space<hbm>> -> memref<16x64xi32, #tpu.memory_space<hbm>>
        %dma_start3A_94 = arith.constant 0 : i32
        %dma_start3A_95 = tpu.memref_slice %arg3[%add3A_42, %dma_start3A_94] : memref<5120x64xi32, #tpu.memory_space<hbm>> -> memref<16x64xi32, #tpu.memory_space<hbm>>
        tpu.enqueue_dma source(%dma_start3A_95 : memref<16x64xi32, #tpu.memory_space<hbm>>) target(%arg6 : memref<16x64xi32, #tpu.memory_space<vmem>>) target_semaphore(%run_scoped3A : memref<!tpu.dma_semaphore, #tpu.memory_space<semaphore_mem>>)
        %dma_wait3A = arith.constant 0 : i32
        %dma_wait3A_96 = tpu.memref_slice %arg3[%add3A_42, %dma_wait3A] : memref<5120x64xi32, #tpu.memory_space<hbm>> -> memref<16x64xi32, #tpu.memory_space<hbm>>
        %dma_wait3A_97 = arith.constant 0 : i32
        %dma_wait3A_98 = tpu.memref_slice %arg3[%add3A_42, %dma_wait3A_97] : memref<5120x64xi32, #tpu.memory_space<hbm>> -> memref<16x64xi32, #tpu.memory_space<hbm>>
        tpu.wait_dma2 semaphore(%run_scoped3A : memref<!tpu.dma_semaphore, #tpu.memory_space<semaphore_mem>>) src(%dma_wait3A_98 : memref<16x64xi32, #tpu.memory_space<hbm>>) dst(%arg6 : memref<16x64xi32, #tpu.memory_space<vmem>>)
        tpu.yield
      }) : () -> ()
      %add3A_43 = arith.addi %select_n3A, %add3A_41 : i32
      "tpu.region"() ({
        %run_scoped3A = tpu.sem_alloc : memref<!tpu.dma_semaphore, #tpu.memory_space<semaphore_mem>>
        %dma_start3A_92 = arith.constant 0 : i32
        %dma_start3A_93 = tpu.memref_slice %arg4[%add3A_43, %dma_start3A_92] : memref<5120x64xi32, #tpu.memory_space<hbm>> -> memref<16x64xi32, #tpu.memory_space<hbm>>
        %dma_start3A_94 = arith.constant 0 : i32
        %dma_start3A_95 = tpu.memref_slice %arg4[%add3A_43, %dma_start3A_94] : memref<5120x64xi32, #tpu.memory_space<hbm>> -> memref<16x64xi32, #tpu.memory_space<hbm>>
        tpu.enqueue_dma source(%dma_start3A_95 : memref<16x64xi32, #tpu.memory_space<hbm>>) target(%arg7 : memref<16x64xi32, #tpu.memory_space<vmem>>) target_semaphore(%run_scoped3A : memref<!tpu.dma_semaphore, #tpu.memory_space<semaphore_mem>>)
        %dma_wait3A = arith.constant 0 : i32
        %dma_wait3A_96 = tpu.memref_slice %arg4[%add3A_43, %dma_wait3A] : memref<5120x64xi32, #tpu.memory_space<hbm>> -> memref<16x64xi32, #tpu.memory_space<hbm>>
        %dma_wait3A_97 = arith.constant 0 : i32
        %dma_wait3A_98 = tpu.memref_slice %arg4[%add3A_43, %dma_wait3A_97] : memref<5120x64xi32, #tpu.memory_space<hbm>> -> memref<16x64xi32, #tpu.memory_space<hbm>>
        tpu.wait_dma2 semaphore(%run_scoped3A : memref<!tpu.dma_semaphore, #tpu.memory_space<semaphore_mem>>) src(%dma_wait3A_98 : memref<16x64xi32, #tpu.memory_space<hbm>>) dst(%arg7 : memref<16x64xi32, #tpu.memory_space<vmem>>)
        tpu.yield
      }) : () -> ()
      %dma_start3A = arith.constant 0 : i32
      %dma_start3A_44 = arith.constant 0 : i32
      %dma_start3A_45 = tpu.memref_slice %arg6[%dma_start3A, %dma_start3A_44] : memref<16x64xi32, #tpu.memory_space<vmem>> -> memref<1x64xi32, #tpu.memory_space<vmem>>
      %dma_start3A_46 = tpu.memref_squeeze %dma_start3A_45 : memref<1x64xi32, #tpu.memory_space<vmem>> -> memref<64xi32, #tpu.memory_space<vmem>>
      %dma_start3A_47 = arith.constant 0 : i32
      %dma_start3A_48 = arith.constant 0 : i32
      %dma_start3A_49 = tpu.memref_slice %arg2[%arg0, %dma_start3A_47, %dma_start3A_48] : memref<2x10240x128xf32, #tpu.memory_space<hbm>> -> memref<1x10240x128xf32, #tpu.memory_space<hbm>>
      %dma_start3A_50 = tpu.memref_squeeze %dma_start3A_49 : memref<1x10240x128xf32, #tpu.memory_space<hbm>> -> memref<10240x128xf32, #tpu.memory_space<hbm>>
      %dma_start3A_51 = arith.constant 0 : i32
      %dma_start3A_52 = arith.constant 0 : i32
      %dma_start3A_53 = tpu.memref_slice %dma_start3A_50[%dma_start3A_51, %dma_start3A_52] : memref<10240x128xf32, #tpu.memory_space<hbm>> -> memref<10240x128xf32, #tpu.memory_space<hbm>>
      tpu.enqueue_indirect_dma source(%dma_start3A_53 : memref<10240x128xf32, #tpu.memory_space<hbm>>) target(%arg8 : memref<64x128xf32, #tpu.memory_space<vmem>>) offsets(%dma_start3A_46 : memref<64xi32, #tpu.memory_space<vmem>>) semaphore(%arg13 : memref<!tpu.dma_semaphore, #tpu.memory_space<semaphore_mem>>)
      %dma_start3A_54 = arith.constant 1 : i32
      %dma_start3A_55 = arith.constant 0 : i32
      %dma_start3A_56 = tpu.memref_slice %arg6[%dma_start3A_54, %dma_start3A_55] : memref<16x64xi32, #tpu.memory_space<vmem>> -> memref<1x64xi32, #tpu.memory_space<vmem>>
      %dma_start3A_57 = tpu.memref_squeeze %dma_start3A_56 : memref<1x64xi32, #tpu.memory_space<vmem>> -> memref<64xi32, #tpu.memory_space<vmem>>
      %dma_start3A_58 = arith.constant 0 : i32
      %dma_start3A_59 = arith.constant 0 : i32
      %dma_start3A_60 = tpu.memref_slice %arg2[%arg0, %dma_start3A_58, %dma_start3A_59] : memref<2x10240x128xf32, #tpu.memory_space<hbm>> -> memref<1x10240x128xf32, #tpu.memory_space<hbm>>
      %dma_start3A_61 = tpu.memref_squeeze %dma_start3A_60 : memref<1x10240x128xf32, #tpu.memory_space<hbm>> -> memref<10240x128xf32, #tpu.memory_space<hbm>>
      %dma_start3A_62 = arith.constant 0 : i32
      %dma_start3A_63 = arith.constant 0 : i32
      %dma_start3A_64 = tpu.memref_slice %dma_start3A_61[%dma_start3A_62, %dma_start3A_63] : memref<10240x128xf32, #tpu.memory_space<hbm>> -> memref<10240x128xf32, #tpu.memory_space<hbm>>
      tpu.enqueue_indirect_dma source(%dma_start3A_64 : memref<10240x128xf32, #tpu.memory_space<hbm>>) target(%arg9 : memref<64x128xf32, #tpu.memory_space<vmem>>) offsets(%dma_start3A_57 : memref<64xi32, #tpu.memory_space<vmem>>) semaphore(%arg14 : memref<!tpu.dma_semaphore, #tpu.memory_space<semaphore_mem>>)
      %dma_start3A_65 = arith.constant 2 : i32
      %dma_start3A_66 = arith.constant 0 : i32
      %dma_start3A_67 = tpu.memref_slice %arg6[%dma_start3A_65, %dma_start3A_66] : memref<16x64xi32, #tpu.memory_space<vmem>> -> memref<1x64xi32, #tpu.memory_space<vmem>>
      %dma_start3A_68 = tpu.memref_squeeze %dma_start3A_67 : memref<1x64xi32, #tpu.memory_space<vmem>> -> memref<64xi32, #tpu.memory_space<vmem>>
      %dma_start3A_69 = arith.constant 0 : i32
      %dma_start3A_70 = arith.constant 0 : i32
      %dma_start3A_71 = tpu.memref_slice %arg2[%arg0, %dma_start3A_69, %dma_start3A_70] : memref<2x10240x128xf32, #tpu.memory_space<hbm>> -> memref<1x10240x128xf32, #tpu.memory_space<hbm>>
      %dma_start3A_72 = tpu.memref_squeeze %dma_start3A_71 : memref<1x10240x128xf32, #tpu.memory_space<hbm>> -> memref<10240x128xf32, #tpu.memory_space<hbm>>
      %dma_start3A_73 = arith.constant 0 : i32
      %dma_start3A_74 = arith.constant 0 : i32
      %dma_start3A_75 = tpu.memref_slice %dma_start3A_72[%dma_start3A_73, %dma_start3A_74] : memref<10240x128xf32, #tpu.memory_space<hbm>> -> memref<10240x128xf32, #tpu.memory_space<hbm>>
      tpu.enqueue_indirect_dma source(%dma_start3A_75 : memref<10240x128xf32, #tpu.memory_space<hbm>>) target(%arg10 : memref<64x128xf32, #tpu.memory_space<vmem>>) offsets(%dma_start3A_68 : memref<64xi32, #tpu.memory_space<vmem>>) semaphore(%arg15 : memref<!tpu.dma_semaphore, #tpu.memory_space<semaphore_mem>>)
      %dma_start3A_76 = arith.constant 3 : i32
      %dma_start3A_77 = arith.constant 0 : i32
      %dma_start3A_78 = tpu.memref_slice %arg6[%dma_start3A_76, %dma_start3A_77] : memref<16x64xi32, #tpu.memory_space<vmem>> -> memref<1x64xi32, #tpu.memory_space<vmem>>
      %dma_start3A_79 = tpu.memref_squeeze %dma_start3A_78 : memref<1x64xi32, #tpu.memory_space<vmem>> -> memref<64xi32, #tpu.memory_space<vmem>>
      %dma_start3A_80 = arith.constant 0 : i32
      %dma_start3A_81 = arith.constant 0 : i32
      %dma_start3A_82 = tpu.memref_slice %arg2[%arg0, %dma_start3A_80, %dma_start3A_81] : memref<2x10240x128xf32, #tpu.memory_space<hbm>> -> memref<1x10240x128xf32, #tpu.memory_space<hbm>>
      %dma_start3A_83 = tpu.memref_squeeze %dma_start3A_82 : memref<1x10240x128xf32, #tpu.memory_space<hbm>> -> memref<10240x128xf32, #tpu.memory_space<hbm>>
      %dma_start3A_84 = arith.constant 0 : i32
      %dma_start3A_85 = arith.constant 0 : i32
      %dma_start3A_86 = tpu.memref_slice %dma_start3A_83[%dma_start3A_84, %dma_start3A_85] : memref<10240x128xf32, #tpu.memory_space<hbm>> -> memref<10240x128xf32, #tpu.memory_space<hbm>>
      tpu.enqueue_indirect_dma source(%dma_start3A_86 : memref<10240x128xf32, #tpu.memory_space<hbm>>) target(%arg11 : memref<64x128xf32, #tpu.memory_space<vmem>>) offsets(%dma_start3A_79 : memref<64xi32, #tpu.memory_space<vmem>>) semaphore(%arg16 : memref<!tpu.dma_semaphore, #tpu.memory_space<semaphore_mem>>)
      %scan3A_87 = arith.constant 0 : i32
      %scan3A_88 = arith.constant 4 : i32
      %scan3A_89 = arith.addi %scan3A_87, %scan3A_88 : i32
      %scan3A_90 = arith.constant 1 : i32
      scf.for %scan3A_92 = %scan3A_87 to %scan3A_89 step %scan3A_90  : i32 {
        %mul3A_93 = arith.constant 4 : i32
        %mul3A_94 = arith.muli %scan3A_92, %mul3A_93 : i32
        %add3A_95 = arith.constant 0 : i32
        %add3A_96 = arith.addi %add3A_95, %mul3A_94 : i32
        %add3A_97 = arith.constant 0 : i32
        %add3A_98 = arith.addi %add3A_96, %add3A_97 : i32
        %dma_wait3A = arith.constant 0 : i32
        %dma_wait3A_99 = tpu.memref_slice %arg6[%add3A_98, %dma_wait3A] : memref<16x64xi32, #tpu.memory_space<vmem>> -> memref<1x64xi32, #tpu.memory_space<vmem>>
        %dma_wait3A_100 = tpu.memref_squeeze %dma_wait3A_99 : memref<1x64xi32, #tpu.memory_space<vmem>> -> memref<64xi32, #tpu.memory_space<vmem>>
        %dma_wait3A_101 = arith.constant 0 : i32
        %dma_wait3A_102 = arith.constant 0 : i32
        %dma_wait3A_103 = tpu.memref_slice %arg2[%arg0, %dma_wait3A_101, %dma_wait3A_102] : memref<2x10240x128xf32, #tpu.memory_space<hbm>> -> memref<1x10240x128xf32, #tpu.memory_space<hbm>>
        %dma_wait3A_104 = tpu.memref_squeeze %dma_wait3A_103 : memref<1x10240x128xf32, #tpu.memory_space<hbm>> -> memref<10240x128xf32, #tpu.memory_space<hbm>>
        %dma_wait3A_105 = arith.constant 0 : i32
        %dma_wait3A_106 = arith.constant 0 : i32
        %dma_wait3A_107 = tpu.memref_slice %dma_wait3A_104[%dma_wait3A_105, %dma_wait3A_106] : memref<10240x128xf32, #tpu.memory_space<hbm>> -> memref<10240x128xf32, #tpu.memory_space<hbm>>
        tpu.wait_indirect_dma semaphore(%arg13 : memref<!tpu.dma_semaphore, #tpu.memory_space<semaphore_mem>>) src(%dma_wait3A_107 : memref<10240x128xf32, #tpu.memory_space<hbm>>) dst(%arg8 : memref<64x128xf32, #tpu.memory_space<vmem>>)
        %add3A_108 = arith.constant 0 : i32
        %add3A_109 = arith.addi %add3A_96, %add3A_108 : i32
        "tpu.region"() ({
          %run_scoped3A = tpu.sem_alloc : memref<!tpu.dma_semaphore, #tpu.memory_space<semaphore_mem>>
          %dma_start3A_185 = arith.constant 0 : i32
          %dma_start3A_186 = tpu.memref_slice %arg7[%add3A_109, %dma_start3A_185] : memref<16x64xi32, #tpu.memory_space<vmem>> -> memref<1x64xi32, #tpu.memory_space<vmem>>
          %dma_start3A_187 = tpu.memref_squeeze %dma_start3A_186 : memref<1x64xi32, #tpu.memory_space<vmem>> -> memref<64xi32, #tpu.memory_space<vmem>>
          %dma_start3A_188 = arith.constant 0 : i32
          %dma_start3A_189 = arith.constant 0 : i32
          %dma_start3A_190 = tpu.memref_slice %arg12[%dma_start3A_188, %dma_start3A_189] : memref<10240x128xf32, #tpu.memory_space<vmem_shared>> -> memref<10240x128xf32, #tpu.memory_space<vmem_shared>>
          tpu.enqueue_indirect_dma source(%arg8 : memref<64x128xf32, #tpu.memory_space<vmem>>) target(%dma_start3A_190 : memref<10240x128xf32, #tpu.memory_space<vmem_shared>>) offsets(%dma_start3A_187 : memref<64xi32, #tpu.memory_space<vmem>>) semaphore(%run_scoped3A : memref<!tpu.dma_semaphore, #tpu.memory_space<semaphore_mem>>) {add = true}
          %dma_wait3A_191 = arith.constant 0 : i32
          %dma_wait3A_192 = tpu.memref_slice %arg7[%add3A_109, %dma_wait3A_191] : memref<16x64xi32, #tpu.memory_space<vmem>> -> memref<1x64xi32, #tpu.memory_space<vmem>>
          %dma_wait3A_193 = tpu.memref_squeeze %dma_wait3A_192 : memref<1x64xi32, #tpu.memory_space<vmem>> -> memref<64xi32, #tpu.memory_space<vmem>>
          %dma_wait3A_194 = arith.constant 0 : i32
          %dma_wait3A_195 = arith.constant 0 : i32
          %dma_wait3A_196 = tpu.memref_slice %arg12[%dma_wait3A_194, %dma_wait3A_195] : memref<10240x128xf32, #tpu.memory_space<vmem_shared>> -> memref<10240x128xf32, #tpu.memory_space<vmem_shared>>
          tpu.wait_indirect_dma semaphore(%run_scoped3A : memref<!tpu.dma_semaphore, #tpu.memory_space<semaphore_mem>>) src(%arg8 : memref<64x128xf32, #tpu.memory_space<vmem>>) dst(%dma_wait3A_196 : memref<10240x128xf32, #tpu.memory_space<vmem_shared>>)
          tpu.yield
        }) : () -> ()
        %add3A_110 = arith.constant 0 : i32
        %add3A_111 = arith.addi %add3A_96, %add3A_110 : i32
        %add3A_112 = arith.constant 4 : i32
        %add3A_113 = arith.addi %add3A_111, %add3A_112 : i32
        %lt3A = arith.constant 16 : i32
        %lt3A_114 = arith.cmpi slt, %add3A_113, %lt3A : i32
        %convert_element_type3A = arith.extui %lt3A_114 : i1 to i32
        %cond3A = arith.constant 0 : i32
        %cond3A_115 = arith.cmpi ne, %convert_element_type3A, %cond3A : i32
        scf.if %cond3A_115 {
          %add3A_185 = arith.constant 0 : i32
          %add3A_186 = arith.addi %add3A_96, %add3A_185 : i32
          %add3A_187 = arith.constant 4 : i32
          %add3A_188 = arith.addi %add3A_186, %add3A_187 : i32
          %dma_start3A_189 = arith.constant 0 : i32
          %dma_start3A_190 = tpu.memref_slice %arg6[%add3A_188, %dma_start3A_189] : memref<16x64xi32, #tpu.memory_space<vmem>> -> memref<1x64xi32, #tpu.memory_space<vmem>>
          %dma_start3A_191 = tpu.memref_squeeze %dma_start3A_190 : memref<1x64xi32, #tpu.memory_space<vmem>> -> memref<64xi32, #tpu.memory_space<vmem>>
          %dma_start3A_192 = arith.constant 0 : i32
          %dma_start3A_193 = arith.constant 0 : i32
          %dma_start3A_194 = tpu.memref_slice %arg2[%arg0, %dma_start3A_192, %dma_start3A_193] : memref<2x10240x128xf32, #tpu.memory_space<hbm>> -> memref<1x10240x128xf32, #tpu.memory_space<hbm>>
          %dma_start3A_195 = tpu.memref_squeeze %dma_start3A_194 : memref<1x10240x128xf32, #tpu.memory_space<hbm>> -> memref<10240x128xf32, #tpu.memory_space<hbm>>
          %dma_start3A_196 = arith.constant 0 : i32
          %dma_start3A_197 = arith.constant 0 : i32
          %dma_start3A_198 = tpu.memref_slice %dma_start3A_195[%dma_start3A_196, %dma_start3A_197] : memref<10240x128xf32, #tpu.memory_space<hbm>> -> memref<10240x128xf32, #tpu.memory_space<hbm>>
          tpu.enqueue_indirect_dma source(%dma_start3A_198 : memref<10240x128xf32, #tpu.memory_space<hbm>>) target(%arg8 : memref<64x128xf32, #tpu.memory_space<vmem>>) offsets(%dma_start3A_191 : memref<64xi32, #tpu.memory_space<vmem>>) semaphore(%arg13 : memref<!tpu.dma_semaphore, #tpu.memory_space<semaphore_mem>>)
        } else {
        }
        %add3A_116 = arith.constant 1 : i32
        %add3A_117 = arith.addi %add3A_96, %add3A_116 : i32
        %dma_wait3A_118 = arith.constant 0 : i32
        %dma_wait3A_119 = tpu.memref_slice %arg6[%add3A_117, %dma_wait3A_118] : memref<16x64xi32, #tpu.memory_space<vmem>> -> memref<1x64xi32, #tpu.memory_space<vmem>>
        %dma_wait3A_120 = tpu.memref_squeeze %dma_wait3A_119 : memref<1x64xi32, #tpu.memory_space<vmem>> -> memref<64xi32, #tpu.memory_space<vmem>>
        %dma_wait3A_121 = arith.constant 0 : i32
        %dma_wait3A_122 = arith.constant 0 : i32
        %dma_wait3A_123 = tpu.memref_slice %arg2[%arg0, %dma_wait3A_121, %dma_wait3A_122] : memref<2x10240x128xf32, #tpu.memory_space<hbm>> -> memref<1x10240x128xf32, #tpu.memory_space<hbm>>
        %dma_wait3A_124 = tpu.memref_squeeze %dma_wait3A_123 : memref<1x10240x128xf32, #tpu.memory_space<hbm>> -> memref<10240x128xf32, #tpu.memory_space<hbm>>
        %dma_wait3A_125 = arith.constant 0 : i32
        %dma_wait3A_126 = arith.constant 0 : i32
        %dma_wait3A_127 = tpu.memref_slice %dma_wait3A_124[%dma_wait3A_125, %dma_wait3A_126] : memref<10240x128xf32, #tpu.memory_space<hbm>> -> memref<10240x128xf32, #tpu.memory_space<hbm>>
        tpu.wait_indirect_dma semaphore(%arg14 : memref<!tpu.dma_semaphore, #tpu.memory_space<semaphore_mem>>) src(%dma_wait3A_127 : memref<10240x128xf32, #tpu.memory_space<hbm>>) dst(%arg9 : memref<64x128xf32, #tpu.memory_space<vmem>>)
        %add3A_128 = arith.constant 1 : i32
        %add3A_129 = arith.addi %add3A_96, %add3A_128 : i32
        "tpu.region"() ({
          %run_scoped3A = tpu.sem_alloc : memref<!tpu.dma_semaphore, #tpu.memory_space<semaphore_mem>>
          %dma_start3A_185 = arith.constant 0 : i32
          %dma_start3A_186 = tpu.memref_slice %arg7[%add3A_129, %dma_start3A_185] : memref<16x64xi32, #tpu.memory_space<vmem>> -> memref<1x64xi32, #tpu.memory_space<vmem>>
          %dma_start3A_187 = tpu.memref_squeeze %dma_start3A_186 : memref<1x64xi32, #tpu.memory_space<vmem>> -> memref<64xi32, #tpu.memory_space<vmem>>
          %dma_start3A_188 = arith.constant 0 : i32
          %dma_start3A_189 = arith.constant 0 : i32
          %dma_start3A_190 = tpu.memref_slice %arg12[%dma_start3A_188, %dma_start3A_189] : memref<10240x128xf32, #tpu.memory_space<vmem_shared>> -> memref<10240x128xf32, #tpu.memory_space<vmem_shared>>
          tpu.enqueue_indirect_dma source(%arg9 : memref<64x128xf32, #tpu.memory_space<vmem>>) target(%dma_start3A_190 : memref<10240x128xf32, #tpu.memory_space<vmem_shared>>) offsets(%dma_start3A_187 : memref<64xi32, #tpu.memory_space<vmem>>) semaphore(%run_scoped3A : memref<!tpu.dma_semaphore, #tpu.memory_space<semaphore_mem>>) {add = true}
          %dma_wait3A_191 = arith.constant 0 : i32
          %dma_wait3A_192 = tpu.memref_slice %arg7[%add3A_129, %dma_wait3A_191] : memref<16x64xi32, #tpu.memory_space<vmem>> -> memref<1x64xi32, #tpu.memory_space<vmem>>
          %dma_wait3A_193 = tpu.memref_squeeze %dma_wait3A_192 : memref<1x64xi32, #tpu.memory_space<vmem>> -> memref<64xi32, #tpu.memory_space<vmem>>
          %dma_wait3A_194 = arith.constant 0 : i32
          %dma_wait3A_195 = arith.constant 0 : i32
          %dma_wait3A_196 = tpu.memref_slice %arg12[%dma_wait3A_194, %dma_wait3A_195] : memref<10240x128xf32, #tpu.memory_space<vmem_shared>> -> memref<10240x128xf32, #tpu.memory_space<vmem_shared>>
          tpu.wait_indirect_dma semaphore(%run_scoped3A : memref<!tpu.dma_semaphore, #tpu.memory_space<semaphore_mem>>) src(%arg9 : memref<64x128xf32, #tpu.memory_space<vmem>>) dst(%dma_wait3A_196 : memref<10240x128xf32, #tpu.memory_space<vmem_shared>>)
          tpu.yield
        }) : () -> ()
        %add3A_130 = arith.constant 1 : i32
        %add3A_131 = arith.addi %add3A_96, %add3A_130 : i32
        %add3A_132 = arith.constant 4 : i32
        %add3A_133 = arith.addi %add3A_131, %add3A_132 : i32
        %lt3A_134 = arith.constant 16 : i32
        %lt3A_135 = arith.cmpi slt, %add3A_133, %lt3A_134 : i32
        %convert_element_type3A_136 = arith.extui %lt3A_135 : i1 to i32
        %cond3A_137 = arith.constant 0 : i32
        %cond3A_138 = arith.cmpi ne, %convert_element_type3A_136, %cond3A_137 : i32
        scf.if %cond3A_138 {
          %add3A_185 = arith.constant 1 : i32
          %add3A_186 = arith.addi %add3A_96, %add3A_185 : i32
          %add3A_187 = arith.constant 4 : i32
          %add3A_188 = arith.addi %add3A_186, %add3A_187 : i32
          %dma_start3A_189 = arith.constant 0 : i32
          %dma_start3A_190 = tpu.memref_slice %arg6[%add3A_188, %dma_start3A_189] : memref<16x64xi32, #tpu.memory_space<vmem>> -> memref<1x64xi32, #tpu.memory_space<vmem>>
          %dma_start3A_191 = tpu.memref_squeeze %dma_start3A_190 : memref<1x64xi32, #tpu.memory_space<vmem>> -> memref<64xi32, #tpu.memory_space<vmem>>
          %dma_start3A_192 = arith.constant 0 : i32
          %dma_start3A_193 = arith.constant 0 : i32
          %dma_start3A_194 = tpu.memref_slice %arg2[%arg0, %dma_start3A_192, %dma_start3A_193] : memref<2x10240x128xf32, #tpu.memory_space<hbm>> -> memref<1x10240x128xf32, #tpu.memory_space<hbm>>
          %dma_start3A_195 = tpu.memref_squeeze %dma_start3A_194 : memref<1x10240x128xf32, #tpu.memory_space<hbm>> -> memref<10240x128xf32, #tpu.memory_space<hbm>>
          %dma_start3A_196 = arith.constant 0 : i32
          %dma_start3A_197 = arith.constant 0 : i32
          %dma_start3A_198 = tpu.memref_slice %dma_start3A_195[%dma_start3A_196, %dma_start3A_197] : memref<10240x128xf32, #tpu.memory_space<hbm>> -> memref<10240x128xf32, #tpu.memory_space<hbm>>
          tpu.enqueue_indirect_dma source(%dma_start3A_198 : memref<10240x128xf32, #tpu.memory_space<hbm>>) target(%arg9 : memref<64x128xf32, #tpu.memory_space<vmem>>) offsets(%dma_start3A_191 : memref<64xi32, #tpu.memory_space<vmem>>) semaphore(%arg14 : memref<!tpu.dma_semaphore, #tpu.memory_space<semaphore_mem>>)
        } else {
        }
        %add3A_139 = arith.constant 2 : i32
        %add3A_140 = arith.addi %add3A_96, %add3A_139 : i32
        %dma_wait3A_141 = arith.constant 0 : i32
        %dma_wait3A_142 = tpu.memref_slice %arg6[%add3A_140, %dma_wait3A_141] : memref<16x64xi32, #tpu.memory_space<vmem>> -> memref<1x64xi32, #tpu.memory_space<vmem>>
        %dma_wait3A_143 = tpu.memref_squeeze %dma_wait3A_142 : memref<1x64xi32, #tpu.memory_space<vmem>> -> memref<64xi32, #tpu.memory_space<vmem>>
        %dma_wait3A_144 = arith.constant 0 : i32
        %dma_wait3A_145 = arith.constant 0 : i32
        %dma_wait3A_146 = tpu.memref_slice %arg2[%arg0, %dma_wait3A_144, %dma_wait3A_145] : memref<2x10240x128xf32, #tpu.memory_space<hbm>> -> memref<1x10240x128xf32, #tpu.memory_space<hbm>>
        %dma_wait3A_147 = tpu.memref_squeeze %dma_wait3A_146 : memref<1x10240x128xf32, #tpu.memory_space<hbm>> -> memref<10240x128xf32, #tpu.memory_space<hbm>>
        %dma_wait3A_148 = arith.constant 0 : i32
        %dma_wait3A_149 = arith.constant 0 : i32
        %dma_wait3A_150 = tpu.memref_slice %dma_wait3A_147[%dma_wait3A_148, %dma_wait3A_149] : memref<10240x128xf32, #tpu.memory_space<hbm>> -> memref<10240x128xf32, #tpu.memory_space<hbm>>
        tpu.wait_indirect_dma semaphore(%arg15 : memref<!tpu.dma_semaphore, #tpu.memory_space<semaphore_mem>>) src(%dma_wait3A_150 : memref<10240x128xf32, #tpu.memory_space<hbm>>) dst(%arg10 : memref<64x128xf32, #tpu.memory_space<vmem>>)
        %add3A_151 = arith.constant 2 : i32
        %add3A_152 = arith.addi %add3A_96, %add3A_151 : i32
        "tpu.region"() ({
          %run_scoped3A = tpu.sem_alloc : memref<!tpu.dma_semaphore, #tpu.memory_space<semaphore_mem>>
          %dma_start3A_185 = arith.constant 0 : i32
          %dma_start3A_186 = tpu.memref_slice %arg7[%add3A_152, %dma_start3A_185] : memref<16x64xi32, #tpu.memory_space<vmem>> -> memref<1x64xi32, #tpu.memory_space<vmem>>
          %dma_start3A_187 = tpu.memref_squeeze %dma_start3A_186 : memref<1x64xi32, #tpu.memory_space<vmem>> -> memref<64xi32, #tpu.memory_space<vmem>>
          %dma_start3A_188 = arith.constant 0 : i32
          %dma_start3A_189 = arith.constant 0 : i32
          %dma_start3A_190 = tpu.memref_slice %arg12[%dma_start3A_188, %dma_start3A_189] : memref<10240x128xf32, #tpu.memory_space<vmem_shared>> -> memref<10240x128xf32, #tpu.memory_space<vmem_shared>>
          tpu.enqueue_indirect_dma source(%arg10 : memref<64x128xf32, #tpu.memory_space<vmem>>) target(%dma_start3A_190 : memref<10240x128xf32, #tpu.memory_space<vmem_shared>>) offsets(%dma_start3A_187 : memref<64xi32, #tpu.memory_space<vmem>>) semaphore(%run_scoped3A : memref<!tpu.dma_semaphore, #tpu.memory_space<semaphore_mem>>) {add = true}
          %dma_wait3A_191 = arith.constant 0 : i32
          %dma_wait3A_192 = tpu.memref_slice %arg7[%add3A_152, %dma_wait3A_191] : memref<16x64xi32, #tpu.memory_space<vmem>> -> memref<1x64xi32, #tpu.memory_space<vmem>>
          %dma_wait3A_193 = tpu.memref_squeeze %dma_wait3A_192 : memref<1x64xi32, #tpu.memory_space<vmem>> -> memref<64xi32, #tpu.memory_space<vmem>>
          %dma_wait3A_194 = arith.constant 0 : i32
          %dma_wait3A_195 = arith.constant 0 : i32
          %dma_wait3A_196 = tpu.memref_slice %arg12[%dma_wait3A_194, %dma_wait3A_195] : memref<10240x128xf32, #tpu.memory_space<vmem_shared>> -> memref<10240x128xf32, #tpu.memory_space<vmem_shared>>
          tpu.wait_indirect_dma semaphore(%run_scoped3A : memref<!tpu.dma_semaphore, #tpu.memory_space<semaphore_mem>>) src(%arg10 : memref<64x128xf32, #tpu.memory_space<vmem>>) dst(%dma_wait3A_196 : memref<10240x128xf32, #tpu.memory_space<vmem_shared>>)
          tpu.yield
        }) : () -> ()
        %add3A_153 = arith.constant 2 : i32
        %add3A_154 = arith.addi %add3A_96, %add3A_153 : i32
        %add3A_155 = arith.constant 4 : i32
        %add3A_156 = arith.addi %add3A_154, %add3A_155 : i32
        %lt3A_157 = arith.constant 16 : i32
        %lt3A_158 = arith.cmpi slt, %add3A_156, %lt3A_157 : i32
        %convert_element_type3A_159 = arith.extui %lt3A_158 : i1 to i32
        %cond3A_160 = arith.constant 0 : i32
        %cond3A_161 = arith.cmpi ne, %convert_element_type3A_159, %cond3A_160 : i32
        scf.if %cond3A_161 {
          %add3A_185 = arith.constant 2 : i32
          %add3A_186 = arith.addi %add3A_96, %add3A_185 : i32
          %add3A_187 = arith.constant 4 : i32
          %add3A_188 = arith.addi %add3A_186, %add3A_187 : i32
          %dma_start3A_189 = arith.constant 0 : i32
          %dma_start3A_190 = tpu.memref_slice %arg6[%add3A_188, %dma_start3A_189] : memref<16x64xi32, #tpu.memory_space<vmem>> -> memref<1x64xi32, #tpu.memory_space<vmem>>
          %dma_start3A_191 = tpu.memref_squeeze %dma_start3A_190 : memref<1x64xi32, #tpu.memory_space<vmem>> -> memref<64xi32, #tpu.memory_space<vmem>>
          %dma_start3A_192 = arith.constant 0 : i32
          %dma_start3A_193 = arith.constant 0 : i32
          %dma_start3A_194 = tpu.memref_slice %arg2[%arg0, %dma_start3A_192, %dma_start3A_193] : memref<2x10240x128xf32, #tpu.memory_space<hbm>> -> memref<1x10240x128xf32, #tpu.memory_space<hbm>>
          %dma_start3A_195 = tpu.memref_squeeze %dma_start3A_194 : memref<1x10240x128xf32, #tpu.memory_space<hbm>> -> memref<10240x128xf32, #tpu.memory_space<hbm>>
          %dma_start3A_196 = arith.constant 0 : i32
          %dma_start3A_197 = arith.constant 0 : i32
          %dma_start3A_198 = tpu.memref_slice %dma_start3A_195[%dma_start3A_196, %dma_start3A_197] : memref<10240x128xf32, #tpu.memory_space<hbm>> -> memref<10240x128xf32, #tpu.memory_space<hbm>>
          tpu.enqueue_indirect_dma source(%dma_start3A_198 : memref<10240x128xf32, #tpu.memory_space<hbm>>) target(%arg10 : memref<64x128xf32, #tpu.memory_space<vmem>>) offsets(%dma_start3A_191 : memref<64xi32, #tpu.memory_space<vmem>>) semaphore(%arg15 : memref<!tpu.dma_semaphore, #tpu.memory_space<semaphore_mem>>)
        } else {
        }
        %add3A_162 = arith.constant 3 : i32
        %add3A_163 = arith.addi %add3A_96, %add3A_162 : i32
        %dma_wait3A_164 = arith.constant 0 : i32
        %dma_wait3A_165 = tpu.memref_slice %arg6[%add3A_163, %dma_wait3A_164] : memref<16x64xi32, #tpu.memory_space<vmem>> -> memref<1x64xi32, #tpu.memory_space<vmem>>
        %dma_wait3A_166 = tpu.memref_squeeze %dma_wait3A_165 : memref<1x64xi32, #tpu.memory_space<vmem>> -> memref<64xi32, #tpu.memory_space<vmem>>
        %dma_wait3A_167 = arith.constant 0 : i32
        %dma_wait3A_168 = arith.constant 0 : i32
        %dma_wait3A_169 = tpu.memref_slice %arg2[%arg0, %dma_wait3A_167, %dma_wait3A_168] : memref<2x10240x128xf32, #tpu.memory_space<hbm>> -> memref<1x10240x128xf32, #tpu.memory_space<hbm>>
        %dma_wait3A_170 = tpu.memref_squeeze %dma_wait3A_169 : memref<1x10240x128xf32, #tpu.memory_space<hbm>> -> memref<10240x128xf32, #tpu.memory_space<hbm>>
        %dma_wait3A_171 = arith.constant 0 : i32
        %dma_wait3A_172 = arith.constant 0 : i32
        %dma_wait3A_173 = tpu.memref_slice %dma_wait3A_170[%dma_wait3A_171, %dma_wait3A_172] : memref<10240x128xf32, #tpu.memory_space<hbm>> -> memref<10240x128xf32, #tpu.memory_space<hbm>>
        tpu.wait_indirect_dma semaphore(%arg16 : memref<!tpu.dma_semaphore, #tpu.memory_space<semaphore_mem>>) src(%dma_wait3A_173 : memref<10240x128xf32, #tpu.memory_space<hbm>>) dst(%arg11 : memref<64x128xf32, #tpu.memory_space<vmem>>)
        %add3A_174 = arith.constant 3 : i32
        %add3A_175 = arith.addi %add3A_96, %add3A_174 : i32
        "tpu.region"() ({
          %run_scoped3A = tpu.sem_alloc : memref<!tpu.dma_semaphore, #tpu.memory_space<semaphore_mem>>
          %dma_start3A_185 = arith.constant 0 : i32
          %dma_start3A_186 = tpu.memref_slice %arg7[%add3A_175, %dma_start3A_185] : memref<16x64xi32, #tpu.memory_space<vmem>> -> memref<1x64xi32, #tpu.memory_space<vmem>>
          %dma_start3A_187 = tpu.memref_squeeze %dma_start3A_186 : memref<1x64xi32, #tpu.memory_space<vmem>> -> memref<64xi32, #tpu.memory_space<vmem>>
          %dma_start3A_188 = arith.constant 0 : i32
          %dma_start3A_189 = arith.constant 0 : i32
          %dma_start3A_190 = tpu.memref_slice %arg12[%dma_start3A_188, %dma_start3A_189] : memref<10240x128xf32, #tpu.memory_space<vmem_shared>> -> memref<10240x128xf32, #tpu.memory_space<vmem_shared>>
          tpu.enqueue_indirect_dma source(%arg11 : memref<64x128xf32, #tpu.memory_space<vmem>>) target(%dma_start3A_190 : memref<10240x128xf32, #tpu.memory_space<vmem_shared>>) offsets(%dma_start3A_187 : memref<64xi32, #tpu.memory_space<vmem>>) semaphore(%run_scoped3A : memref<!tpu.dma_semaphore, #tpu.memory_space<semaphore_mem>>) {add = true}
          %dma_wait3A_191 = arith.constant 0 : i32
          %dma_wait3A_192 = tpu.memref_slice %arg7[%add3A_175, %dma_wait3A_191] : memref<16x64xi32, #tpu.memory_space<vmem>> -> memref<1x64xi32, #tpu.memory_space<vmem>>
          %dma_wait3A_193 = tpu.memref_squeeze %dma_wait3A_192 : memref<1x64xi32, #tpu.memory_space<vmem>> -> memref<64xi32, #tpu.memory_space<vmem>>
          %dma_wait3A_194 = arith.constant 0 : i32
          %dma_wait3A_195 = arith.constant 0 : i32
          %dma_wait3A_196 = tpu.memref_slice %arg12[%dma_wait3A_194, %dma_wait3A_195] : memref<10240x128xf32, #tpu.memory_space<vmem_shared>> -> memref<10240x128xf32, #tpu.memory_space<vmem_shared>>
          tpu.wait_indirect_dma semaphore(%run_scoped3A : memref<!tpu.dma_semaphore, #tpu.memory_space<semaphore_mem>>) src(%arg11 : memref<64x128xf32, #tpu.memory_space<vmem>>) dst(%dma_wait3A_196 : memref<10240x128xf32, #tpu.memory_space<vmem_shared>>)
          tpu.yield
        }) : () -> ()
        %add3A_176 = arith.constant 3 : i32
        %add3A_177 = arith.addi %add3A_96, %add3A_176 : i32
        %add3A_178 = arith.constant 4 : i32
        %add3A_179 = arith.addi %add3A_177, %add3A_178 : i32
        %lt3A_180 = arith.constant 16 : i32
        %lt3A_181 = arith.cmpi slt, %add3A_179, %lt3A_180 : i32
        %convert_element_type3A_182 = arith.extui %lt3A_181 : i1 to i32
        %cond3A_183 = arith.constant 0 : i32
        %cond3A_184 = arith.cmpi ne, %convert_element_type3A_182, %cond3A_183 : i32
        scf.if %cond3A_184 {
          %add3A_185 = arith.constant 3 : i32
          %add3A_186 = arith.addi %add3A_96, %add3A_185 : i32
          %add3A_187 = arith.constant 4 : i32
          %add3A_188 = arith.addi %add3A_186, %add3A_187 : i32
          %dma_start3A_189 = arith.constant 0 : i32
          %dma_start3A_190 = tpu.memref_slice %arg6[%add3A_188, %dma_start3A_189] : memref<16x64xi32, #tpu.memory_space<vmem>> -> memref<1x64xi32, #tpu.memory_space<vmem>>
          %dma_start3A_191 = tpu.memref_squeeze %dma_start3A_190 : memref<1x64xi32, #tpu.memory_space<vmem>> -> memref<64xi32, #tpu.memory_space<vmem>>
          %dma_start3A_192 = arith.constant 0 : i32
          %dma_start3A_193 = arith.constant 0 : i32
          %dma_start3A_194 = tpu.memref_slice %arg2[%arg0, %dma_start3A_192, %dma_start3A_193] : memref<2x10240x128xf32, #tpu.memory_space<hbm>> -> memref<1x10240x128xf32, #tpu.memory_space<hbm>>
          %dma_start3A_195 = tpu.memref_squeeze %dma_start3A_194 : memref<1x10240x128xf32, #tpu.memory_space<hbm>> -> memref<10240x128xf32, #tpu.memory_space<hbm>>
          %dma_start3A_196 = arith.constant 0 : i32
          %dma_start3A_197 = arith.constant 0 : i32
          %dma_start3A_198 = tpu.memref_slice %dma_start3A_195[%dma_start3A_196, %dma_start3A_197] : memref<10240x128xf32, #tpu.memory_space<hbm>> -> memref<10240x128xf32, #tpu.memory_space<hbm>>
          tpu.enqueue_indirect_dma source(%dma_start3A_198 : memref<10240x128xf32, #tpu.memory_space<hbm>>) target(%arg11 : memref<64x128xf32, #tpu.memory_space<vmem>>) offsets(%dma_start3A_191 : memref<64xi32, #tpu.memory_space<vmem>>) semaphore(%arg16 : memref<!tpu.dma_semaphore, #tpu.memory_space<semaphore_mem>>)
        } else {
        }
      }
      %scan3A_91 = arith.constant 4 : i32
    }
    %while3A_33 = arith.constant 1 : i32
    scf.for %while3A_39 = %while3A_31 to %while3A_27 step %while3A_33  : i32 {
      %mul3A_40 = arith.muli %while3A_39, %while3A : i32
      %add3A_41 = arith.addi %while3A_24, %mul3A_40 : i32
      %add3A_42 = arith.addi %select_n3A, %add3A_41 : i32
      "tpu.region"() ({
        %run_scoped3A = tpu.sem_alloc : memref<!tpu.dma_semaphore, #tpu.memory_space<semaphore_mem>>
        %dma_start3A_92 = arith.constant 0 : i32
        %dma_start3A_93 = tpu.memref_slice %arg3[%add3A_42, %dma_start3A_92] : memref<5120x64xi32, #tpu.memory_space<hbm>> -> memref<16x64xi32, #tpu.memory_space<hbm>>
        %dma_start3A_94 = arith.constant 0 : i32
        %dma_start3A_95 = tpu.memref_slice %arg3[%add3A_42, %dma_start3A_94] : memref<5120x64xi32, #tpu.memory_space<hbm>> -> memref<16x64xi32, #tpu.memory_space<hbm>>
        tpu.enqueue_dma source(%dma_start3A_95 : memref<16x64xi32, #tpu.memory_space<hbm>>) target(%arg6 : memref<16x64xi32, #tpu.memory_space<vmem>>) target_semaphore(%run_scoped3A : memref<!tpu.dma_semaphore, #tpu.memory_space<semaphore_mem>>)
        %dma_wait3A = arith.constant 0 : i32
        %dma_wait3A_96 = tpu.memref_slice %arg3[%add3A_42, %dma_wait3A] : memref<5120x64xi32, #tpu.memory_space<hbm>> -> memref<16x64xi32, #tpu.memory_space<hbm>>
        %dma_wait3A_97 = arith.constant 0 : i32
        %dma_wait3A_98 = tpu.memref_slice %arg3[%add3A_42, %dma_wait3A_97] : memref<5120x64xi32, #tpu.memory_space<hbm>> -> memref<16x64xi32, #tpu.memory_space<hbm>>
        tpu.wait_dma2 semaphore(%run_scoped3A : memref<!tpu.dma_semaphore, #tpu.memory_space<semaphore_mem>>) src(%dma_wait3A_98 : memref<16x64xi32, #tpu.memory_space<hbm>>) dst(%arg6 : memref<16x64xi32, #tpu.memory_space<vmem>>)
        tpu.yield
      }) : () -> ()
      %add3A_43 = arith.addi %select_n3A, %add3A_41 : i32
      "tpu.region"() ({
        %run_scoped3A = tpu.sem_alloc : memref<!tpu.dma_semaphore, #tpu.memory_space<semaphore_mem>>
        %dma_start3A_92 = arith.constant 0 : i32
        %dma_start3A_93 = tpu.memref_slice %arg4[%add3A_43, %dma_start3A_92] : memref<5120x64xi32, #tpu.memory_space<hbm>> -> memref<16x64xi32, #tpu.memory_space<hbm>>
        %dma_start3A_94 = arith.constant 0 : i32
        %dma_start3A_95 = tpu.memref_slice %arg4[%add3A_43, %dma_start3A_94] : memref<5120x64xi32, #tpu.memory_space<hbm>> -> memref<16x64xi32, #tpu.memory_space<hbm>>
        tpu.enqueue_dma source(%dma_start3A_95 : memref<16x64xi32, #tpu.memory_space<hbm>>) target(%arg7 : memref<16x64xi32, #tpu.memory_space<vmem>>) target_semaphore(%run_scoped3A : memref<!tpu.dma_semaphore, #tpu.memory_space<semaphore_mem>>)
        %dma_wait3A = arith.constant 0 : i32
        %dma_wait3A_96 = tpu.memref_slice %arg4[%add3A_43, %dma_wait3A] : memref<5120x64xi32, #tpu.memory_space<hbm>> -> memref<16x64xi32, #tpu.memory_space<hbm>>
        %dma_wait3A_97 = arith.constant 0 : i32
        %dma_wait3A_98 = tpu.memref_slice %arg4[%add3A_43, %dma_wait3A_97] : memref<5120x64xi32, #tpu.memory_space<hbm>> -> memref<16x64xi32, #tpu.memory_space<hbm>>
        tpu.wait_dma2 semaphore(%run_scoped3A : memref<!tpu.dma_semaphore, #tpu.memory_space<semaphore_mem>>) src(%dma_wait3A_98 : memref<16x64xi32, #tpu.memory_space<hbm>>) dst(%arg7 : memref<16x64xi32, #tpu.memory_space<vmem>>)
        tpu.yield
      }) : () -> ()
      %dma_start3A = arith.constant 0 : i32
      %dma_start3A_44 = arith.constant 0 : i32
      %dma_start3A_45 = tpu.memref_slice %arg6[%dma_start3A, %dma_start3A_44] : memref<16x64xi32, #tpu.memory_space<vmem>> -> memref<1x64xi32, #tpu.memory_space<vmem>>
      %dma_start3A_46 = tpu.memref_squeeze %dma_start3A_45 : memref<1x64xi32, #tpu.memory_space<vmem>> -> memref<64xi32, #tpu.memory_space<vmem>>
      %dma_start3A_47 = arith.constant 0 : i32
      %dma_start3A_48 = arith.constant 0 : i32
      %dma_start3A_49 = tpu.memref_slice %arg2[%arg0, %dma_start3A_47, %dma_start3A_48] : memref<2x10240x128xf32, #tpu.memory_space<hbm>> -> memref<1x10240x128xf32, #tpu.memory_space<hbm>>
      %dma_start3A_50 = tpu.memref_squeeze %dma_start3A_49 : memref<1x10240x128xf32, #tpu.memory_space<hbm>> -> memref<10240x128xf32, #tpu.memory_space<hbm>>
      %dma_start3A_51 = arith.constant 0 : i32
      %dma_start3A_52 = arith.constant 0 : i32
      %dma_start3A_53 = tpu.memref_slice %dma_start3A_50[%dma_start3A_51, %dma_start3A_52] : memref<10240x128xf32, #tpu.memory_space<hbm>> -> memref<10240x128xf32, #tpu.memory_space<hbm>>
      tpu.enqueue_indirect_dma source(%dma_start3A_53 : memref<10240x128xf32, #tpu.memory_space<hbm>>) target(%arg8 : memref<64x128xf32, #tpu.memory_space<vmem>>) offsets(%dma_start3A_46 : memref<64xi32, #tpu.memory_space<vmem>>) semaphore(%arg13 : memref<!tpu.dma_semaphore, #tpu.memory_space<semaphore_mem>>)
      %dma_start3A_54 = arith.constant 1 : i32
      %dma_start3A_55 = arith.constant 0 : i32
      %dma_start3A_56 = tpu.memref_slice %arg6[%dma_start3A_54, %dma_start3A_55] : memref<16x64xi32, #tpu.memory_space<vmem>> -> memref<1x64xi32, #tpu.memory_space<vmem>>
      %dma_start3A_57 = tpu.memref_squeeze %dma_start3A_56 : memref<1x64xi32, #tpu.memory_space<vmem>> -> memref<64xi32, #tpu.memory_space<vmem>>
      %dma_start3A_58 = arith.constant 0 : i32
      %dma_start3A_59 = arith.constant 0 : i32
      %dma_start3A_60 = tpu.memref_slice %arg2[%arg0, %dma_start3A_58, %dma_start3A_59] : memref<2x10240x128xf32, #tpu.memory_space<hbm>> -> memref<1x10240x128xf32, #tpu.memory_space<hbm>>
      %dma_start3A_61 = tpu.memref_squeeze %dma_start3A_60 : memref<1x10240x128xf32, #tpu.memory_space<hbm>> -> memref<10240x128xf32, #tpu.memory_space<hbm>>
      %dma_start3A_62 = arith.constant 0 : i32
      %dma_start3A_63 = arith.constant 0 : i32
      %dma_start3A_64 = tpu.memref_slice %dma_start3A_61[%dma_start3A_62, %dma_start3A_63] : memref<10240x128xf32, #tpu.memory_space<hbm>> -> memref<10240x128xf32, #tpu.memory_space<hbm>>
      tpu.enqueue_indirect_dma source(%dma_start3A_64 : memref<10240x128xf32, #tpu.memory_space<hbm>>) target(%arg9 : memref<64x128xf32, #tpu.memory_space<vmem>>) offsets(%dma_start3A_57 : memref<64xi32, #tpu.memory_space<vmem>>) semaphore(%arg14 : memref<!tpu.dma_semaphore, #tpu.memory_space<semaphore_mem>>)
      %dma_start3A_65 = arith.constant 2 : i32
      %dma_start3A_66 = arith.constant 0 : i32
      %dma_start3A_67 = tpu.memref_slice %arg6[%dma_start3A_65, %dma_start3A_66] : memref<16x64xi32, #tpu.memory_space<vmem>> -> memref<1x64xi32, #tpu.memory_space<vmem>>
      %dma_start3A_68 = tpu.memref_squeeze %dma_start3A_67 : memref<1x64xi32, #tpu.memory_space<vmem>> -> memref<64xi32, #tpu.memory_space<vmem>>
      %dma_start3A_69 = arith.constant 0 : i32
      %dma_start3A_70 = arith.constant 0 : i32
      %dma_start3A_71 = tpu.memref_slice %arg2[%arg0, %dma_start3A_69, %dma_start3A_70] : memref<2x10240x128xf32, #tpu.memory_space<hbm>> -> memref<1x10240x128xf32, #tpu.memory_space<hbm>>
      %dma_start3A_72 = tpu.memref_squeeze %dma_start3A_71 : memref<1x10240x128xf32, #tpu.memory_space<hbm>> -> memref<10240x128xf32, #tpu.memory_space<hbm>>
      %dma_start3A_73 = arith.constant 0 : i32
      %dma_start3A_74 = arith.constant 0 : i32
      %dma_start3A_75 = tpu.memref_slice %dma_start3A_72[%dma_start3A_73, %dma_start3A_74] : memref<10240x128xf32, #tpu.memory_space<hbm>> -> memref<10240x128xf32, #tpu.memory_space<hbm>>
      tpu.enqueue_indirect_dma source(%dma_start3A_75 : memref<10240x128xf32, #tpu.memory_space<hbm>>) target(%arg10 : memref<64x128xf32, #tpu.memory_space<vmem>>) offsets(%dma_start3A_68 : memref<64xi32, #tpu.memory_space<vmem>>) semaphore(%arg15 : memref<!tpu.dma_semaphore, #tpu.memory_space<semaphore_mem>>)
      %dma_start3A_76 = arith.constant 3 : i32
      %dma_start3A_77 = arith.constant 0 : i32
      %dma_start3A_78 = tpu.memref_slice %arg6[%dma_start3A_76, %dma_start3A_77] : memref<16x64xi32, #tpu.memory_space<vmem>> -> memref<1x64xi32, #tpu.memory_space<vmem>>
      %dma_start3A_79 = tpu.memref_squeeze %dma_start3A_78 : memref<1x64xi32, #tpu.memory_space<vmem>> -> memref<64xi32, #tpu.memory_space<vmem>>
      %dma_start3A_80 = arith.constant 0 : i32
      %dma_start3A_81 = arith.constant 0 : i32
      %dma_start3A_82 = tpu.memref_slice %arg2[%arg0, %dma_start3A_80, %dma_start3A_81] : memref<2x10240x128xf32, #tpu.memory_space<hbm>> -> memref<1x10240x128xf32, #tpu.memory_space<hbm>>
      %dma_start3A_83 = tpu.memref_squeeze %dma_start3A_82 : memref<1x10240x128xf32, #tpu.memory_space<hbm>> -> memref<10240x128xf32, #tpu.memory_space<hbm>>
      %dma_start3A_84 = arith.constant 0 : i32
      %dma_start3A_85 = arith.constant 0 : i32
      %dma_start3A_86 = tpu.memref_slice %dma_start3A_83[%dma_start3A_84, %dma_start3A_85] : memref<10240x128xf32, #tpu.memory_space<hbm>> -> memref<10240x128xf32, #tpu.memory_space<hbm>>
      tpu.enqueue_indirect_dma source(%dma_start3A_86 : memref<10240x128xf32, #tpu.memory_space<hbm>>) target(%arg11 : memref<64x128xf32, #tpu.memory_space<vmem>>) offsets(%dma_start3A_79 : memref<64xi32, #tpu.memory_space<vmem>>) semaphore(%arg16 : memref<!tpu.dma_semaphore, #tpu.memory_space<semaphore_mem>>)
      %scan3A_87 = arith.constant 0 : i32
      %scan3A_88 = arith.constant 4 : i32
      %scan3A_89 = arith.addi %scan3A_87, %scan3A_88 : i32
      %scan3A_90 = arith.constant 1 : i32
      scf.for %scan3A_92 = %scan3A_87 to %scan3A_89 step %scan3A_90  : i32 {
        %mul3A_93 = arith.constant 4 : i32
        %mul3A_94 = arith.muli %scan3A_92, %mul3A_93 : i32
        %add3A_95 = arith.constant 0 : i32
        %add3A_96 = arith.addi %add3A_95, %mul3A_94 : i32
        %add3A_97 = arith.constant 0 : i32
        %add3A_98 = arith.addi %add3A_96, %add3A_97 : i32
        %dma_wait3A = arith.constant 0 : i32
        %dma_wait3A_99 = tpu.memref_slice %arg6[%add3A_98, %dma_wait3A] : memref<16x64xi32, #tpu.memory_space<vmem>> -> memref<1x64xi32, #tpu.memory_space<vmem>>
        %dma_wait3A_100 = tpu.memref_squeeze %dma_wait3A_99 : memref<1x64xi32, #tpu.memory_space<vmem>> -> memref<64xi32, #tpu.memory_space<vmem>>
        %dma_wait3A_101 = arith.constant 0 : i32
        %dma_wait3A_102 = arith.constant 0 : i32
        %dma_wait3A_103 = tpu.memref_slice %arg2[%arg0, %dma_wait3A_101, %dma_wait3A_102] : memref<2x10240x128xf32, #tpu.memory_space<hbm>> -> memref<1x10240x128xf32, #tpu.memory_space<hbm>>
        %dma_wait3A_104 = tpu.memref_squeeze %dma_wait3A_103 : memref<1x10240x128xf32, #tpu.memory_space<hbm>> -> memref<10240x128xf32, #tpu.memory_space<hbm>>
        %dma_wait3A_105 = arith.constant 0 : i32
        %dma_wait3A_106 = arith.constant 0 : i32
        %dma_wait3A_107 = tpu.memref_slice %dma_wait3A_104[%dma_wait3A_105, %dma_wait3A_106] : memref<10240x128xf32, #tpu.memory_space<hbm>> -> memref<10240x128xf32, #tpu.memory_space<hbm>>
        tpu.wait_indirect_dma semaphore(%arg13 : memref<!tpu.dma_semaphore, #tpu.memory_space<semaphore_mem>>) src(%dma_wait3A_107 : memref<10240x128xf32, #tpu.memory_space<hbm>>) dst(%arg8 : memref<64x128xf32, #tpu.memory_space<vmem>>)
        %add3A_108 = arith.constant 0 : i32
        %add3A_109 = arith.addi %add3A_96, %add3A_108 : i32
        "tpu.region"() ({
          %run_scoped3A = tpu.sem_alloc : memref<!tpu.dma_semaphore, #tpu.memory_space<semaphore_mem>>
          %dma_start3A_185 = arith.constant 0 : i32
          %dma_start3A_186 = tpu.memref_slice %arg7[%add3A_109, %dma_start3A_185] : memref<16x64xi32, #tpu.memory_space<vmem>> -> memref<1x64xi32, #tpu.memory_space<vmem>>
          %dma_start3A_187 = tpu.memref_squeeze %dma_start3A_186 : memref<1x64xi32, #tpu.memory_space<vmem>> -> memref<64xi32, #tpu.memory_space<vmem>>
          %dma_start3A_188 = arith.constant 0 : i32
          %dma_start3A_189 = arith.constant 0 : i32
          %dma_start3A_190 = tpu.memref_slice %arg12[%dma_start3A_188, %dma_start3A_189] : memref<10240x128xf32, #tpu.memory_space<vmem_shared>> -> memref<10240x128xf32, #tpu.memory_space<vmem_shared>>
          tpu.enqueue_indirect_dma source(%arg8 : memref<64x128xf32, #tpu.memory_space<vmem>>) target(%dma_start3A_190 : memref<10240x128xf32, #tpu.memory_space<vmem_shared>>) offsets(%dma_start3A_187 : memref<64xi32, #tpu.memory_space<vmem>>) semaphore(%run_scoped3A : memref<!tpu.dma_semaphore, #tpu.memory_space<semaphore_mem>>) {add = true}
          %dma_wait3A_191 = arith.constant 0 : i32
          %dma_wait3A_192 = tpu.memref_slice %arg7[%add3A_109, %dma_wait3A_191] : memref<16x64xi32, #tpu.memory_space<vmem>> -> memref<1x64xi32, #tpu.memory_space<vmem>>
          %dma_wait3A_193 = tpu.memref_squeeze %dma_wait3A_192 : memref<1x64xi32, #tpu.memory_space<vmem>> -> memref<64xi32, #tpu.memory_space<vmem>>
          %dma_wait3A_194 = arith.constant 0 : i32
          %dma_wait3A_195 = arith.constant 0 : i32
          %dma_wait3A_196 = tpu.memref_slice %arg12[%dma_wait3A_194, %dma_wait3A_195] : memref<10240x128xf32, #tpu.memory_space<vmem_shared>> -> memref<10240x128xf32, #tpu.memory_space<vmem_shared>>
          tpu.wait_indirect_dma semaphore(%run_scoped3A : memref<!tpu.dma_semaphore, #tpu.memory_space<semaphore_mem>>) src(%arg8 : memref<64x128xf32, #tpu.memory_space<vmem>>) dst(%dma_wait3A_196 : memref<10240x128xf32, #tpu.memory_space<vmem_shared>>)
          tpu.yield
        }) : () -> ()
        %add3A_110 = arith.constant 0 : i32
        %add3A_111 = arith.addi %add3A_96, %add3A_110 : i32
        %add3A_112 = arith.constant 4 : i32
        %add3A_113 = arith.addi %add3A_111, %add3A_112 : i32
        %lt3A = arith.constant 16 : i32
        %lt3A_114 = arith.cmpi slt, %add3A_113, %lt3A : i32
        %convert_element_type3A = arith.extui %lt3A_114 : i1 to i32
        %cond3A = arith.constant 0 : i32
        %cond3A_115 = arith.cmpi ne, %convert_element_type3A, %cond3A : i32
        scf.if %cond3A_115 {
          %add3A_185 = arith.constant 0 : i32
          %add3A_186 = arith.addi %add3A_96, %add3A_185 : i32
          %add3A_187 = arith.constant 4 : i32
          %add3A_188 = arith.addi %add3A_186, %add3A_187 : i32
          %dma_start3A_189 = arith.constant 0 : i32
          %dma_start3A_190 = tpu.memref_slice %arg6[%add3A_188, %dma_start3A_189] : memref<16x64xi32, #tpu.memory_space<vmem>> -> memref<1x64xi32, #tpu.memory_space<vmem>>
          %dma_start3A_191 = tpu.memref_squeeze %dma_start3A_190 : memref<1x64xi32, #tpu.memory_space<vmem>> -> memref<64xi32, #tpu.memory_space<vmem>>
          %dma_start3A_192 = arith.constant 0 : i32
          %dma_start3A_193 = arith.constant 0 : i32
          %dma_start3A_194 = tpu.memref_slice %arg2[%arg0, %dma_start3A_192, %dma_start3A_193] : memref<2x10240x128xf32, #tpu.memory_space<hbm>> -> memref<1x10240x128xf32, #tpu.memory_space<hbm>>
          %dma_start3A_195 = tpu.memref_squeeze %dma_start3A_194 : memref<1x10240x128xf32, #tpu.memory_space<hbm>> -> memref<10240x128xf32, #tpu.memory_space<hbm>>
          %dma_start3A_196 = arith.constant 0 : i32
          %dma_start3A_197 = arith.constant 0 : i32
          %dma_start3A_198 = tpu.memref_slice %dma_start3A_195[%dma_start3A_196, %dma_start3A_197] : memref<10240x128xf32, #tpu.memory_space<hbm>> -> memref<10240x128xf32, #tpu.memory_space<hbm>>
          tpu.enqueue_indirect_dma source(%dma_start3A_198 : memref<10240x128xf32, #tpu.memory_space<hbm>>) target(%arg8 : memref<64x128xf32, #tpu.memory_space<vmem>>) offsets(%dma_start3A_191 : memref<64xi32, #tpu.memory_space<vmem>>) semaphore(%arg13 : memref<!tpu.dma_semaphore, #tpu.memory_space<semaphore_mem>>)
        } else {
        }
        %add3A_116 = arith.constant 1 : i32
        %add3A_117 = arith.addi %add3A_96, %add3A_116 : i32
        %dma_wait3A_118 = arith.constant 0 : i32
        %dma_wait3A_119 = tpu.memref_slice %arg6[%add3A_117, %dma_wait3A_118] : memref<16x64xi32, #tpu.memory_space<vmem>> -> memref<1x64xi32, #tpu.memory_space<vmem>>
        %dma_wait3A_120 = tpu.memref_squeeze %dma_wait3A_119 : memref<1x64xi32, #tpu.memory_space<vmem>> -> memref<64xi32, #tpu.memory_space<vmem>>
        %dma_wait3A_121 = arith.constant 0 : i32
        %dma_wait3A_122 = arith.constant 0 : i32
        %dma_wait3A_123 = tpu.memref_slice %arg2[%arg0, %dma_wait3A_121, %dma_wait3A_122] : memref<2x10240x128xf32, #tpu.memory_space<hbm>> -> memref<1x10240x128xf32, #tpu.memory_space<hbm>>
        %dma_wait3A_124 = tpu.memref_squeeze %dma_wait3A_123 : memref<1x10240x128xf32, #tpu.memory_space<hbm>> -> memref<10240x128xf32, #tpu.memory_space<hbm>>
        %dma_wait3A_125 = arith.constant 0 : i32
        %dma_wait3A_126 = arith.constant 0 : i32
        %dma_wait3A_127 = tpu.memref_slice %dma_wait3A_124[%dma_wait3A_125, %dma_wait3A_126] : memref<10240x128xf32, #tpu.memory_space<hbm>> -> memref<10240x128xf32, #tpu.memory_space<hbm>>
        tpu.wait_indirect_dma semaphore(%arg14 : memref<!tpu.dma_semaphore, #tpu.memory_space<semaphore_mem>>) src(%dma_wait3A_127 : memref<10240x128xf32, #tpu.memory_space<hbm>>) dst(%arg9 : memref<64x128xf32, #tpu.memory_space<vmem>>)
        %add3A_128 = arith.constant 1 : i32
        %add3A_129 = arith.addi %add3A_96, %add3A_128 : i32
        "tpu.region"() ({
          %run_scoped3A = tpu.sem_alloc : memref<!tpu.dma_semaphore, #tpu.memory_space<semaphore_mem>>
          %dma_start3A_185 = arith.constant 0 : i32
          %dma_start3A_186 = tpu.memref_slice %arg7[%add3A_129, %dma_start3A_185] : memref<16x64xi32, #tpu.memory_space<vmem>> -> memref<1x64xi32, #tpu.memory_space<vmem>>
          %dma_start3A_187 = tpu.memref_squeeze %dma_start3A_186 : memref<1x64xi32, #tpu.memory_space<vmem>> -> memref<64xi32, #tpu.memory_space<vmem>>
          %dma_start3A_188 = arith.constant 0 : i32
          %dma_start3A_189 = arith.constant 0 : i32
          %dma_start3A_190 = tpu.memref_slice %arg12[%dma_start3A_188, %dma_start3A_189] : memref<10240x128xf32, #tpu.memory_space<vmem_shared>> -> memref<10240x128xf32, #tpu.memory_space<vmem_shared>>
          tpu.enqueue_indirect_dma source(%arg9 : memref<64x128xf32, #tpu.memory_space<vmem>>) target(%dma_start3A_190 : memref<10240x128xf32, #tpu.memory_space<vmem_shared>>) offsets(%dma_start3A_187 : memref<64xi32, #tpu.memory_space<vmem>>) semaphore(%run_scoped3A : memref<!tpu.dma_semaphore, #tpu.memory_space<semaphore_mem>>) {add = true}
          %dma_wait3A_191 = arith.constant 0 : i32
          %dma_wait3A_192 = tpu.memref_slice %arg7[%add3A_129, %dma_wait3A_191] : memref<16x64xi32, #tpu.memory_space<vmem>> -> memref<1x64xi32, #tpu.memory_space<vmem>>
          %dma_wait3A_193 = tpu.memref_squeeze %dma_wait3A_192 : memref<1x64xi32, #tpu.memory_space<vmem>> -> memref<64xi32, #tpu.memory_space<vmem>>
          %dma_wait3A_194 = arith.constant 0 : i32
          %dma_wait3A_195 = arith.constant 0 : i32
          %dma_wait3A_196 = tpu.memref_slice %arg12[%dma_wait3A_194, %dma_wait3A_195] : memref<10240x128xf32, #tpu.memory_space<vmem_shared>> -> memref<10240x128xf32, #tpu.memory_space<vmem_shared>>
          tpu.wait_indirect_dma semaphore(%run_scoped3A : memref<!tpu.dma_semaphore, #tpu.memory_space<semaphore_mem>>) src(%arg9 : memref<64x128xf32, #tpu.memory_space<vmem>>) dst(%dma_wait3A_196 : memref<10240x128xf32, #tpu.memory_space<vmem_shared>>)
          tpu.yield
        }) : () -> ()
        %add3A_130 = arith.constant 1 : i32
        %add3A_131 = arith.addi %add3A_96, %add3A_130 : i32
        %add3A_132 = arith.constant 4 : i32
        %add3A_133 = arith.addi %add3A_131, %add3A_132 : i32
        %lt3A_134 = arith.constant 16 : i32
        %lt3A_135 = arith.cmpi slt, %add3A_133, %lt3A_134 : i32
        %convert_element_type3A_136 = arith.extui %lt3A_135 : i1 to i32
        %cond3A_137 = arith.constant 0 : i32
        %cond3A_138 = arith.cmpi ne, %convert_element_type3A_136, %cond3A_137 : i32
        scf.if %cond3A_138 {
          %add3A_185 = arith.constant 1 : i32
          %add3A_186 = arith.addi %add3A_96, %add3A_185 : i32
          %add3A_187 = arith.constant 4 : i32
          %add3A_188 = arith.addi %add3A_186, %add3A_187 : i32
          %dma_start3A_189 = arith.constant 0 : i32
          %dma_start3A_190 = tpu.memref_slice %arg6[%add3A_188, %dma_start3A_189] : memref<16x64xi32, #tpu.memory_space<vmem>> -> memref<1x64xi32, #tpu.memory_space<vmem>>
          %dma_start3A_191 = tpu.memref_squeeze %dma_start3A_190 : memref<1x64xi32, #tpu.memory_space<vmem>> -> memref<64xi32, #tpu.memory_space<vmem>>
          %dma_start3A_192 = arith.constant 0 : i32
          %dma_start3A_193 = arith.constant 0 : i32
          %dma_start3A_194 = tpu.memref_slice %arg2[%arg0, %dma_start3A_192, %dma_start3A_193] : memref<2x10240x128xf32, #tpu.memory_space<hbm>> -> memref<1x10240x128xf32, #tpu.memory_space<hbm>>
          %dma_start3A_195 = tpu.memref_squeeze %dma_start3A_194 : memref<1x10240x128xf32, #tpu.memory_space<hbm>> -> memref<10240x128xf32, #tpu.memory_space<hbm>>
          %dma_start3A_196 = arith.constant 0 : i32
          %dma_start3A_197 = arith.constant 0 : i32
          %dma_start3A_198 = tpu.memref_slice %dma_start3A_195[%dma_start3A_196, %dma_start3A_197] : memref<10240x128xf32, #tpu.memory_space<hbm>> -> memref<10240x128xf32, #tpu.memory_space<hbm>>
          tpu.enqueue_indirect_dma source(%dma_start3A_198 : memref<10240x128xf32, #tpu.memory_space<hbm>>) target(%arg9 : memref<64x128xf32, #tpu.memory_space<vmem>>) offsets(%dma_start3A_191 : memref<64xi32, #tpu.memory_space<vmem>>) semaphore(%arg14 : memref<!tpu.dma_semaphore, #tpu.memory_space<semaphore_mem>>)
        } else {
        }
        %add3A_139 = arith.constant 2 : i32
        %add3A_140 = arith.addi %add3A_96, %add3A_139 : i32
        %dma_wait3A_141 = arith.constant 0 : i32
        %dma_wait3A_142 = tpu.memref_slice %arg6[%add3A_140, %dma_wait3A_141] : memref<16x64xi32, #tpu.memory_space<vmem>> -> memref<1x64xi32, #tpu.memory_space<vmem>>
        %dma_wait3A_143 = tpu.memref_squeeze %dma_wait3A_142 : memref<1x64xi32, #tpu.memory_space<vmem>> -> memref<64xi32, #tpu.memory_space<vmem>>
        %dma_wait3A_144 = arith.constant 0 : i32
        %dma_wait3A_145 = arith.constant 0 : i32
        %dma_wait3A_146 = tpu.memref_slice %arg2[%arg0, %dma_wait3A_144, %dma_wait3A_145] : memref<2x10240x128xf32, #tpu.memory_space<hbm>> -> memref<1x10240x128xf32, #tpu.memory_space<hbm>>
        %dma_wait3A_147 = tpu.memref_squeeze %dma_wait3A_146 : memref<1x10240x128xf32, #tpu.memory_space<hbm>> -> memref<10240x128xf32, #tpu.memory_space<hbm>>
        %dma_wait3A_148 = arith.constant 0 : i32
        %dma_wait3A_149 = arith.constant 0 : i32
        %dma_wait3A_150 = tpu.memref_slice %dma_wait3A_147[%dma_wait3A_148, %dma_wait3A_149] : memref<10240x128xf32, #tpu.memory_space<hbm>> -> memref<10240x128xf32, #tpu.memory_space<hbm>>
        tpu.wait_indirect_dma semaphore(%arg15 : memref<!tpu.dma_semaphore, #tpu.memory_space<semaphore_mem>>) src(%dma_wait3A_150 : memref<10240x128xf32, #tpu.memory_space<hbm>>) dst(%arg10 : memref<64x128xf32, #tpu.memory_space<vmem>>)
        %add3A_151 = arith.constant 2 : i32
        %add3A_152 = arith.addi %add3A_96, %add3A_151 : i32
        "tpu.region"() ({
          %run_scoped3A = tpu.sem_alloc : memref<!tpu.dma_semaphore, #tpu.memory_space<semaphore_mem>>
          %dma_start3A_185 = arith.constant 0 : i32
          %dma_start3A_186 = tpu.memref_slice %arg7[%add3A_152, %dma_start3A_185] : memref<16x64xi32, #tpu.memory_space<vmem>> -> memref<1x64xi32, #tpu.memory_space<vmem>>
          %dma_start3A_187 = tpu.memref_squeeze %dma_start3A_186 : memref<1x64xi32, #tpu.memory_space<vmem>> -> memref<64xi32, #tpu.memory_space<vmem>>
          %dma_start3A_188 = arith.constant 0 : i32
          %dma_start3A_189 = arith.constant 0 : i32
          %dma_start3A_190 = tpu.memref_slice %arg12[%dma_start3A_188, %dma_start3A_189] : memref<10240x128xf32, #tpu.memory_space<vmem_shared>> -> memref<10240x128xf32, #tpu.memory_space<vmem_shared>>
          tpu.enqueue_indirect_dma source(%arg10 : memref<64x128xf32, #tpu.memory_space<vmem>>) target(%dma_start3A_190 : memref<10240x128xf32, #tpu.memory_space<vmem_shared>>) offsets(%dma_start3A_187 : memref<64xi32, #tpu.memory_space<vmem>>) semaphore(%run_scoped3A : memref<!tpu.dma_semaphore, #tpu.memory_space<semaphore_mem>>) {add = true}
          %dma_wait3A_191 = arith.constant 0 : i32
          %dma_wait3A_192 = tpu.memref_slice %arg7[%add3A_152, %dma_wait3A_191] : memref<16x64xi32, #tpu.memory_space<vmem>> -> memref<1x64xi32, #tpu.memory_space<vmem>>
          %dma_wait3A_193 = tpu.memref_squeeze %dma_wait3A_192 : memref<1x64xi32, #tpu.memory_space<vmem>> -> memref<64xi32, #tpu.memory_space<vmem>>
          %dma_wait3A_194 = arith.constant 0 : i32
          %dma_wait3A_195 = arith.constant 0 : i32
          %dma_wait3A_196 = tpu.memref_slice %arg12[%dma_wait3A_194, %dma_wait3A_195] : memref<10240x128xf32, #tpu.memory_space<vmem_shared>> -> memref<10240x128xf32, #tpu.memory_space<vmem_shared>>
          tpu.wait_indirect_dma semaphore(%run_scoped3A : memref<!tpu.dma_semaphore, #tpu.memory_space<semaphore_mem>>) src(%arg10 : memref<64x128xf32, #tpu.memory_space<vmem>>) dst(%dma_wait3A_196 : memref<10240x128xf32, #tpu.memory_space<vmem_shared>>)
          tpu.yield
        }) : () -> ()
        %add3A_153 = arith.constant 2 : i32
        %add3A_154 = arith.addi %add3A_96, %add3A_153 : i32
        %add3A_155 = arith.constant 4 : i32
        %add3A_156 = arith.addi %add3A_154, %add3A_155 : i32
        %lt3A_157 = arith.constant 16 : i32
        %lt3A_158 = arith.cmpi slt, %add3A_156, %lt3A_157 : i32
        %convert_element_type3A_159 = arith.extui %lt3A_158 : i1 to i32
        %cond3A_160 = arith.constant 0 : i32
        %cond3A_161 = arith.cmpi ne, %convert_element_type3A_159, %cond3A_160 : i32
        scf.if %cond3A_161 {
          %add3A_185 = arith.constant 2 : i32
          %add3A_186 = arith.addi %add3A_96, %add3A_185 : i32
          %add3A_187 = arith.constant 4 : i32
          %add3A_188 = arith.addi %add3A_186, %add3A_187 : i32
          %dma_start3A_189 = arith.constant 0 : i32
          %dma_start3A_190 = tpu.memref_slice %arg6[%add3A_188, %dma_start3A_189] : memref<16x64xi32, #tpu.memory_space<vmem>> -> memref<1x64xi32, #tpu.memory_space<vmem>>
          %dma_start3A_191 = tpu.memref_squeeze %dma_start3A_190 : memref<1x64xi32, #tpu.memory_space<vmem>> -> memref<64xi32, #tpu.memory_space<vmem>>
          %dma_start3A_192 = arith.constant 0 : i32
          %dma_start3A_193 = arith.constant 0 : i32
          %dma_start3A_194 = tpu.memref_slice %arg2[%arg0, %dma_start3A_192, %dma_start3A_193] : memref<2x10240x128xf32, #tpu.memory_space<hbm>> -> memref<1x10240x128xf32, #tpu.memory_space<hbm>>
          %dma_start3A_195 = tpu.memref_squeeze %dma_start3A_194 : memref<1x10240x128xf32, #tpu.memory_space<hbm>> -> memref<10240x128xf32, #tpu.memory_space<hbm>>
          %dma_start3A_196 = arith.constant 0 : i32
          %dma_start3A_197 = arith.constant 0 : i32
          %dma_start3A_198 = tpu.memref_slice %dma_start3A_195[%dma_start3A_196, %dma_start3A_197] : memref<10240x128xf32, #tpu.memory_space<hbm>> -> memref<10240x128xf32, #tpu.memory_space<hbm>>
          tpu.enqueue_indirect_dma source(%dma_start3A_198 : memref<10240x128xf32, #tpu.memory_space<hbm>>) target(%arg10 : memref<64x128xf32, #tpu.memory_space<vmem>>) offsets(%dma_start3A_191 : memref<64xi32, #tpu.memory_space<vmem>>) semaphore(%arg15 : memref<!tpu.dma_semaphore, #tpu.memory_space<semaphore_mem>>)
        } else {
        }
        %add3A_162 = arith.constant 3 : i32
        %add3A_163 = arith.addi %add3A_96, %add3A_162 : i32
        %dma_wait3A_164 = arith.constant 0 : i32
        %dma_wait3A_165 = tpu.memref_slice %arg6[%add3A_163, %dma_wait3A_164] : memref<16x64xi32, #tpu.memory_space<vmem>> -> memref<1x64xi32, #tpu.memory_space<vmem>>
        %dma_wait3A_166 = tpu.memref_squeeze %dma_wait3A_165 : memref<1x64xi32, #tpu.memory_space<vmem>> -> memref<64xi32, #tpu.memory_space<vmem>>
        %dma_wait3A_167 = arith.constant 0 : i32
        %dma_wait3A_168 = arith.constant 0 : i32
        %dma_wait3A_169 = tpu.memref_slice %arg2[%arg0, %dma_wait3A_167, %dma_wait3A_168] : memref<2x10240x128xf32, #tpu.memory_space<hbm>> -> memref<1x10240x128xf32, #tpu.memory_space<hbm>>
        %dma_wait3A_170 = tpu.memref_squeeze %dma_wait3A_169 : memref<1x10240x128xf32, #tpu.memory_space<hbm>> -> memref<10240x128xf32, #tpu.memory_space<hbm>>
        %dma_wait3A_171 = arith.constant 0 : i32
        %dma_wait3A_172 = arith.constant 0 : i32
        %dma_wait3A_173 = tpu.memref_slice %dma_wait3A_170[%dma_wait3A_171, %dma_wait3A_172] : memref<10240x128xf32, #tpu.memory_space<hbm>> -> memref<10240x128xf32, #tpu.memory_space<hbm>>
        tpu.wait_indirect_dma semaphore(%arg16 : memref<!tpu.dma_semaphore, #tpu.memory_space<semaphore_mem>>) src(%dma_wait3A_173 : memref<10240x128xf32, #tpu.memory_space<hbm>>) dst(%arg11 : memref<64x128xf32, #tpu.memory_space<vmem>>)
        %add3A_174 = arith.constant 3 : i32
        %add3A_175 = arith.addi %add3A_96, %add3A_174 : i32
        "tpu.region"() ({
          %run_scoped3A = tpu.sem_alloc : memref<!tpu.dma_semaphore, #tpu.memory_space<semaphore_mem>>
          %dma_start3A_185 = arith.constant 0 : i32
          %dma_start3A_186 = tpu.memref_slice %arg7[%add3A_175, %dma_start3A_185] : memref<16x64xi32, #tpu.memory_space<vmem>> -> memref<1x64xi32, #tpu.memory_space<vmem>>
          %dma_start3A_187 = tpu.memref_squeeze %dma_start3A_186 : memref<1x64xi32, #tpu.memory_space<vmem>> -> memref<64xi32, #tpu.memory_space<vmem>>
          %dma_start3A_188 = arith.constant 0 : i32
          %dma_start3A_189 = arith.constant 0 : i32
          %dma_start3A_190 = tpu.memref_slice %arg12[%dma_start3A_188, %dma_start3A_189] : memref<10240x128xf32, #tpu.memory_space<vmem_shared>> -> memref<10240x128xf32, #tpu.memory_space<vmem_shared>>
          tpu.enqueue_indirect_dma source(%arg11 : memref<64x128xf32, #tpu.memory_space<vmem>>) target(%dma_start3A_190 : memref<10240x128xf32, #tpu.memory_space<vmem_shared>>) offsets(%dma_start3A_187 : memref<64xi32, #tpu.memory_space<vmem>>) semaphore(%run_scoped3A : memref<!tpu.dma_semaphore, #tpu.memory_space<semaphore_mem>>) {add = true}
          %dma_wait3A_191 = arith.constant 0 : i32
          %dma_wait3A_192 = tpu.memref_slice %arg7[%add3A_175, %dma_wait3A_191] : memref<16x64xi32, #tpu.memory_space<vmem>> -> memref<1x64xi32, #tpu.memory_space<vmem>>
          %dma_wait3A_193 = tpu.memref_squeeze %dma_wait3A_192 : memref<1x64xi32, #tpu.memory_space<vmem>> -> memref<64xi32, #tpu.memory_space<vmem>>
          %dma_wait3A_194 = arith.constant 0 : i32
          %dma_wait3A_195 = arith.constant 0 : i32
          %dma_wait3A_196 = tpu.memref_slice %arg12[%dma_wait3A_194, %dma_wait3A_195] : memref<10240x128xf32, #tpu.memory_space<vmem_shared>> -> memref<10240x128xf32, #tpu.memory_space<vmem_shared>>
          tpu.wait_indirect_dma semaphore(%run_scoped3A : memref<!tpu.dma_semaphore, #tpu.memory_space<semaphore_mem>>) src(%arg11 : memref<64x128xf32, #tpu.memory_space<vmem>>) dst(%dma_wait3A_196 : memref<10240x128xf32, #tpu.memory_space<vmem_shared>>)
          tpu.yield
        }) : () -> ()
        %add3A_176 = arith.constant 3 : i32
        %add3A_177 = arith.addi %add3A_96, %add3A_176 : i32
        %add3A_178 = arith.constant 4 : i32
        %add3A_179 = arith.addi %add3A_177, %add3A_178 : i32
        %lt3A_180 = arith.constant 16 : i32
        %lt3A_181 = arith.cmpi slt, %add3A_179, %lt3A_180 : i32
        %convert_element_type3A_182 = arith.extui %lt3A_181 : i1 to i32
        %cond3A_183 = arith.constant 0 : i32
        %cond3A_184 = arith.cmpi ne, %convert_element_type3A_182, %cond3A_183 : i32
        scf.if %cond3A_184 {
          %add3A_185 = arith.constant 3 : i32
          %add3A_186 = arith.addi %add3A_96, %add3A_185 : i32
          %add3A_187 = arith.constant 4 : i32
          %add3A_188 = arith.addi %add3A_186, %add3A_187 : i32
          %dma_start3A_189 = arith.constant 0 : i32
          %dma_start3A_190 = tpu.memref_slice %arg6[%add3A_188, %dma_start3A_189] : memref<16x64xi32, #tpu.memory_space<vmem>> -> memref<1x64xi32, #tpu.memory_space<vmem>>
          %dma_start3A_191 = tpu.memref_squeeze %dma_start3A_190 : memref<1x64xi32, #tpu.memory_space<vmem>> -> memref<64xi32, #tpu.memory_space<vmem>>
          %dma_start3A_192 = arith.constant 0 : i32
          %dma_start3A_193 = arith.constant 0 : i32
          %dma_start3A_194 = tpu.memref_slice %arg2[%arg0, %dma_start3A_192, %dma_start3A_193] : memref<2x10240x128xf32, #tpu.memory_space<hbm>> -> memref<1x10240x128xf32, #tpu.memory_space<hbm>>
          %dma_start3A_195 = tpu.memref_squeeze %dma_start3A_194 : memref<1x10240x128xf32, #tpu.memory_space<hbm>> -> memref<10240x128xf32, #tpu.memory_space<hbm>>
          %dma_start3A_196 = arith.constant 0 : i32
          %dma_start3A_197 = arith.constant 0 : i32
          %dma_start3A_198 = tpu.memref_slice %dma_start3A_195[%dma_start3A_196, %dma_start3A_197] : memref<10240x128xf32, #tpu.memory_space<hbm>> -> memref<10240x128xf32, #tpu.memory_space<hbm>>
          tpu.enqueue_indirect_dma source(%dma_start3A_198 : memref<10240x128xf32, #tpu.memory_space<hbm>>) target(%arg11 : memref<64x128xf32, #tpu.memory_space<vmem>>) offsets(%dma_start3A_191 : memref<64xi32, #tpu.memory_space<vmem>>) semaphore(%arg16 : memref<!tpu.dma_semaphore, #tpu.memory_space<semaphore_mem>>)
        } else {
        }
      }
      %scan3A_91 = arith.constant 4 : i32
    }
    %barrier3A_34 = arith.constant 0 : index
    tpu.barrier barrier_id(%barrier3A_34)
    %mul3A_35 = arith.constant 640 : i32
    %mul3A_36 = arith.muli %arg1, %mul3A_35 : i32
    %mul3A_37 = arith.constant 640 : i32
    %mul3A_38 = arith.muli %arg1, %mul3A_37 : i32
    "tpu.region"() ({
      %run_scoped3A = tpu.sem_alloc : memref<!tpu.dma_semaphore, #tpu.memory_space<semaphore_mem>>
      %dma_start3A = arith.constant 0 : i32
      %dma_start3A_39 = tpu.memref_slice %arg5[%arg0, %mul3A_38, %dma_start3A] : memref<2x10240x128xf32, #tpu.memory_space<hbm>> -> memref<1x640x128xf32, #tpu.memory_space<hbm>>
      %dma_start3A_40 = tpu.memref_squeeze %dma_start3A_39 : memref<1x640x128xf32, #tpu.memory_space<hbm>> -> memref<640x128xf32, #tpu.memory_space<hbm>>
      %dma_start3A_41 = arith.constant 0 : i32
      %dma_start3A_42 = tpu.memref_slice %arg12[%mul3A_36, %dma_start3A_41] : memref<10240x128xf32, #tpu.memory_space<vmem_shared>> -> memref<640x128xf32, #tpu.memory_space<vmem_shared>>
      tpu.enqueue_dma source(%dma_start3A_42 : memref<640x128xf32, #tpu.memory_space<vmem_shared>>) target(%dma_start3A_40 : memref<640x128xf32, #tpu.memory_space<hbm>>) target_semaphore(%run_scoped3A : memref<!tpu.dma_semaphore, #tpu.memory_space<semaphore_mem>>)
      %dma_wait3A = arith.constant 0 : i32
      %dma_wait3A_43 = tpu.memref_slice %arg5[%arg0, %mul3A_38, %dma_wait3A] : memref<2x10240x128xf32, #tpu.memory_space<hbm>> -> memref<1x640x128xf32, #tpu.memory_space<hbm>>
      %dma_wait3A_44 = tpu.memref_squeeze %dma_wait3A_43 : memref<1x640x128xf32, #tpu.memory_space<hbm>> -> memref<640x128xf32, #tpu.memory_space<hbm>>
      %dma_wait3A_45 = arith.constant 0 : i32
      %dma_wait3A_46 = tpu.memref_slice %arg12[%mul3A_36, %dma_wait3A_45] : memref<10240x128xf32, #tpu.memory_space<vmem_shared>> -> memref<640x128xf32, #tpu.memory_space<vmem_shared>>
      tpu.wait_dma2 semaphore(%run_scoped3A : memref<!tpu.dma_semaphore, #tpu.memory_space<semaphore_mem>>) src(%dma_wait3A_46 : memref<640x128xf32, #tpu.memory_space<vmem_shared>>) dst(%dma_wait3A_44 : memref<640x128xf32, #tpu.memory_space<hbm>>)
      tpu.yield
    }) : () -> ()
    return
  }
}

#map = affine_map<(d0, d1) -> (0, 0)>
#map1 = affine_map<(d0, d1) -> (0, 0, 0)>
module attributes {stable_mosaic.version = 14 : i64} {
  func.func @k(%arg0: i32, %arg1: i32, %arg2: memref<5120x64xi32, #tpu.memory_space<hbm>>, %arg3: memref<2x10240x128xf32, #tpu.memory_space<hbm>>, %arg4: memref<160x64xi32, #tpu.memory_space<vmem>>, %arg5: memref<64x128xf32, #tpu.memory_space<vmem>>, %arg6: memref<64x128xf32, #tpu.memory_space<vmem>>, %arg7: memref<10240x128xf32, #tpu.memory_space<vmem_shared>>, %arg8: memref<!tpu.dma_semaphore, #tpu.memory_space<semaphore_mem>>) attributes {dimension_semantics = [#tpu.dimension_semantics<core_parallel>, #tpu.dimension_semantics<subcore_parallel>], iteration_bounds = array<i64: 2, 16>, scalar_prefetch = 0 : i64, scratch_operands = 5 : i64, tpu.core_type = #tpu.core_type<sc_vector_subcore>, window_params = [{transform_indices = #map}, {transform_indices = #map1}]} {
    %mul3A = arith.constant 16 : i32
    %mul3A_0 = arith.muli %arg0, %mul3A : i32
    %add3A = arith.addi %mul3A_0, %arg1 : i32
    %mul3A_1 = arith.constant 160 : i32
    %mul3A_2 = arith.muli %add3A, %mul3A_1 : i32
    "tpu.region"() ({
      %run_scoped3A = tpu.sem_alloc : memref<!tpu.dma_semaphore, #tpu.memory_space<semaphore_mem>>
      %dma_start3A = arith.constant 0 : i32
      %dma_start3A_22 = tpu.memref_slice %arg2[%mul3A_2, %dma_start3A] : memref<5120x64xi32, #tpu.memory_space<hbm>> -> memref<160x64xi32, #tpu.memory_space<hbm>>
      %dma_start3A_23 = arith.constant 0 : i32
      %dma_start3A_24 = tpu.memref_slice %arg2[%mul3A_2, %dma_start3A_23] : memref<5120x64xi32, #tpu.memory_space<hbm>> -> memref<160x64xi32, #tpu.memory_space<hbm>>
      tpu.enqueue_dma source(%dma_start3A_24 : memref<160x64xi32, #tpu.memory_space<hbm>>) target(%arg4 : memref<160x64xi32, #tpu.memory_space<vmem>>) target_semaphore(%run_scoped3A : memref<!tpu.dma_semaphore, #tpu.memory_space<semaphore_mem>>)
      %dma_wait3A = arith.constant 0 : i32
      %dma_wait3A_25 = tpu.memref_slice %arg2[%mul3A_2, %dma_wait3A] : memref<5120x64xi32, #tpu.memory_space<hbm>> -> memref<160x64xi32, #tpu.memory_space<hbm>>
      %dma_wait3A_26 = arith.constant 0 : i32
      %dma_wait3A_27 = tpu.memref_slice %arg2[%mul3A_2, %dma_wait3A_26] : memref<5120x64xi32, #tpu.memory_space<hbm>> -> memref<160x64xi32, #tpu.memory_space<hbm>>
      tpu.wait_dma2 semaphore(%run_scoped3A : memref<!tpu.dma_semaphore, #tpu.memory_space<semaphore_mem>>) src(%dma_wait3A_27 : memref<160x64xi32, #tpu.memory_space<hbm>>) dst(%arg4 : memref<160x64xi32, #tpu.memory_space<vmem>>)
      tpu.yield
    }) : () -> ()
    %scan3A = arith.constant 0 : i32
    %scan3A_3 = arith.constant 64 : i32
    %scan3A_4 = arith.addi %scan3A, %scan3A_3 : i32
    %scan3A_5 = arith.constant 1 : i32
    scf.for %scan3A_22 = %scan3A to %scan3A_4 step %scan3A_5  : i32 {
      %mul3A_23 = arith.constant 1 : i32
      %mul3A_24 = arith.muli %scan3A_22, %mul3A_23 : i32
      %add3A_25 = arith.constant 0 : i32
      %add3A_26 = arith.addi %add3A_25, %mul3A_24 : i32
      %broadcast_in_dim3A = arith.constant 0.000000e+00 : f32
      %broadcast_in_dim3A_27 = vector.broadcast %broadcast_in_dim3A : f32 to vector<128xf32>
      %swap3A = arith.index_cast %add3A_26 : i32 to index
      %swap3A_28 = arith.constant 0 : index
      %swap3A_29 = tpu.vector_load %arg5[%swap3A, %swap3A_28] {strides = array<i32>} : memref<64x128xf32, #tpu.memory_space<vmem>>, vector<1x128xf32>,
      %swap3A_30 = vector.shape_cast %swap3A_29 : vector<1x128xf32> to vector<128xf32>
      %swap3A_31 = vector.shape_cast %broadcast_in_dim3A_27 : vector<128xf32> to vector<1x128xf32>
      tpu.vector_store %arg5[%swap3A, %swap3A_28], %swap3A_31 {strides = array<i32>} : memref<64x128xf32, #tpu.memory_space<vmem>>, vector<1x128xf32>,
      %broadcast_in_dim3A_32 = arith.constant 1.000000e+00 : f32
      %broadcast_in_dim3A_33 = vector.broadcast %broadcast_in_dim3A_32 : f32 to vector<128xf32>
      %swap3A_34 = arith.index_cast %add3A_26 : i32 to index
      %swap3A_35 = arith.constant 0 : index
      %swap3A_36 = tpu.vector_load %arg6[%swap3A_34, %swap3A_35] {strides = array<i32>} : memref<64x128xf32, #tpu.memory_space<vmem>>, vector<1x128xf32>,
      %swap3A_37 = vector.shape_cast %swap3A_36 : vector<1x128xf32> to vector<128xf32>
      %swap3A_38 = vector.shape_cast %broadcast_in_dim3A_33 : vector<128xf32> to vector<1x128xf32>
      tpu.vector_store %arg6[%swap3A_34, %swap3A_35], %swap3A_38 {strides = array<i32>} : memref<64x128xf32, #tpu.memory_space<vmem>>, vector<1x128xf32>,
    }
    %scan3A_6 = arith.constant 64 : i32
    %scan3A_7 = arith.constant 0 : i32
    %scan3A_8 = arith.constant 10 : i32
    %scan3A_9 = arith.addi %scan3A_7, %scan3A_8 : i32
    %scan3A_10 = arith.constant 1 : i32
    scf.for %scan3A_22 = %scan3A_7 to %scan3A_9 step %scan3A_10  : i32 {
      %mul3A_23 = arith.constant 64 : i32
      %mul3A_24 = arith.muli %scan3A_22, %mul3A_23 : i32
      %add3A_25 = arith.constant 0 : i32
      %add3A_26 = arith.addi %add3A_25, %mul3A_24 : i32
      %mul3A_27 = arith.constant 640 : i32
      %mul3A_28 = arith.muli %arg1, %mul3A_27 : i32
      %add3A_29 = arith.addi %mul3A_28, %add3A_26 : i32
      "tpu.region"() ({
        %run_scoped3A = tpu.sem_alloc : memref<!tpu.dma_semaphore, #tpu.memory_space<semaphore_mem>>
        %dma_start3A = arith.constant 0 : i32
        %dma_start3A_30 = tpu.memref_slice %arg7[%add3A_29, %dma_start3A] : memref<10240x128xf32, #tpu.memory_space<vmem_shared>> -> memref<64x128xf32, #tpu.memory_space<vmem_shared>>
        %dma_start3A_31 = arith.constant 0 : i32
        %dma_start3A_32 = tpu.memref_slice %arg7[%add3A_29, %dma_start3A_31] : memref<10240x128xf32, #tpu.memory_space<vmem_shared>> -> memref<64x128xf32, #tpu.memory_space<vmem_shared>>
        tpu.enqueue_dma source(%arg5 : memref<64x128xf32, #tpu.memory_space<vmem>>) target(%dma_start3A_32 : memref<64x128xf32, #tpu.memory_space<vmem_shared>>) target_semaphore(%run_scoped3A : memref<!tpu.dma_semaphore, #tpu.memory_space<semaphore_mem>>)
        %dma_wait3A = arith.constant 0 : i32
        %dma_wait3A_33 = tpu.memref_slice %arg7[%add3A_29, %dma_wait3A] : memref<10240x128xf32, #tpu.memory_space<vmem_shared>> -> memref<64x128xf32, #tpu.memory_space<vmem_shared>>
        %dma_wait3A_34 = arith.constant 0 : i32
        %dma_wait3A_35 = tpu.memref_slice %arg7[%add3A_29, %dma_wait3A_34] : memref<10240x128xf32, #tpu.memory_space<vmem_shared>> -> memref<64x128xf32, #tpu.memory_space<vmem_shared>>
        tpu.wait_dma2 semaphore(%run_scoped3A : memref<!tpu.dma_semaphore, #tpu.memory_space<semaphore_mem>>) src(%arg5 : memref<64x128xf32, #tpu.memory_space<vmem>>) dst(%dma_wait3A_35 : memref<64x128xf32, #tpu.memory_space<vmem_shared>>)
        tpu.yield
      }) : () -> ()
    }
    %scan3A_11 = arith.constant 10 : i32
    %barrier3A = arith.constant 0 : index
    tpu.barrier barrier_id(%barrier3A)
    %scan3A_12 = arith.constant 0 : i32
    %scan3A_13 = arith.constant 20 : i32
    %scan3A_14 = arith.addi %scan3A_12, %scan3A_13 : i32
    %scan3A_15 = arith.constant 1 : i32
    scf.for %scan3A_22 = %scan3A_12 to %scan3A_14 step %scan3A_15  : i32 {
      %mul3A_23 = arith.constant 8 : i32
      %mul3A_24 = arith.muli %scan3A_22, %mul3A_23 : i32
      %add3A_25 = arith.constant 0 : i32
      %add3A_26 = arith.addi %add3A_25, %mul3A_24 : i32
      %add3A_27 = arith.constant 0 : i32
      %add3A_28 = arith.addi %add3A_26, %add3A_27 : i32
      %dma_start3A = arith.constant 0 : i32
      %dma_start3A_29 = tpu.memref_slice %arg4[%add3A_28, %dma_start3A] : memref<160x64xi32, #tpu.memory_space<vmem>> -> memref<1x64xi32, #tpu.memory_space<vmem>>
      %dma_start3A_30 = tpu.memref_squeeze %dma_start3A_29 : memref<1x64xi32, #tpu.memory_space<vmem>> -> memref<64xi32, #tpu.memory_space<vmem>>
      %dma_start3A_31 = arith.constant 0 : i32
      %dma_start3A_32 = arith.constant 0 : i32
      %dma_start3A_33 = tpu.memref_slice %arg7[%dma_start3A_31, %dma_start3A_32] : memref<10240x128xf32, #tpu.memory_space<vmem_shared>> -> memref<10240x128xf32, #tpu.memory_space<vmem_shared>>
      tpu.enqueue_indirect_dma source(%arg6 : memref<64x128xf32, #tpu.memory_space<vmem>>) target(%dma_start3A_33 : memref<10240x128xf32, #tpu.memory_space<vmem_shared>>) offsets(%dma_start3A_30 : memref<64xi32, #tpu.memory_space<vmem>>) semaphore(%arg8 : memref<!tpu.dma_semaphore, #tpu.memory_space<semaphore_mem>>) {add = true}
      %add3A_34 = arith.constant 1 : i32
      %add3A_35 = arith.addi %add3A_26, %add3A_34 : i32
      %dma_start3A_36 = arith.constant 0 : i32
      %dma_start3A_37 = tpu.memref_slice %arg4[%add3A_35, %dma_start3A_36] : memref<160x64xi32, #tpu.memory_space<vmem>> -> memref<1x64xi32, #tpu.memory_space<vmem>>
      %dma_start3A_38 = tpu.memref_squeeze %dma_start3A_37 : memref<1x64xi32, #tpu.memory_space<vmem>> -> memref<64xi32, #tpu.memory_space<vmem>>
      %dma_start3A_39 = arith.constant 0 : i32
      %dma_start3A_40 = arith.constant 0 : i32
      %dma_start3A_41 = tpu.memref_slice %arg7[%dma_start3A_39, %dma_start3A_40] : memref<10240x128xf32, #tpu.memory_space<vmem_shared>> -> memref<10240x128xf32, #tpu.memory_space<vmem_shared>>
      tpu.enqueue_indirect_dma source(%arg6 : memref<64x128xf32, #tpu.memory_space<vmem>>) target(%dma_start3A_41 : memref<10240x128xf32, #tpu.memory_space<vmem_shared>>) offsets(%dma_start3A_38 : memref<64xi32, #tpu.memory_space<vmem>>) semaphore(%arg8 : memref<!tpu.dma_semaphore, #tpu.memory_space<semaphore_mem>>) {add = true}
      %add3A_42 = arith.constant 2 : i32
      %add3A_43 = arith.addi %add3A_26, %add3A_42 : i32
      %dma_start3A_44 = arith.constant 0 : i32
      %dma_start3A_45 = tpu.memref_slice %arg4[%add3A_43, %dma_start3A_44] : memref<160x64xi32, #tpu.memory_space<vmem>> -> memref<1x64xi32, #tpu.memory_space<vmem>>
      %dma_start3A_46 = tpu.memref_squeeze %dma_start3A_45 : memref<1x64xi32, #tpu.memory_space<vmem>> -> memref<64xi32, #tpu.memory_space<vmem>>
      %dma_start3A_47 = arith.constant 0 : i32
      %dma_start3A_48 = arith.constant 0 : i32
      %dma_start3A_49 = tpu.memref_slice %arg7[%dma_start3A_47, %dma_start3A_48] : memref<10240x128xf32, #tpu.memory_space<vmem_shared>> -> memref<10240x128xf32, #tpu.memory_space<vmem_shared>>
      tpu.enqueue_indirect_dma source(%arg6 : memref<64x128xf32, #tpu.memory_space<vmem>>) target(%dma_start3A_49 : memref<10240x128xf32, #tpu.memory_space<vmem_shared>>) offsets(%dma_start3A_46 : memref<64xi32, #tpu.memory_space<vmem>>) semaphore(%arg8 : memref<!tpu.dma_semaphore, #tpu.memory_space<semaphore_mem>>) {add = true}
      %add3A_50 = arith.constant 3 : i32
      %add3A_51 = arith.addi %add3A_26, %add3A_50 : i32
      %dma_start3A_52 = arith.constant 0 : i32
      %dma_start3A_53 = tpu.memref_slice %arg4[%add3A_51, %dma_start3A_52] : memref<160x64xi32, #tpu.memory_space<vmem>> -> memref<1x64xi32, #tpu.memory_space<vmem>>
      %dma_start3A_54 = tpu.memref_squeeze %dma_start3A_53 : memref<1x64xi32, #tpu.memory_space<vmem>> -> memref<64xi32, #tpu.memory_space<vmem>>
      %dma_start3A_55 = arith.constant 0 : i32
      %dma_start3A_56 = arith.constant 0 : i32
      %dma_start3A_57 = tpu.memref_slice %arg7[%dma_start3A_55, %dma_start3A_56] : memref<10240x128xf32, #tpu.memory_space<vmem_shared>> -> memref<10240x128xf32, #tpu.memory_space<vmem_shared>>
      tpu.enqueue_indirect_dma source(%arg6 : memref<64x128xf32, #tpu.memory_space<vmem>>) target(%dma_start3A_57 : memref<10240x128xf32, #tpu.memory_space<vmem_shared>>) offsets(%dma_start3A_54 : memref<64xi32, #tpu.memory_space<vmem>>) semaphore(%arg8 : memref<!tpu.dma_semaphore, #tpu.memory_space<semaphore_mem>>) {add = true}
      %add3A_58 = arith.constant 4 : i32
      %add3A_59 = arith.addi %add3A_26, %add3A_58 : i32
      %dma_start3A_60 = arith.constant 0 : i32
      %dma_start3A_61 = tpu.memref_slice %arg4[%add3A_59, %dma_start3A_60] : memref<160x64xi32, #tpu.memory_space<vmem>> -> memref<1x64xi32, #tpu.memory_space<vmem>>
      %dma_start3A_62 = tpu.memref_squeeze %dma_start3A_61 : memref<1x64xi32, #tpu.memory_space<vmem>> -> memref<64xi32, #tpu.memory_space<vmem>>
      %dma_start3A_63 = arith.constant 0 : i32
      %dma_start3A_64 = arith.constant 0 : i32
      %dma_start3A_65 = tpu.memref_slice %arg7[%dma_start3A_63, %dma_start3A_64] : memref<10240x128xf32, #tpu.memory_space<vmem_shared>> -> memref<10240x128xf32, #tpu.memory_space<vmem_shared>>
      tpu.enqueue_indirect_dma source(%arg6 : memref<64x128xf32, #tpu.memory_space<vmem>>) target(%dma_start3A_65 : memref<10240x128xf32, #tpu.memory_space<vmem_shared>>) offsets(%dma_start3A_62 : memref<64xi32, #tpu.memory_space<vmem>>) semaphore(%arg8 : memref<!tpu.dma_semaphore, #tpu.memory_space<semaphore_mem>>) {add = true}
      %add3A_66 = arith.constant 5 : i32
      %add3A_67 = arith.addi %add3A_26, %add3A_66 : i32
      %dma_start3A_68 = arith.constant 0 : i32
      %dma_start3A_69 = tpu.memref_slice %arg4[%add3A_67, %dma_start3A_68] : memref<160x64xi32, #tpu.memory_space<vmem>> -> memref<1x64xi32, #tpu.memory_space<vmem>>
      %dma_start3A_70 = tpu.memref_squeeze %dma_start3A_69 : memref<1x64xi32, #tpu.memory_space<vmem>> -> memref<64xi32, #tpu.memory_space<vmem>>
      %dma_start3A_71 = arith.constant 0 : i32
      %dma_start3A_72 = arith.constant 0 : i32
      %dma_start3A_73 = tpu.memref_slice %arg7[%dma_start3A_71, %dma_start3A_72] : memref<10240x128xf32, #tpu.memory_space<vmem_shared>> -> memref<10240x128xf32, #tpu.memory_space<vmem_shared>>
      tpu.enqueue_indirect_dma source(%arg6 : memref<64x128xf32, #tpu.memory_space<vmem>>) target(%dma_start3A_73 : memref<10240x128xf32, #tpu.memory_space<vmem_shared>>) offsets(%dma_start3A_70 : memref<64xi32, #tpu.memory_space<vmem>>) semaphore(%arg8 : memref<!tpu.dma_semaphore, #tpu.memory_space<semaphore_mem>>) {add = true}
      %add3A_74 = arith.constant 6 : i32
      %add3A_75 = arith.addi %add3A_26, %add3A_74 : i32
      %dma_start3A_76 = arith.constant 0 : i32
      %dma_start3A_77 = tpu.memref_slice %arg4[%add3A_75, %dma_start3A_76] : memref<160x64xi32, #tpu.memory_space<vmem>> -> memref<1x64xi32, #tpu.memory_space<vmem>>
      %dma_start3A_78 = tpu.memref_squeeze %dma_start3A_77 : memref<1x64xi32, #tpu.memory_space<vmem>> -> memref<64xi32, #tpu.memory_space<vmem>>
      %dma_start3A_79 = arith.constant 0 : i32
      %dma_start3A_80 = arith.constant 0 : i32
      %dma_start3A_81 = tpu.memref_slice %arg7[%dma_start3A_79, %dma_start3A_80] : memref<10240x128xf32, #tpu.memory_space<vmem_shared>> -> memref<10240x128xf32, #tpu.memory_space<vmem_shared>>
      tpu.enqueue_indirect_dma source(%arg6 : memref<64x128xf32, #tpu.memory_space<vmem>>) target(%dma_start3A_81 : memref<10240x128xf32, #tpu.memory_space<vmem_shared>>) offsets(%dma_start3A_78 : memref<64xi32, #tpu.memory_space<vmem>>) semaphore(%arg8 : memref<!tpu.dma_semaphore, #tpu.memory_space<semaphore_mem>>) {add = true}
      %add3A_82 = arith.constant 7 : i32
      %add3A_83 = arith.addi %add3A_26, %add3A_82 : i32
      %dma_start3A_84 = arith.constant 0 : i32
      %dma_start3A_85 = tpu.memref_slice %arg4[%add3A_83, %dma_start3A_84] : memref<160x64xi32, #tpu.memory_space<vmem>> -> memref<1x64xi32, #tpu.memory_space<vmem>>
      %dma_start3A_86 = tpu.memref_squeeze %dma_start3A_85 : memref<1x64xi32, #tpu.memory_space<vmem>> -> memref<64xi32, #tpu.memory_space<vmem>>
      %dma_start3A_87 = arith.constant 0 : i32
      %dma_start3A_88 = arith.constant 0 : i32
      %dma_start3A_89 = tpu.memref_slice %arg7[%dma_start3A_87, %dma_start3A_88] : memref<10240x128xf32, #tpu.memory_space<vmem_shared>> -> memref<10240x128xf32, #tpu.memory_space<vmem_shared>>
      tpu.enqueue_indirect_dma source(%arg6 : memref<64x128xf32, #tpu.memory_space<vmem>>) target(%dma_start3A_89 : memref<10240x128xf32, #tpu.memory_space<vmem_shared>>) offsets(%dma_start3A_86 : memref<64xi32, #tpu.memory_space<vmem>>) semaphore(%arg8 : memref<!tpu.dma_semaphore, #tpu.memory_space<semaphore_mem>>) {add = true}
      %add3A_90 = arith.constant 0 : i32
      %add3A_91 = arith.addi %add3A_26, %add3A_90 : i32
      %dma_wait3A = arith.constant 0 : i32
      %dma_wait3A_92 = tpu.memref_slice %arg4[%add3A_91, %dma_wait3A] : memref<160x64xi32, #tpu.memory_space<vmem>> -> memref<1x64xi32, #tpu.memory_space<vmem>>
      %dma_wait3A_93 = tpu.memref_squeeze %dma_wait3A_92 : memref<1x64xi32, #tpu.memory_space<vmem>> -> memref<64xi32, #tpu.memory_space<vmem>>
      %dma_wait3A_94 = arith.constant 0 : i32
      %dma_wait3A_95 = arith.constant 0 : i32
      %dma_wait3A_96 = tpu.memref_slice %arg7[%dma_wait3A_94, %dma_wait3A_95] : memref<10240x128xf32, #tpu.memory_space<vmem_shared>> -> memref<10240x128xf32, #tpu.memory_space<vmem_shared>>
      tpu.wait_indirect_dma semaphore(%arg8 : memref<!tpu.dma_semaphore, #tpu.memory_space<semaphore_mem>>) src(%arg6 : memref<64x128xf32, #tpu.memory_space<vmem>>) dst(%dma_wait3A_96 : memref<10240x128xf32, #tpu.memory_space<vmem_shared>>)
      %add3A_97 = arith.constant 1 : i32
      %add3A_98 = arith.addi %add3A_26, %add3A_97 : i32
      %dma_wait3A_99 = arith.constant 0 : i32
      %dma_wait3A_100 = tpu.memref_slice %arg4[%add3A_98, %dma_wait3A_99] : memref<160x64xi32, #tpu.memory_space<vmem>> -> memref<1x64xi32, #tpu.memory_space<vmem>>
      %dma_wait3A_101 = tpu.memref_squeeze %dma_wait3A_100 : memref<1x64xi32, #tpu.memory_space<vmem>> -> memref<64xi32, #tpu.memory_space<vmem>>
      %dma_wait3A_102 = arith.constant 0 : i32
      %dma_wait3A_103 = arith.constant 0 : i32
      %dma_wait3A_104 = tpu.memref_slice %arg7[%dma_wait3A_102, %dma_wait3A_103] : memref<10240x128xf32, #tpu.memory_space<vmem_shared>> -> memref<10240x128xf32, #tpu.memory_space<vmem_shared>>
      tpu.wait_indirect_dma semaphore(%arg8 : memref<!tpu.dma_semaphore, #tpu.memory_space<semaphore_mem>>) src(%arg6 : memref<64x128xf32, #tpu.memory_space<vmem>>) dst(%dma_wait3A_104 : memref<10240x128xf32, #tpu.memory_space<vmem_shared>>)
      %add3A_105 = arith.constant 2 : i32
      %add3A_106 = arith.addi %add3A_26, %add3A_105 : i32
      %dma_wait3A_107 = arith.constant 0 : i32
      %dma_wait3A_108 = tpu.memref_slice %arg4[%add3A_106, %dma_wait3A_107] : memref<160x64xi32, #tpu.memory_space<vmem>> -> memref<1x64xi32, #tpu.memory_space<vmem>>
      %dma_wait3A_109 = tpu.memref_squeeze %dma_wait3A_108 : memref<1x64xi32, #tpu.memory_space<vmem>> -> memref<64xi32, #tpu.memory_space<vmem>>
      %dma_wait3A_110 = arith.constant 0 : i32
      %dma_wait3A_111 = arith.constant 0 : i32
      %dma_wait3A_112 = tpu.memref_slice %arg7[%dma_wait3A_110, %dma_wait3A_111] : memref<10240x128xf32, #tpu.memory_space<vmem_shared>> -> memref<10240x128xf32, #tpu.memory_space<vmem_shared>>
      tpu.wait_indirect_dma semaphore(%arg8 : memref<!tpu.dma_semaphore, #tpu.memory_space<semaphore_mem>>) src(%arg6 : memref<64x128xf32, #tpu.memory_space<vmem>>) dst(%dma_wait3A_112 : memref<10240x128xf32, #tpu.memory_space<vmem_shared>>)
      %add3A_113 = arith.constant 3 : i32
      %add3A_114 = arith.addi %add3A_26, %add3A_113 : i32
      %dma_wait3A_115 = arith.constant 0 : i32
      %dma_wait3A_116 = tpu.memref_slice %arg4[%add3A_114, %dma_wait3A_115] : memref<160x64xi32, #tpu.memory_space<vmem>> -> memref<1x64xi32, #tpu.memory_space<vmem>>
      %dma_wait3A_117 = tpu.memref_squeeze %dma_wait3A_116 : memref<1x64xi32, #tpu.memory_space<vmem>> -> memref<64xi32, #tpu.memory_space<vmem>>
      %dma_wait3A_118 = arith.constant 0 : i32
      %dma_wait3A_119 = arith.constant 0 : i32
      %dma_wait3A_120 = tpu.memref_slice %arg7[%dma_wait3A_118, %dma_wait3A_119] : memref<10240x128xf32, #tpu.memory_space<vmem_shared>> -> memref<10240x128xf32, #tpu.memory_space<vmem_shared>>
      tpu.wait_indirect_dma semaphore(%arg8 : memref<!tpu.dma_semaphore, #tpu.memory_space<semaphore_mem>>) src(%arg6 : memref<64x128xf32, #tpu.memory_space<vmem>>) dst(%dma_wait3A_120 : memref<10240x128xf32, #tpu.memory_space<vmem_shared>>)
      %add3A_121 = arith.constant 4 : i32
      %add3A_122 = arith.addi %add3A_26, %add3A_121 : i32
      %dma_wait3A_123 = arith.constant 0 : i32
      %dma_wait3A_124 = tpu.memref_slice %arg4[%add3A_122, %dma_wait3A_123] : memref<160x64xi32, #tpu.memory_space<vmem>> -> memref<1x64xi32, #tpu.memory_space<vmem>>
      %dma_wait3A_125 = tpu.memref_squeeze %dma_wait3A_124 : memref<1x64xi32, #tpu.memory_space<vmem>> -> memref<64xi32, #tpu.memory_space<vmem>>
      %dma_wait3A_126 = arith.constant 0 : i32
      %dma_wait3A_127 = arith.constant 0 : i32
      %dma_wait3A_128 = tpu.memref_slice %arg7[%dma_wait3A_126, %dma_wait3A_127] : memref<10240x128xf32, #tpu.memory_space<vmem_shared>> -> memref<10240x128xf32, #tpu.memory_space<vmem_shared>>
      tpu.wait_indirect_dma semaphore(%arg8 : memref<!tpu.dma_semaphore, #tpu.memory_space<semaphore_mem>>) src(%arg6 : memref<64x128xf32, #tpu.memory_space<vmem>>) dst(%dma_wait3A_128 : memref<10240x128xf32, #tpu.memory_space<vmem_shared>>)
      %add3A_129 = arith.constant 5 : i32
      %add3A_130 = arith.addi %add3A_26, %add3A_129 : i32
      %dma_wait3A_131 = arith.constant 0 : i32
      %dma_wait3A_132 = tpu.memref_slice %arg4[%add3A_130, %dma_wait3A_131] : memref<160x64xi32, #tpu.memory_space<vmem>> -> memref<1x64xi32, #tpu.memory_space<vmem>>
      %dma_wait3A_133 = tpu.memref_squeeze %dma_wait3A_132 : memref<1x64xi32, #tpu.memory_space<vmem>> -> memref<64xi32, #tpu.memory_space<vmem>>
      %dma_wait3A_134 = arith.constant 0 : i32
      %dma_wait3A_135 = arith.constant 0 : i32
      %dma_wait3A_136 = tpu.memref_slice %arg7[%dma_wait3A_134, %dma_wait3A_135] : memref<10240x128xf32, #tpu.memory_space<vmem_shared>> -> memref<10240x128xf32, #tpu.memory_space<vmem_shared>>
      tpu.wait_indirect_dma semaphore(%arg8 : memref<!tpu.dma_semaphore, #tpu.memory_space<semaphore_mem>>) src(%arg6 : memref<64x128xf32, #tpu.memory_space<vmem>>) dst(%dma_wait3A_136 : memref<10240x128xf32, #tpu.memory_space<vmem_shared>>)
      %add3A_137 = arith.constant 6 : i32
      %add3A_138 = arith.addi %add3A_26, %add3A_137 : i32
      %dma_wait3A_139 = arith.constant 0 : i32
      %dma_wait3A_140 = tpu.memref_slice %arg4[%add3A_138, %dma_wait3A_139] : memref<160x64xi32, #tpu.memory_space<vmem>> -> memref<1x64xi32, #tpu.memory_space<vmem>>
      %dma_wait3A_141 = tpu.memref_squeeze %dma_wait3A_140 : memref<1x64xi32, #tpu.memory_space<vmem>> -> memref<64xi32, #tpu.memory_space<vmem>>
      %dma_wait3A_142 = arith.constant 0 : i32
      %dma_wait3A_143 = arith.constant 0 : i32
      %dma_wait3A_144 = tpu.memref_slice %arg7[%dma_wait3A_142, %dma_wait3A_143] : memref<10240x128xf32, #tpu.memory_space<vmem_shared>> -> memref<10240x128xf32, #tpu.memory_space<vmem_shared>>
      tpu.wait_indirect_dma semaphore(%arg8 : memref<!tpu.dma_semaphore, #tpu.memory_space<semaphore_mem>>) src(%arg6 : memref<64x128xf32, #tpu.memory_space<vmem>>) dst(%dma_wait3A_144 : memref<10240x128xf32, #tpu.memory_space<vmem_shared>>)
      %add3A_145 = arith.constant 7 : i32
      %add3A_146 = arith.addi %add3A_26, %add3A_145 : i32
      %dma_wait3A_147 = arith.constant 0 : i32
      %dma_wait3A_148 = tpu.memref_slice %arg4[%add3A_146, %dma_wait3A_147] : memref<160x64xi32, #tpu.memory_space<vmem>> -> memref<1x64xi32, #tpu.memory_space<vmem>>
      %dma_wait3A_149 = tpu.memref_squeeze %dma_wait3A_148 : memref<1x64xi32, #tpu.memory_space<vmem>> -> memref<64xi32, #tpu.memory_space<vmem>>
      %dma_wait3A_150 = arith.constant 0 : i32
      %dma_wait3A_151 = arith.constant 0 : i32
      %dma_wait3A_152 = tpu.memref_slice %arg7[%dma_wait3A_150, %dma_wait3A_151] : memref<10240x128xf32, #tpu.memory_space<vmem_shared>> -> memref<10240x128xf32, #tpu.memory_space<vmem_shared>>
      tpu.wait_indirect_dma semaphore(%arg8 : memref<!tpu.dma_semaphore, #tpu.memory_space<semaphore_mem>>) src(%arg6 : memref<64x128xf32, #tpu.memory_space<vmem>>) dst(%dma_wait3A_152 : memref<10240x128xf32, #tpu.memory_space<vmem_shared>>)
    }
    %scan3A_16 = arith.constant 20 : i32
    %barrier3A_17 = arith.constant 0 : index
    tpu.barrier barrier_id(%barrier3A_17)
    %mul3A_18 = arith.constant 640 : i32
    %mul3A_19 = arith.muli %arg1, %mul3A_18 : i32
    %mul3A_20 = arith.constant 640 : i32
    %mul3A_21 = arith.muli %arg1, %mul3A_20 : i32
    "tpu.region"() ({
      %run_scoped3A = tpu.sem_alloc : memref<!tpu.dma_semaphore, #tpu.memory_space<semaphore_mem>>
      %dma_start3A = arith.constant 0 : i32
      %dma_start3A_22 = tpu.memref_slice %arg3[%arg0, %mul3A_21, %dma_start3A] : memref<2x10240x128xf32, #tpu.memory_space<hbm>> -> memref<1x640x128xf32, #tpu.memory_space<hbm>>
      %dma_start3A_23 = tpu.memref_squeeze %dma_start3A_22 : memref<1x640x128xf32, #tpu.memory_space<hbm>> -> memref<640x128xf32, #tpu.memory_space<hbm>>
      %dma_start3A_24 = arith.constant 0 : i32
      %dma_start3A_25 = tpu.memref_slice %arg7[%mul3A_19, %dma_start3A_24] : memref<10240x128xf32, #tpu.memory_space<vmem_shared>> -> memref<640x128xf32, #tpu.memory_space<vmem_shared>>
      tpu.enqueue_dma source(%dma_start3A_25 : memref<640x128xf32, #tpu.memory_space<vmem_shared>>) target(%dma_start3A_23 : memref<640x128xf32, #tpu.memory_space<hbm>>) target_semaphore(%run_scoped3A : memref<!tpu.dma_semaphore, #tpu.memory_space<semaphore_mem>>)
      %dma_wait3A = arith.constant 0 : i32
      %dma_wait3A_26 = tpu.memref_slice %arg3[%arg0, %mul3A_21, %dma_wait3A] : memref<2x10240x128xf32, #tpu.memory_space<hbm>> -> memref<1x640x128xf32, #tpu.memory_space<hbm>>
      %dma_wait3A_27 = tpu.memref_squeeze %dma_wait3A_26 : memref<1x640x128xf32, #tpu.memory_space<hbm>> -> memref<640x128xf32, #tpu.memory_space<hbm>>
      %dma_wait3A_28 = arith.constant 0 : i32
      %dma_wait3A_29 = tpu.memref_slice %arg7[%mul3A_19, %dma_wait3A_28] : memref<10240x128xf32, #tpu.memory_space<vmem_shared>> -> memref<640x128xf32, #tpu.memory_space<vmem_shared>>
      tpu.wait_dma2 semaphore(%run_scoped3A : memref<!tpu.dma_semaphore, #tpu.memory_space<semaphore_mem>>) src(%dma_wait3A_29 : memref<640x128xf32, #tpu.memory_space<vmem_shared>>) dst(%dma_wait3A_27 : memref<640x128xf32, #tpu.memory_space<hbm>>)
      tpu.yield
    }) : () -> ()
    return
  }
}

#map = affine_map<(d0, d1) -> (0, 0, 0)>
#map1 = affine_map<(d0, d1) -> (0, 0)>
module attributes {stable_mosaic.version = 14 : i64} {
  func.func @k(%arg0: i32, %arg1: i32, %arg2: memref<2x10240x128xf32, #tpu.memory_space<hbm>>, %arg3: memref<5120x64xi32, #tpu.memory_space<hbm>>, %arg4: memref<5120x64xi32, #tpu.memory_space<hbm>>, %arg5: memref<2x10240x128xf32, #tpu.memory_space<hbm>>, %arg6: memref<16x64xi32, #tpu.memory_space<vmem>>, %arg7: memref<16x64xi32, #tpu.memory_space<vmem>>, %arg8: memref<64x128xf32, #tpu.memory_space<vmem>>, %arg9: memref<64x128xf32, #tpu.memory_space<vmem>>, %arg10: memref<64x128xf32, #tpu.memory_space<vmem>>, %arg11: memref<64x128xf32, #tpu.memory_space<vmem>>, %arg12: memref<10240x128xf32, #tpu.memory_space<vmem_shared>>, %arg13: memref<!tpu.dma_semaphore, #tpu.memory_space<semaphore_mem>>, %arg14: memref<!tpu.dma_semaphore, #tpu.memory_space<semaphore_mem>>, %arg15: memref<!tpu.dma_semaphore, #tpu.memory_space<semaphore_mem>>, %arg16: memref<!tpu.dma_semaphore, #tpu.memory_space<semaphore_mem>>) attributes {dimension_semantics = [#tpu.dimension_semantics<core_parallel>, #tpu.dimension_semantics<subcore_parallel>], iteration_bounds = array<i64: 2, 16>, scalar_prefetch = 0 : i64, scratch_operands = 11 : i64, tpu.core_type = #tpu.core_type<sc_vector_subcore>, window_params = [{transform_indices = #map}, {transform_indices = #map1}, {transform_indices = #map1}, {transform_indices = #map}]} {
    %eq3A = arith.constant 0 : i32
    %eq3A_0 = arith.cmpi eq, %arg0, %eq3A : i32
    %mul3A = arith.constant 304 : i32
    %mul3A_1 = arith.muli %arg1, %mul3A : i32
    %mul3A_2 = arith.constant 16 : i32
    %mul3A_3 = arith.muli %arg1, %mul3A_2 : i32
    %add3A = arith.constant 4864 : i32
    %add3A_4 = arith.addi %add3A, %mul3A_3 : i32
    %select_n3A = arith.select %eq3A_0, %mul3A_1, %add3A_4 : i32
    %eq3A_5 = arith.constant 0 : i32
    %eq3A_6 = arith.cmpi eq, %arg0, %eq3A_5 : i32
    %jit3A = arith.constant 304 : i32
    %jit3A_7 = arith.constant 16 : i32
    %select_n3A_8 = arith.select %eq3A_6, %jit3A, %jit3A_7 : i32
    %scan3A = arith.constant 0 : i32
    %scan3A_9 = arith.constant 64 : i32
    %scan3A_10 = arith.addi %scan3A, %scan3A_9 : i32
    %scan3A_11 = arith.constant 1 : i32
    scf.for %scan3A_39 = %scan3A to %scan3A_10 step %scan3A_11  : i32 {
      %mul3A_40 = arith.constant 1 : i32
      %mul3A_41 = arith.muli %scan3A_39, %mul3A_40 : i32
      %add3A_42 = arith.constant 0 : i32
      %add3A_43 = arith.addi %add3A_42, %mul3A_41 : i32
      %scan3A_44 = arith.constant 0 : i32
      %scan3A_45 = arith.constant 8 : i32
      %scan3A_46 = arith.addi %scan3A_44, %scan3A_45 : i32
      %scan3A_47 = arith.constant 1 : i32
      scf.for %scan3A_49 = %scan3A_44 to %scan3A_46 step %scan3A_47  : i32 {
        %mul3A_50 = arith.constant 16 : i32
        %mul3A_51 = arith.muli %scan3A_49, %mul3A_50 : i32
        %add3A_52 = arith.constant 0 : i32
        %add3A_53 = arith.addi %add3A_52, %mul3A_51 : i32
        %broadcast_in_dim3A = arith.constant 0.000000e+00 : f32
        %broadcast_in_dim3A_54 = vector.broadcast %broadcast_in_dim3A : f32 to vector<16xf32>
        %swap3A = arith.index_cast %add3A_43 : i32 to index
        %swap3A_55 = arith.index_cast %add3A_53 : i32 to index
        %swap3A_56 = tpu.vector_load %arg8[%swap3A, %swap3A_55] {strides = array<i32>} : memref<64x128xf32, #tpu.memory_space<vmem>>, vector<1x16xf32>,
        %swap3A_57 = vector.shape_cast %swap3A_56 : vector<1x16xf32> to vector<16xf32>
        %swap3A_58 = vector.shape_cast %broadcast_in_dim3A_54 : vector<16xf32> to vector<1x16xf32>
        tpu.vector_store %arg8[%swap3A, %swap3A_55], %swap3A_58 {strides = array<i32>} : memref<64x128xf32, #tpu.memory_space<vmem>>, vector<1x16xf32>,
      }
      %scan3A_48 = arith.constant 8 : i32
    }
    %scan3A_12 = arith.constant 64 : i32
    %scan3A_13 = arith.constant 0 : i32
    %scan3A_14 = arith.constant 10 : i32
    %scan3A_15 = arith.addi %scan3A_13, %scan3A_14 : i32
    %scan3A_16 = arith.constant 1 : i32
    scf.for %scan3A_39 = %scan3A_13 to %scan3A_15 step %scan3A_16  : i32 {
      %mul3A_40 = arith.constant 64 : i32
      %mul3A_41 = arith.muli %scan3A_39, %mul3A_40 : i32
      %add3A_42 = arith.constant 0 : i32
      %add3A_43 = arith.addi %add3A_42, %mul3A_41 : i32
      %mul3A_44 = arith.constant 640 : i32
      %mul3A_45 = arith.muli %arg1, %mul3A_44 : i32
      %add3A_46 = arith.addi %mul3A_45, %add3A_43 : i32
      "tpu.region"() ({
        %run_scoped3A = tpu.sem_alloc : memref<!tpu.dma_semaphore, #tpu.memory_space<semaphore_mem>>
        %dma_start3A = arith.constant 0 : i32
        %dma_start3A_47 = tpu.memref_slice %arg12[%add3A_46, %dma_start3A] : memref<10240x128xf32, #tpu.memory_space<vmem_shared>> -> memref<64x128xf32, #tpu.memory_space<vmem_shared>>
        %dma_start3A_48 = arith.constant 0 : i32
        %dma_start3A_49 = tpu.memref_slice %arg12[%add3A_46, %dma_start3A_48] : memref<10240x128xf32, #tpu.memory_space<vmem_shared>> -> memref<64x128xf32, #tpu.memory_space<vmem_shared>>
        tpu.enqueue_dma source(%arg8 : memref<64x128xf32, #tpu.memory_space<vmem>>) target(%dma_start3A_49 : memref<64x128xf32, #tpu.memory_space<vmem_shared>>) target_semaphore(%run_scoped3A : memref<!tpu.dma_semaphore, #tpu.memory_space<semaphore_mem>>)
        %dma_wait3A = arith.constant 0 : i32
        %dma_wait3A_50 = tpu.memref_slice %arg12[%add3A_46, %dma_wait3A] : memref<10240x128xf32, #tpu.memory_space<vmem_shared>> -> memref<64x128xf32, #tpu.memory_space<vmem_shared>>
        %dma_wait3A_51 = arith.constant 0 : i32
        %dma_wait3A_52 = tpu.memref_slice %arg12[%add3A_46, %dma_wait3A_51] : memref<10240x128xf32, #tpu.memory_space<vmem_shared>> -> memref<64x128xf32, #tpu.memory_space<vmem_shared>>
        tpu.wait_dma2 semaphore(%run_scoped3A : memref<!tpu.dma_semaphore, #tpu.memory_space<semaphore_mem>>) src(%arg8 : memref<64x128xf32, #tpu.memory_space<vmem>>) dst(%dma_wait3A_52 : memref<64x128xf32, #tpu.memory_space<vmem_shared>>)
        tpu.yield
      }) : () -> ()
    }
    %scan3A_17 = arith.constant 10 : i32
    %barrier3A = arith.constant 0 : index
    tpu.barrier barrier_id(%barrier3A)
    %sub3A = arith.constant 0 : i32
    %sub3A_18 = arith.subi %select_n3A_8, %sub3A : i32
    %sub3A_19 = arith.constant 16 : i32
    %sub3A_20 = arith.constant 1 : i32
    %sub3A_21 = arith.subi %sub3A_19, %sub3A_20 : i32
    %add3A_22 = arith.addi %sub3A_18, %sub3A_21 : i32
    %div3A = arith.constant 16 : i32
    %div3A_23 = arith.divsi %add3A_22, %div3A : i32
    %while3A = arith.constant 16 : i32
    %while3A_24 = arith.constant 0 : i32
    %while3A_25 = arith.constant 0 : i32
    %while3A_26 = arith.subi %div3A_23, %while3A_25 : i32
    %while3A_27 = arith.addi %while3A_25, %while3A_26 : i32
    %while3A_28 = arith.constant 1 : i32
    %while3A_29 = arith.divsi %while3A_26, %while3A_28 : i32
    %while3A_30 = arith.muli %while3A_29, %while3A_28 : i32
    %while3A_31 = arith.addi %while3A_25, %while3A_30 : i32
    %while3A_32 = arith.constant 1 : i32
    scf.for %while3A_39 = %while3A_25 to %while3A_31 step %while3A_32  : i32 {
      %mul3A_40 = arith.muli %while3A_39, %while3A : i32
      %add3A_41 = arith.addi %while3A_24, %mul3A_40 : i32
      %add3A_42 = arith.addi %select_n3A, %add3A_41 : i32
      "tpu.region"() ({
        %run_scoped3A = tpu.sem_alloc : memref<!tpu.dma_semaphore, #tpu.memory_space<semaphore_mem>>
        %dma_start3A_92 = arith.constant 0 : i32
        %dma_start3A_93 = tpu.memref_slice %arg3[%add3A_42, %dma_start3A_92] : memref<5120x64xi32, #tpu.memory_space<hbm>> -> memref<16x64xi32, #tpu.memory_space<hbm>>
        %dma_start3A_94 = arith.constant 0 : i32
        %dma_start3A_95 = tpu.memref_slice %arg3[%add3A_42, %dma_start3A_94] : memref<5120x64xi32, #tpu.memory_space<hbm>> -> memref<16x64xi32, #tpu.memory_space<hbm>>
        tpu.enqueue_dma source(%dma_start3A_95 : memref<16x64xi32, #tpu.memory_space<hbm>>) target(%arg6 : memref<16x64xi32, #tpu.memory_space<vmem>>) target_semaphore(%run_scoped3A : memref<!tpu.dma_semaphore, #tpu.memory_space<semaphore_mem>>)
        %dma_wait3A = arith.constant 0 : i32
        %dma_wait3A_96 = tpu.memref_slice %arg3[%add3A_42, %dma_wait3A] : memref<5120x64xi32, #tpu.memory_space<hbm>> -> memref<16x64xi32, #tpu.memory_space<hbm>>
        %dma_wait3A_97 = arith.constant 0 : i32
        %dma_wait3A_98 = tpu.memref_slice %arg3[%add3A_42, %dma_wait3A_97] : memref<5120x64xi32, #tpu.memory_space<hbm>> -> memref<16x64xi32, #tpu.memory_space<hbm>>
        tpu.wait_dma2 semaphore(%run_scoped3A : memref<!tpu.dma_semaphore, #tpu.memory_space<semaphore_mem>>) src(%dma_wait3A_98 : memref<16x64xi32, #tpu.memory_space<hbm>>) dst(%arg6 : memref<16x64xi32, #tpu.memory_space<vmem>>)
        tpu.yield
      }) : () -> ()
      %add3A_43 = arith.addi %select_n3A, %add3A_41 : i32
      "tpu.region"() ({
        %run_scoped3A = tpu.sem_alloc : memref<!tpu.dma_semaphore, #tpu.memory_space<semaphore_mem>>
        %dma_start3A_92 = arith.constant 0 : i32
        %dma_start3A_93 = tpu.memref_slice %arg4[%add3A_43, %dma_start3A_92] : memref<5120x64xi32, #tpu.memory_space<hbm>> -> memref<16x64xi32, #tpu.memory_space<hbm>>
        %dma_start3A_94 = arith.constant 0 : i32
        %dma_start3A_95 = tpu.memref_slice %arg4[%add3A_43, %dma_start3A_94] : memref<5120x64xi32, #tpu.memory_space<hbm>> -> memref<16x64xi32, #tpu.memory_space<hbm>>
        tpu.enqueue_dma source(%dma_start3A_95 : memref<16x64xi32, #tpu.memory_space<hbm>>) target(%arg7 : memref<16x64xi32, #tpu.memory_space<vmem>>) target_semaphore(%run_scoped3A : memref<!tpu.dma_semaphore, #tpu.memory_space<semaphore_mem>>)
        %dma_wait3A = arith.constant 0 : i32
        %dma_wait3A_96 = tpu.memref_slice %arg4[%add3A_43, %dma_wait3A] : memref<5120x64xi32, #tpu.memory_space<hbm>> -> memref<16x64xi32, #tpu.memory_space<hbm>>
        %dma_wait3A_97 = arith.constant 0 : i32
        %dma_wait3A_98 = tpu.memref_slice %arg4[%add3A_43, %dma_wait3A_97] : memref<5120x64xi32, #tpu.memory_space<hbm>> -> memref<16x64xi32, #tpu.memory_space<hbm>>
        tpu.wait_dma2 semaphore(%run_scoped3A : memref<!tpu.dma_semaphore, #tpu.memory_space<semaphore_mem>>) src(%dma_wait3A_98 : memref<16x64xi32, #tpu.memory_space<hbm>>) dst(%arg7 : memref<16x64xi32, #tpu.memory_space<vmem>>)
        tpu.yield
      }) : () -> ()
      %dma_start3A = arith.constant 0 : i32
      %dma_start3A_44 = arith.constant 0 : i32
      %dma_start3A_45 = tpu.memref_slice %arg6[%dma_start3A, %dma_start3A_44] : memref<16x64xi32, #tpu.memory_space<vmem>> -> memref<1x64xi32, #tpu.memory_space<vmem>>
      %dma_start3A_46 = tpu.memref_squeeze %dma_start3A_45 : memref<1x64xi32, #tpu.memory_space<vmem>> -> memref<64xi32, #tpu.memory_space<vmem>>
      %dma_start3A_47 = arith.constant 0 : i32
      %dma_start3A_48 = arith.constant 0 : i32
      %dma_start3A_49 = tpu.memref_slice %arg2[%arg0, %dma_start3A_47, %dma_start3A_48] : memref<2x10240x128xf32, #tpu.memory_space<hbm>> -> memref<1x10240x128xf32, #tpu.memory_space<hbm>>
      %dma_start3A_50 = tpu.memref_squeeze %dma_start3A_49 : memref<1x10240x128xf32, #tpu.memory_space<hbm>> -> memref<10240x128xf32, #tpu.memory_space<hbm>>
      %dma_start3A_51 = arith.constant 0 : i32
      %dma_start3A_52 = arith.constant 0 : i32
      %dma_start3A_53 = tpu.memref_slice %dma_start3A_50[%dma_start3A_51, %dma_start3A_52] : memref<10240x128xf32, #tpu.memory_space<hbm>> -> memref<10240x128xf32, #tpu.memory_space<hbm>>
      tpu.enqueue_indirect_dma source(%dma_start3A_53 : memref<10240x128xf32, #tpu.memory_space<hbm>>) target(%arg8 : memref<64x128xf32, #tpu.memory_space<vmem>>) offsets(%dma_start3A_46 : memref<64xi32, #tpu.memory_space<vmem>>) semaphore(%arg13 : memref<!tpu.dma_semaphore, #tpu.memory_space<semaphore_mem>>)
      %dma_start3A_54 = arith.constant 1 : i32
      %dma_start3A_55 = arith.constant 0 : i32
      %dma_start3A_56 = tpu.memref_slice %arg6[%dma_start3A_54, %dma_start3A_55] : memref<16x64xi32, #tpu.memory_space<vmem>> -> memref<1x64xi32, #tpu.memory_space<vmem>>
      %dma_start3A_57 = tpu.memref_squeeze %dma_start3A_56 : memref<1x64xi32, #tpu.memory_space<vmem>> -> memref<64xi32, #tpu.memory_space<vmem>>
      %dma_start3A_58 = arith.constant 0 : i32
      %dma_start3A_59 = arith.constant 0 : i32
      %dma_start3A_60 = tpu.memref_slice %arg2[%arg0, %dma_start3A_58, %dma_start3A_59] : memref<2x10240x128xf32, #tpu.memory_space<hbm>> -> memref<1x10240x128xf32, #tpu.memory_space<hbm>>
      %dma_start3A_61 = tpu.memref_squeeze %dma_start3A_60 : memref<1x10240x128xf32, #tpu.memory_space<hbm>> -> memref<10240x128xf32, #tpu.memory_space<hbm>>
      %dma_start3A_62 = arith.constant 0 : i32
      %dma_start3A_63 = arith.constant 0 : i32
      %dma_start3A_64 = tpu.memref_slice %dma_start3A_61[%dma_start3A_62, %dma_start3A_63] : memref<10240x128xf32, #tpu.memory_space<hbm>> -> memref<10240x128xf32, #tpu.memory_space<hbm>>
      tpu.enqueue_indirect_dma source(%dma_start3A_64 : memref<10240x128xf32, #tpu.memory_space<hbm>>) target(%arg9 : memref<64x128xf32, #tpu.memory_space<vmem>>) offsets(%dma_start3A_57 : memref<64xi32, #tpu.memory_space<vmem>>) semaphore(%arg14 : memref<!tpu.dma_semaphore, #tpu.memory_space<semaphore_mem>>)
      %dma_start3A_65 = arith.constant 2 : i32
      %dma_start3A_66 = arith.constant 0 : i32
      %dma_start3A_67 = tpu.memref_slice %arg6[%dma_start3A_65, %dma_start3A_66] : memref<16x64xi32, #tpu.memory_space<vmem>> -> memref<1x64xi32, #tpu.memory_space<vmem>>
      %dma_start3A_68 = tpu.memref_squeeze %dma_start3A_67 : memref<1x64xi32, #tpu.memory_space<vmem>> -> memref<64xi32, #tpu.memory_space<vmem>>
      %dma_start3A_69 = arith.constant 0 : i32
      %dma_start3A_70 = arith.constant 0 : i32
      %dma_start3A_71 = tpu.memref_slice %arg2[%arg0, %dma_start3A_69, %dma_start3A_70] : memref<2x10240x128xf32, #tpu.memory_space<hbm>> -> memref<1x10240x128xf32, #tpu.memory_space<hbm>>
      %dma_start3A_72 = tpu.memref_squeeze %dma_start3A_71 : memref<1x10240x128xf32, #tpu.memory_space<hbm>> -> memref<10240x128xf32, #tpu.memory_space<hbm>>
      %dma_start3A_73 = arith.constant 0 : i32
      %dma_start3A_74 = arith.constant 0 : i32
      %dma_start3A_75 = tpu.memref_slice %dma_start3A_72[%dma_start3A_73, %dma_start3A_74] : memref<10240x128xf32, #tpu.memory_space<hbm>> -> memref<10240x128xf32, #tpu.memory_space<hbm>>
      tpu.enqueue_indirect_dma source(%dma_start3A_75 : memref<10240x128xf32, #tpu.memory_space<hbm>>) target(%arg10 : memref<64x128xf32, #tpu.memory_space<vmem>>) offsets(%dma_start3A_68 : memref<64xi32, #tpu.memory_space<vmem>>) semaphore(%arg15 : memref<!tpu.dma_semaphore, #tpu.memory_space<semaphore_mem>>)
      %dma_start3A_76 = arith.constant 3 : i32
      %dma_start3A_77 = arith.constant 0 : i32
      %dma_start3A_78 = tpu.memref_slice %arg6[%dma_start3A_76, %dma_start3A_77] : memref<16x64xi32, #tpu.memory_space<vmem>> -> memref<1x64xi32, #tpu.memory_space<vmem>>
      %dma_start3A_79 = tpu.memref_squeeze %dma_start3A_78 : memref<1x64xi32, #tpu.memory_space<vmem>> -> memref<64xi32, #tpu.memory_space<vmem>>
      %dma_start3A_80 = arith.constant 0 : i32
      %dma_start3A_81 = arith.constant 0 : i32
      %dma_start3A_82 = tpu.memref_slice %arg2[%arg0, %dma_start3A_80, %dma_start3A_81] : memref<2x10240x128xf32, #tpu.memory_space<hbm>> -> memref<1x10240x128xf32, #tpu.memory_space<hbm>>
      %dma_start3A_83 = tpu.memref_squeeze %dma_start3A_82 : memref<1x10240x128xf32, #tpu.memory_space<hbm>> -> memref<10240x128xf32, #tpu.memory_space<hbm>>
      %dma_start3A_84 = arith.constant 0 : i32
      %dma_start3A_85 = arith.constant 0 : i32
      %dma_start3A_86 = tpu.memref_slice %dma_start3A_83[%dma_start3A_84, %dma_start3A_85] : memref<10240x128xf32, #tpu.memory_space<hbm>> -> memref<10240x128xf32, #tpu.memory_space<hbm>>
      tpu.enqueue_indirect_dma source(%dma_start3A_86 : memref<10240x128xf32, #tpu.memory_space<hbm>>) target(%arg11 : memref<64x128xf32, #tpu.memory_space<vmem>>) offsets(%dma_start3A_79 : memref<64xi32, #tpu.memory_space<vmem>>) semaphore(%arg16 : memref<!tpu.dma_semaphore, #tpu.memory_space<semaphore_mem>>)
      %scan3A_87 = arith.constant 0 : i32
      %scan3A_88 = arith.constant 4 : i32
      %scan3A_89 = arith.addi %scan3A_87, %scan3A_88 : i32
      %scan3A_90 = arith.constant 1 : i32
      scf.for %scan3A_92 = %scan3A_87 to %scan3A_89 step %scan3A_90  : i32 {
        %mul3A_93 = arith.constant 4 : i32
        %mul3A_94 = arith.muli %scan3A_92, %mul3A_93 : i32
        %add3A_95 = arith.constant 0 : i32
        %add3A_96 = arith.addi %add3A_95, %mul3A_94 : i32
        %add3A_97 = arith.constant 0 : i32
        %add3A_98 = arith.addi %add3A_96, %add3A_97 : i32
        %dma_wait3A = arith.constant 0 : i32
        %dma_wait3A_99 = tpu.memref_slice %arg6[%add3A_98, %dma_wait3A] : memref<16x64xi32, #tpu.memory_space<vmem>> -> memref<1x64xi32, #tpu.memory_space<vmem>>
        %dma_wait3A_100 = tpu.memref_squeeze %dma_wait3A_99 : memref<1x64xi32, #tpu.memory_space<vmem>> -> memref<64xi32, #tpu.memory_space<vmem>>
        %dma_wait3A_101 = arith.constant 0 : i32
        %dma_wait3A_102 = arith.constant 0 : i32
        %dma_wait3A_103 = tpu.memref_slice %arg2[%arg0, %dma_wait3A_101, %dma_wait3A_102] : memref<2x10240x128xf32, #tpu.memory_space<hbm>> -> memref<1x10240x128xf32, #tpu.memory_space<hbm>>
        %dma_wait3A_104 = tpu.memref_squeeze %dma_wait3A_103 : memref<1x10240x128xf32, #tpu.memory_space<hbm>> -> memref<10240x128xf32, #tpu.memory_space<hbm>>
        %dma_wait3A_105 = arith.constant 0 : i32
        %dma_wait3A_106 = arith.constant 0 : i32
        %dma_wait3A_107 = tpu.memref_slice %dma_wait3A_104[%dma_wait3A_105, %dma_wait3A_106] : memref<10240x128xf32, #tpu.memory_space<hbm>> -> memref<10240x128xf32, #tpu.memory_space<hbm>>
        tpu.wait_indirect_dma semaphore(%arg13 : memref<!tpu.dma_semaphore, #tpu.memory_space<semaphore_mem>>) src(%dma_wait3A_107 : memref<10240x128xf32, #tpu.memory_space<hbm>>) dst(%arg8 : memref<64x128xf32, #tpu.memory_space<vmem>>)
        %add3A_108 = arith.constant 0 : i32
        %add3A_109 = arith.addi %add3A_96, %add3A_108 : i32
        "tpu.region"() ({
          %run_scoped3A = tpu.sem_alloc : memref<!tpu.dma_semaphore, #tpu.memory_space<semaphore_mem>>
          %dma_start3A_185 = arith.constant 0 : i32
          %dma_start3A_186 = tpu.memref_slice %arg7[%add3A_109, %dma_start3A_185] : memref<16x64xi32, #tpu.memory_space<vmem>> -> memref<1x64xi32, #tpu.memory_space<vmem>>
          %dma_start3A_187 = tpu.memref_squeeze %dma_start3A_186 : memref<1x64xi32, #tpu.memory_space<vmem>> -> memref<64xi32, #tpu.memory_space<vmem>>
          %dma_start3A_188 = arith.constant 0 : i32
          %dma_start3A_189 = arith.constant 0 : i32
          %dma_start3A_190 = tpu.memref_slice %arg12[%dma_start3A_188, %dma_start3A_189] : memref<10240x128xf32, #tpu.memory_space<vmem_shared>> -> memref<10240x128xf32, #tpu.memory_space<vmem_shared>>
          tpu.enqueue_indirect_dma source(%arg8 : memref<64x128xf32, #tpu.memory_space<vmem>>) target(%dma_start3A_190 : memref<10240x128xf32, #tpu.memory_space<vmem_shared>>) offsets(%dma_start3A_187 : memref<64xi32, #tpu.memory_space<vmem>>) semaphore(%run_scoped3A : memref<!tpu.dma_semaphore, #tpu.memory_space<semaphore_mem>>) {add = true}
          %dma_wait3A_191 = arith.constant 0 : i32
          %dma_wait3A_192 = tpu.memref_slice %arg7[%add3A_109, %dma_wait3A_191] : memref<16x64xi32, #tpu.memory_space<vmem>> -> memref<1x64xi32, #tpu.memory_space<vmem>>
          %dma_wait3A_193 = tpu.memref_squeeze %dma_wait3A_192 : memref<1x64xi32, #tpu.memory_space<vmem>> -> memref<64xi32, #tpu.memory_space<vmem>>
          %dma_wait3A_194 = arith.constant 0 : i32
          %dma_wait3A_195 = arith.constant 0 : i32
          %dma_wait3A_196 = tpu.memref_slice %arg12[%dma_wait3A_194, %dma_wait3A_195] : memref<10240x128xf32, #tpu.memory_space<vmem_shared>> -> memref<10240x128xf32, #tpu.memory_space<vmem_shared>>
          tpu.wait_indirect_dma semaphore(%run_scoped3A : memref<!tpu.dma_semaphore, #tpu.memory_space<semaphore_mem>>) src(%arg8 : memref<64x128xf32, #tpu.memory_space<vmem>>) dst(%dma_wait3A_196 : memref<10240x128xf32, #tpu.memory_space<vmem_shared>>)
          tpu.yield
        }) : () -> ()
        %add3A_110 = arith.constant 0 : i32
        %add3A_111 = arith.addi %add3A_96, %add3A_110 : i32
        %add3A_112 = arith.constant 4 : i32
        %add3A_113 = arith.addi %add3A_111, %add3A_112 : i32
        %lt3A = arith.constant 16 : i32
        %lt3A_114 = arith.cmpi slt, %add3A_113, %lt3A : i32
        %convert_element_type3A = arith.extui %lt3A_114 : i1 to i32
        %cond3A = arith.constant 0 : i32
        %cond3A_115 = arith.cmpi ne, %convert_element_type3A, %cond3A : i32
        scf.if %cond3A_115 {
          %add3A_185 = arith.constant 0 : i32
          %add3A_186 = arith.addi %add3A_96, %add3A_185 : i32
          %add3A_187 = arith.constant 4 : i32
          %add3A_188 = arith.addi %add3A_186, %add3A_187 : i32
          %dma_start3A_189 = arith.constant 0 : i32
          %dma_start3A_190 = tpu.memref_slice %arg6[%add3A_188, %dma_start3A_189] : memref<16x64xi32, #tpu.memory_space<vmem>> -> memref<1x64xi32, #tpu.memory_space<vmem>>
          %dma_start3A_191 = tpu.memref_squeeze %dma_start3A_190 : memref<1x64xi32, #tpu.memory_space<vmem>> -> memref<64xi32, #tpu.memory_space<vmem>>
          %dma_start3A_192 = arith.constant 0 : i32
          %dma_start3A_193 = arith.constant 0 : i32
          %dma_start3A_194 = tpu.memref_slice %arg2[%arg0, %dma_start3A_192, %dma_start3A_193] : memref<2x10240x128xf32, #tpu.memory_space<hbm>> -> memref<1x10240x128xf32, #tpu.memory_space<hbm>>
          %dma_start3A_195 = tpu.memref_squeeze %dma_start3A_194 : memref<1x10240x128xf32, #tpu.memory_space<hbm>> -> memref<10240x128xf32, #tpu.memory_space<hbm>>
          %dma_start3A_196 = arith.constant 0 : i32
          %dma_start3A_197 = arith.constant 0 : i32
          %dma_start3A_198 = tpu.memref_slice %dma_start3A_195[%dma_start3A_196, %dma_start3A_197] : memref<10240x128xf32, #tpu.memory_space<hbm>> -> memref<10240x128xf32, #tpu.memory_space<hbm>>
          tpu.enqueue_indirect_dma source(%dma_start3A_198 : memref<10240x128xf32, #tpu.memory_space<hbm>>) target(%arg8 : memref<64x128xf32, #tpu.memory_space<vmem>>) offsets(%dma_start3A_191 : memref<64xi32, #tpu.memory_space<vmem>>) semaphore(%arg13 : memref<!tpu.dma_semaphore, #tpu.memory_space<semaphore_mem>>)
        } else {
        }
        %add3A_116 = arith.constant 1 : i32
        %add3A_117 = arith.addi %add3A_96, %add3A_116 : i32
        %dma_wait3A_118 = arith.constant 0 : i32
        %dma_wait3A_119 = tpu.memref_slice %arg6[%add3A_117, %dma_wait3A_118] : memref<16x64xi32, #tpu.memory_space<vmem>> -> memref<1x64xi32, #tpu.memory_space<vmem>>
        %dma_wait3A_120 = tpu.memref_squeeze %dma_wait3A_119 : memref<1x64xi32, #tpu.memory_space<vmem>> -> memref<64xi32, #tpu.memory_space<vmem>>
        %dma_wait3A_121 = arith.constant 0 : i32
        %dma_wait3A_122 = arith.constant 0 : i32
        %dma_wait3A_123 = tpu.memref_slice %arg2[%arg0, %dma_wait3A_121, %dma_wait3A_122] : memref<2x10240x128xf32, #tpu.memory_space<hbm>> -> memref<1x10240x128xf32, #tpu.memory_space<hbm>>
        %dma_wait3A_124 = tpu.memref_squeeze %dma_wait3A_123 : memref<1x10240x128xf32, #tpu.memory_space<hbm>> -> memref<10240x128xf32, #tpu.memory_space<hbm>>
        %dma_wait3A_125 = arith.constant 0 : i32
        %dma_wait3A_126 = arith.constant 0 : i32
        %dma_wait3A_127 = tpu.memref_slice %dma_wait3A_124[%dma_wait3A_125, %dma_wait3A_126] : memref<10240x128xf32, #tpu.memory_space<hbm>> -> memref<10240x128xf32, #tpu.memory_space<hbm>>
        tpu.wait_indirect_dma semaphore(%arg14 : memref<!tpu.dma_semaphore, #tpu.memory_space<semaphore_mem>>) src(%dma_wait3A_127 : memref<10240x128xf32, #tpu.memory_space<hbm>>) dst(%arg9 : memref<64x128xf32, #tpu.memory_space<vmem>>)
        %add3A_128 = arith.constant 1 : i32
        %add3A_129 = arith.addi %add3A_96, %add3A_128 : i32
        "tpu.region"() ({
          %run_scoped3A = tpu.sem_alloc : memref<!tpu.dma_semaphore, #tpu.memory_space<semaphore_mem>>
          %dma_start3A_185 = arith.constant 0 : i32
          %dma_start3A_186 = tpu.memref_slice %arg7[%add3A_129, %dma_start3A_185] : memref<16x64xi32, #tpu.memory_space<vmem>> -> memref<1x64xi32, #tpu.memory_space<vmem>>
          %dma_start3A_187 = tpu.memref_squeeze %dma_start3A_186 : memref<1x64xi32, #tpu.memory_space<vmem>> -> memref<64xi32, #tpu.memory_space<vmem>>
          %dma_start3A_188 = arith.constant 0 : i32
          %dma_start3A_189 = arith.constant 0 : i32
          %dma_start3A_190 = tpu.memref_slice %arg12[%dma_start3A_188, %dma_start3A_189] : memref<10240x128xf32, #tpu.memory_space<vmem_shared>> -> memref<10240x128xf32, #tpu.memory_space<vmem_shared>>
          tpu.enqueue_indirect_dma source(%arg9 : memref<64x128xf32, #tpu.memory_space<vmem>>) target(%dma_start3A_190 : memref<10240x128xf32, #tpu.memory_space<vmem_shared>>) offsets(%dma_start3A_187 : memref<64xi32, #tpu.memory_space<vmem>>) semaphore(%run_scoped3A : memref<!tpu.dma_semaphore, #tpu.memory_space<semaphore_mem>>) {add = true}
          %dma_wait3A_191 = arith.constant 0 : i32
          %dma_wait3A_192 = tpu.memref_slice %arg7[%add3A_129, %dma_wait3A_191] : memref<16x64xi32, #tpu.memory_space<vmem>> -> memref<1x64xi32, #tpu.memory_space<vmem>>
          %dma_wait3A_193 = tpu.memref_squeeze %dma_wait3A_192 : memref<1x64xi32, #tpu.memory_space<vmem>> -> memref<64xi32, #tpu.memory_space<vmem>>
          %dma_wait3A_194 = arith.constant 0 : i32
          %dma_wait3A_195 = arith.constant 0 : i32
          %dma_wait3A_196 = tpu.memref_slice %arg12[%dma_wait3A_194, %dma_wait3A_195] : memref<10240x128xf32, #tpu.memory_space<vmem_shared>> -> memref<10240x128xf32, #tpu.memory_space<vmem_shared>>
          tpu.wait_indirect_dma semaphore(%run_scoped3A : memref<!tpu.dma_semaphore, #tpu.memory_space<semaphore_mem>>) src(%arg9 : memref<64x128xf32, #tpu.memory_space<vmem>>) dst(%dma_wait3A_196 : memref<10240x128xf32, #tpu.memory_space<vmem_shared>>)
          tpu.yield
        }) : () -> ()
        %add3A_130 = arith.constant 1 : i32
        %add3A_131 = arith.addi %add3A_96, %add3A_130 : i32
        %add3A_132 = arith.constant 4 : i32
        %add3A_133 = arith.addi %add3A_131, %add3A_132 : i32
        %lt3A_134 = arith.constant 16 : i32
        %lt3A_135 = arith.cmpi slt, %add3A_133, %lt3A_134 : i32
        %convert_element_type3A_136 = arith.extui %lt3A_135 : i1 to i32
        %cond3A_137 = arith.constant 0 : i32
        %cond3A_138 = arith.cmpi ne, %convert_element_type3A_136, %cond3A_137 : i32
        scf.if %cond3A_138 {
          %add3A_185 = arith.constant 1 : i32
          %add3A_186 = arith.addi %add3A_96, %add3A_185 : i32
          %add3A_187 = arith.constant 4 : i32
          %add3A_188 = arith.addi %add3A_186, %add3A_187 : i32
          %dma_start3A_189 = arith.constant 0 : i32
          %dma_start3A_190 = tpu.memref_slice %arg6[%add3A_188, %dma_start3A_189] : memref<16x64xi32, #tpu.memory_space<vmem>> -> memref<1x64xi32, #tpu.memory_space<vmem>>
          %dma_start3A_191 = tpu.memref_squeeze %dma_start3A_190 : memref<1x64xi32, #tpu.memory_space<vmem>> -> memref<64xi32, #tpu.memory_space<vmem>>
          %dma_start3A_192 = arith.constant 0 : i32
          %dma_start3A_193 = arith.constant 0 : i32
          %dma_start3A_194 = tpu.memref_slice %arg2[%arg0, %dma_start3A_192, %dma_start3A_193] : memref<2x10240x128xf32, #tpu.memory_space<hbm>> -> memref<1x10240x128xf32, #tpu.memory_space<hbm>>
          %dma_start3A_195 = tpu.memref_squeeze %dma_start3A_194 : memref<1x10240x128xf32, #tpu.memory_space<hbm>> -> memref<10240x128xf32, #tpu.memory_space<hbm>>
          %dma_start3A_196 = arith.constant 0 : i32
          %dma_start3A_197 = arith.constant 0 : i32
          %dma_start3A_198 = tpu.memref_slice %dma_start3A_195[%dma_start3A_196, %dma_start3A_197] : memref<10240x128xf32, #tpu.memory_space<hbm>> -> memref<10240x128xf32, #tpu.memory_space<hbm>>
          tpu.enqueue_indirect_dma source(%dma_start3A_198 : memref<10240x128xf32, #tpu.memory_space<hbm>>) target(%arg9 : memref<64x128xf32, #tpu.memory_space<vmem>>) offsets(%dma_start3A_191 : memref<64xi32, #tpu.memory_space<vmem>>) semaphore(%arg14 : memref<!tpu.dma_semaphore, #tpu.memory_space<semaphore_mem>>)
        } else {
        }
        %add3A_139 = arith.constant 2 : i32
        %add3A_140 = arith.addi %add3A_96, %add3A_139 : i32
        %dma_wait3A_141 = arith.constant 0 : i32
        %dma_wait3A_142 = tpu.memref_slice %arg6[%add3A_140, %dma_wait3A_141] : memref<16x64xi32, #tpu.memory_space<vmem>> -> memref<1x64xi32, #tpu.memory_space<vmem>>
        %dma_wait3A_143 = tpu.memref_squeeze %dma_wait3A_142 : memref<1x64xi32, #tpu.memory_space<vmem>> -> memref<64xi32, #tpu.memory_space<vmem>>
        %dma_wait3A_144 = arith.constant 0 : i32
        %dma_wait3A_145 = arith.constant 0 : i32
        %dma_wait3A_146 = tpu.memref_slice %arg2[%arg0, %dma_wait3A_144, %dma_wait3A_145] : memref<2x10240x128xf32, #tpu.memory_space<hbm>> -> memref<1x10240x128xf32, #tpu.memory_space<hbm>>
        %dma_wait3A_147 = tpu.memref_squeeze %dma_wait3A_146 : memref<1x10240x128xf32, #tpu.memory_space<hbm>> -> memref<10240x128xf32, #tpu.memory_space<hbm>>
        %dma_wait3A_148 = arith.constant 0 : i32
        %dma_wait3A_149 = arith.constant 0 : i32
        %dma_wait3A_150 = tpu.memref_slice %dma_wait3A_147[%dma_wait3A_148, %dma_wait3A_149] : memref<10240x128xf32, #tpu.memory_space<hbm>> -> memref<10240x128xf32, #tpu.memory_space<hbm>>
        tpu.wait_indirect_dma semaphore(%arg15 : memref<!tpu.dma_semaphore, #tpu.memory_space<semaphore_mem>>) src(%dma_wait3A_150 : memref<10240x128xf32, #tpu.memory_space<hbm>>) dst(%arg10 : memref<64x128xf32, #tpu.memory_space<vmem>>)
        %add3A_151 = arith.constant 2 : i32
        %add3A_152 = arith.addi %add3A_96, %add3A_151 : i32
        "tpu.region"() ({
          %run_scoped3A = tpu.sem_alloc : memref<!tpu.dma_semaphore, #tpu.memory_space<semaphore_mem>>
          %dma_start3A_185 = arith.constant 0 : i32
          %dma_start3A_186 = tpu.memref_slice %arg7[%add3A_152, %dma_start3A_185] : memref<16x64xi32, #tpu.memory_space<vmem>> -> memref<1x64xi32, #tpu.memory_space<vmem>>
          %dma_start3A_187 = tpu.memref_squeeze %dma_start3A_186 : memref<1x64xi32, #tpu.memory_space<vmem>> -> memref<64xi32, #tpu.memory_space<vmem>>
          %dma_start3A_188 = arith.constant 0 : i32
          %dma_start3A_189 = arith.constant 0 : i32
          %dma_start3A_190 = tpu.memref_slice %arg12[%dma_start3A_188, %dma_start3A_189] : memref<10240x128xf32, #tpu.memory_space<vmem_shared>> -> memref<10240x128xf32, #tpu.memory_space<vmem_shared>>
          tpu.enqueue_indirect_dma source(%arg10 : memref<64x128xf32, #tpu.memory_space<vmem>>) target(%dma_start3A_190 : memref<10240x128xf32, #tpu.memory_space<vmem_shared>>) offsets(%dma_start3A_187 : memref<64xi32, #tpu.memory_space<vmem>>) semaphore(%run_scoped3A : memref<!tpu.dma_semaphore, #tpu.memory_space<semaphore_mem>>) {add = true}
          %dma_wait3A_191 = arith.constant 0 : i32
          %dma_wait3A_192 = tpu.memref_slice %arg7[%add3A_152, %dma_wait3A_191] : memref<16x64xi32, #tpu.memory_space<vmem>> -> memref<1x64xi32, #tpu.memory_space<vmem>>
          %dma_wait3A_193 = tpu.memref_squeeze %dma_wait3A_192 : memref<1x64xi32, #tpu.memory_space<vmem>> -> memref<64xi32, #tpu.memory_space<vmem>>
          %dma_wait3A_194 = arith.constant 0 : i32
          %dma_wait3A_195 = arith.constant 0 : i32
          %dma_wait3A_196 = tpu.memref_slice %arg12[%dma_wait3A_194, %dma_wait3A_195] : memref<10240x128xf32, #tpu.memory_space<vmem_shared>> -> memref<10240x128xf32, #tpu.memory_space<vmem_shared>>
          tpu.wait_indirect_dma semaphore(%run_scoped3A : memref<!tpu.dma_semaphore, #tpu.memory_space<semaphore_mem>>) src(%arg10 : memref<64x128xf32, #tpu.memory_space<vmem>>) dst(%dma_wait3A_196 : memref<10240x128xf32, #tpu.memory_space<vmem_shared>>)
          tpu.yield
        }) : () -> ()
        %add3A_153 = arith.constant 2 : i32
        %add3A_154 = arith.addi %add3A_96, %add3A_153 : i32
        %add3A_155 = arith.constant 4 : i32
        %add3A_156 = arith.addi %add3A_154, %add3A_155 : i32
        %lt3A_157 = arith.constant 16 : i32
        %lt3A_158 = arith.cmpi slt, %add3A_156, %lt3A_157 : i32
        %convert_element_type3A_159 = arith.extui %lt3A_158 : i1 to i32
        %cond3A_160 = arith.constant 0 : i32
        %cond3A_161 = arith.cmpi ne, %convert_element_type3A_159, %cond3A_160 : i32
        scf.if %cond3A_161 {
          %add3A_185 = arith.constant 2 : i32
          %add3A_186 = arith.addi %add3A_96, %add3A_185 : i32
          %add3A_187 = arith.constant 4 : i32
          %add3A_188 = arith.addi %add3A_186, %add3A_187 : i32
          %dma_start3A_189 = arith.constant 0 : i32
          %dma_start3A_190 = tpu.memref_slice %arg6[%add3A_188, %dma_start3A_189] : memref<16x64xi32, #tpu.memory_space<vmem>> -> memref<1x64xi32, #tpu.memory_space<vmem>>
          %dma_start3A_191 = tpu.memref_squeeze %dma_start3A_190 : memref<1x64xi32, #tpu.memory_space<vmem>> -> memref<64xi32, #tpu.memory_space<vmem>>
          %dma_start3A_192 = arith.constant 0 : i32
          %dma_start3A_193 = arith.constant 0 : i32
          %dma_start3A_194 = tpu.memref_slice %arg2[%arg0, %dma_start3A_192, %dma_start3A_193] : memref<2x10240x128xf32, #tpu.memory_space<hbm>> -> memref<1x10240x128xf32, #tpu.memory_space<hbm>>
          %dma_start3A_195 = tpu.memref_squeeze %dma_start3A_194 : memref<1x10240x128xf32, #tpu.memory_space<hbm>> -> memref<10240x128xf32, #tpu.memory_space<hbm>>
          %dma_start3A_196 = arith.constant 0 : i32
          %dma_start3A_197 = arith.constant 0 : i32
          %dma_start3A_198 = tpu.memref_slice %dma_start3A_195[%dma_start3A_196, %dma_start3A_197] : memref<10240x128xf32, #tpu.memory_space<hbm>> -> memref<10240x128xf32, #tpu.memory_space<hbm>>
          tpu.enqueue_indirect_dma source(%dma_start3A_198 : memref<10240x128xf32, #tpu.memory_space<hbm>>) target(%arg10 : memref<64x128xf32, #tpu.memory_space<vmem>>) offsets(%dma_start3A_191 : memref<64xi32, #tpu.memory_space<vmem>>) semaphore(%arg15 : memref<!tpu.dma_semaphore, #tpu.memory_space<semaphore_mem>>)
        } else {
        }
        %add3A_162 = arith.constant 3 : i32
        %add3A_163 = arith.addi %add3A_96, %add3A_162 : i32
        %dma_wait3A_164 = arith.constant 0 : i32
        %dma_wait3A_165 = tpu.memref_slice %arg6[%add3A_163, %dma_wait3A_164] : memref<16x64xi32, #tpu.memory_space<vmem>> -> memref<1x64xi32, #tpu.memory_space<vmem>>
        %dma_wait3A_166 = tpu.memref_squeeze %dma_wait3A_165 : memref<1x64xi32, #tpu.memory_space<vmem>> -> memref<64xi32, #tpu.memory_space<vmem>>
        %dma_wait3A_167 = arith.constant 0 : i32
        %dma_wait3A_168 = arith.constant 0 : i32
        %dma_wait3A_169 = tpu.memref_slice %arg2[%arg0, %dma_wait3A_167, %dma_wait3A_168] : memref<2x10240x128xf32, #tpu.memory_space<hbm>> -> memref<1x10240x128xf32, #tpu.memory_space<hbm>>
        %dma_wait3A_170 = tpu.memref_squeeze %dma_wait3A_169 : memref<1x10240x128xf32, #tpu.memory_space<hbm>> -> memref<10240x128xf32, #tpu.memory_space<hbm>>
        %dma_wait3A_171 = arith.constant 0 : i32
        %dma_wait3A_172 = arith.constant 0 : i32
        %dma_wait3A_173 = tpu.memref_slice %dma_wait3A_170[%dma_wait3A_171, %dma_wait3A_172] : memref<10240x128xf32, #tpu.memory_space<hbm>> -> memref<10240x128xf32, #tpu.memory_space<hbm>>
        tpu.wait_indirect_dma semaphore(%arg16 : memref<!tpu.dma_semaphore, #tpu.memory_space<semaphore_mem>>) src(%dma_wait3A_173 : memref<10240x128xf32, #tpu.memory_space<hbm>>) dst(%arg11 : memref<64x128xf32, #tpu.memory_space<vmem>>)
        %add3A_174 = arith.constant 3 : i32
        %add3A_175 = arith.addi %add3A_96, %add3A_174 : i32
        "tpu.region"() ({
          %run_scoped3A = tpu.sem_alloc : memref<!tpu.dma_semaphore, #tpu.memory_space<semaphore_mem>>
          %dma_start3A_185 = arith.constant 0 : i32
          %dma_start3A_186 = tpu.memref_slice %arg7[%add3A_175, %dma_start3A_185] : memref<16x64xi32, #tpu.memory_space<vmem>> -> memref<1x64xi32, #tpu.memory_space<vmem>>
          %dma_start3A_187 = tpu.memref_squeeze %dma_start3A_186 : memref<1x64xi32, #tpu.memory_space<vmem>> -> memref<64xi32, #tpu.memory_space<vmem>>
          %dma_start3A_188 = arith.constant 0 : i32
          %dma_start3A_189 = arith.constant 0 : i32
          %dma_start3A_190 = tpu.memref_slice %arg12[%dma_start3A_188, %dma_start3A_189] : memref<10240x128xf32, #tpu.memory_space<vmem_shared>> -> memref<10240x128xf32, #tpu.memory_space<vmem_shared>>
          tpu.enqueue_indirect_dma source(%arg11 : memref<64x128xf32, #tpu.memory_space<vmem>>) target(%dma_start3A_190 : memref<10240x128xf32, #tpu.memory_space<vmem_shared>>) offsets(%dma_start3A_187 : memref<64xi32, #tpu.memory_space<vmem>>) semaphore(%run_scoped3A : memref<!tpu.dma_semaphore, #tpu.memory_space<semaphore_mem>>) {add = true}
          %dma_wait3A_191 = arith.constant 0 : i32
          %dma_wait3A_192 = tpu.memref_slice %arg7[%add3A_175, %dma_wait3A_191] : memref<16x64xi32, #tpu.memory_space<vmem>> -> memref<1x64xi32, #tpu.memory_space<vmem>>
          %dma_wait3A_193 = tpu.memref_squeeze %dma_wait3A_192 : memref<1x64xi32, #tpu.memory_space<vmem>> -> memref<64xi32, #tpu.memory_space<vmem>>
          %dma_wait3A_194 = arith.constant 0 : i32
          %dma_wait3A_195 = arith.constant 0 : i32
          %dma_wait3A_196 = tpu.memref_slice %arg12[%dma_wait3A_194, %dma_wait3A_195] : memref<10240x128xf32, #tpu.memory_space<vmem_shared>> -> memref<10240x128xf32, #tpu.memory_space<vmem_shared>>
          tpu.wait_indirect_dma semaphore(%run_scoped3A : memref<!tpu.dma_semaphore, #tpu.memory_space<semaphore_mem>>) src(%arg11 : memref<64x128xf32, #tpu.memory_space<vmem>>) dst(%dma_wait3A_196 : memref<10240x128xf32, #tpu.memory_space<vmem_shared>>)
          tpu.yield
        }) : () -> ()
        %add3A_176 = arith.constant 3 : i32
        %add3A_177 = arith.addi %add3A_96, %add3A_176 : i32
        %add3A_178 = arith.constant 4 : i32
        %add3A_179 = arith.addi %add3A_177, %add3A_178 : i32
        %lt3A_180 = arith.constant 16 : i32
        %lt3A_181 = arith.cmpi slt, %add3A_179, %lt3A_180 : i32
        %convert_element_type3A_182 = arith.extui %lt3A_181 : i1 to i32
        %cond3A_183 = arith.constant 0 : i32
        %cond3A_184 = arith.cmpi ne, %convert_element_type3A_182, %cond3A_183 : i32
        scf.if %cond3A_184 {
          %add3A_185 = arith.constant 3 : i32
          %add3A_186 = arith.addi %add3A_96, %add3A_185 : i32
          %add3A_187 = arith.constant 4 : i32
          %add3A_188 = arith.addi %add3A_186, %add3A_187 : i32
          %dma_start3A_189 = arith.constant 0 : i32
          %dma_start3A_190 = tpu.memref_slice %arg6[%add3A_188, %dma_start3A_189] : memref<16x64xi32, #tpu.memory_space<vmem>> -> memref<1x64xi32, #tpu.memory_space<vmem>>
          %dma_start3A_191 = tpu.memref_squeeze %dma_start3A_190 : memref<1x64xi32, #tpu.memory_space<vmem>> -> memref<64xi32, #tpu.memory_space<vmem>>
          %dma_start3A_192 = arith.constant 0 : i32
          %dma_start3A_193 = arith.constant 0 : i32
          %dma_start3A_194 = tpu.memref_slice %arg2[%arg0, %dma_start3A_192, %dma_start3A_193] : memref<2x10240x128xf32, #tpu.memory_space<hbm>> -> memref<1x10240x128xf32, #tpu.memory_space<hbm>>
          %dma_start3A_195 = tpu.memref_squeeze %dma_start3A_194 : memref<1x10240x128xf32, #tpu.memory_space<hbm>> -> memref<10240x128xf32, #tpu.memory_space<hbm>>
          %dma_start3A_196 = arith.constant 0 : i32
          %dma_start3A_197 = arith.constant 0 : i32
          %dma_start3A_198 = tpu.memref_slice %dma_start3A_195[%dma_start3A_196, %dma_start3A_197] : memref<10240x128xf32, #tpu.memory_space<hbm>> -> memref<10240x128xf32, #tpu.memory_space<hbm>>
          tpu.enqueue_indirect_dma source(%dma_start3A_198 : memref<10240x128xf32, #tpu.memory_space<hbm>>) target(%arg11 : memref<64x128xf32, #tpu.memory_space<vmem>>) offsets(%dma_start3A_191 : memref<64xi32, #tpu.memory_space<vmem>>) semaphore(%arg16 : memref<!tpu.dma_semaphore, #tpu.memory_space<semaphore_mem>>)
        } else {
        }
      }
      %scan3A_91 = arith.constant 4 : i32
    }
    %while3A_33 = arith.constant 1 : i32
    scf.for %while3A_39 = %while3A_31 to %while3A_27 step %while3A_33  : i32 {
      %mul3A_40 = arith.muli %while3A_39, %while3A : i32
      %add3A_41 = arith.addi %while3A_24, %mul3A_40 : i32
      %add3A_42 = arith.addi %select_n3A, %add3A_41 : i32
      "tpu.region"() ({
        %run_scoped3A = tpu.sem_alloc : memref<!tpu.dma_semaphore, #tpu.memory_space<semaphore_mem>>
        %dma_start3A_92 = arith.constant 0 : i32
        %dma_start3A_93 = tpu.memref_slice %arg3[%add3A_42, %dma_start3A_92] : memref<5120x64xi32, #tpu.memory_space<hbm>> -> memref<16x64xi32, #tpu.memory_space<hbm>>
        %dma_start3A_94 = arith.constant 0 : i32
        %dma_start3A_95 = tpu.memref_slice %arg3[%add3A_42, %dma_start3A_94] : memref<5120x64xi32, #tpu.memory_space<hbm>> -> memref<16x64xi32, #tpu.memory_space<hbm>>
        tpu.enqueue_dma source(%dma_start3A_95 : memref<16x64xi32, #tpu.memory_space<hbm>>) target(%arg6 : memref<16x64xi32, #tpu.memory_space<vmem>>) target_semaphore(%run_scoped3A : memref<!tpu.dma_semaphore, #tpu.memory_space<semaphore_mem>>)
        %dma_wait3A = arith.constant 0 : i32
        %dma_wait3A_96 = tpu.memref_slice %arg3[%add3A_42, %dma_wait3A] : memref<5120x64xi32, #tpu.memory_space<hbm>> -> memref<16x64xi32, #tpu.memory_space<hbm>>
        %dma_wait3A_97 = arith.constant 0 : i32
        %dma_wait3A_98 = tpu.memref_slice %arg3[%add3A_42, %dma_wait3A_97] : memref<5120x64xi32, #tpu.memory_space<hbm>> -> memref<16x64xi32, #tpu.memory_space<hbm>>
        tpu.wait_dma2 semaphore(%run_scoped3A : memref<!tpu.dma_semaphore, #tpu.memory_space<semaphore_mem>>) src(%dma_wait3A_98 : memref<16x64xi32, #tpu.memory_space<hbm>>) dst(%arg6 : memref<16x64xi32, #tpu.memory_space<vmem>>)
        tpu.yield
      }) : () -> ()
      %add3A_43 = arith.addi %select_n3A, %add3A_41 : i32
      "tpu.region"() ({
        %run_scoped3A = tpu.sem_alloc : memref<!tpu.dma_semaphore, #tpu.memory_space<semaphore_mem>>
        %dma_start3A_92 = arith.constant 0 : i32
        %dma_start3A_93 = tpu.memref_slice %arg4[%add3A_43, %dma_start3A_92] : memref<5120x64xi32, #tpu.memory_space<hbm>> -> memref<16x64xi32, #tpu.memory_space<hbm>>
        %dma_start3A_94 = arith.constant 0 : i32
        %dma_start3A_95 = tpu.memref_slice %arg4[%add3A_43, %dma_start3A_94] : memref<5120x64xi32, #tpu.memory_space<hbm>> -> memref<16x64xi32, #tpu.memory_space<hbm>>
        tpu.enqueue_dma source(%dma_start3A_95 : memref<16x64xi32, #tpu.memory_space<hbm>>) target(%arg7 : memref<16x64xi32, #tpu.memory_space<vmem>>) target_semaphore(%run_scoped3A : memref<!tpu.dma_semaphore, #tpu.memory_space<semaphore_mem>>)
        %dma_wait3A = arith.constant 0 : i32
        %dma_wait3A_96 = tpu.memref_slice %arg4[%add3A_43, %dma_wait3A] : memref<5120x64xi32, #tpu.memory_space<hbm>> -> memref<16x64xi32, #tpu.memory_space<hbm>>
        %dma_wait3A_97 = arith.constant 0 : i32
        %dma_wait3A_98 = tpu.memref_slice %arg4[%add3A_43, %dma_wait3A_97] : memref<5120x64xi32, #tpu.memory_space<hbm>> -> memref<16x64xi32, #tpu.memory_space<hbm>>
        tpu.wait_dma2 semaphore(%run_scoped3A : memref<!tpu.dma_semaphore, #tpu.memory_space<semaphore_mem>>) src(%dma_wait3A_98 : memref<16x64xi32, #tpu.memory_space<hbm>>) dst(%arg7 : memref<16x64xi32, #tpu.memory_space<vmem>>)
        tpu.yield
      }) : () -> ()
      %dma_start3A = arith.constant 0 : i32
      %dma_start3A_44 = arith.constant 0 : i32
      %dma_start3A_45 = tpu.memref_slice %arg6[%dma_start3A, %dma_start3A_44] : memref<16x64xi32, #tpu.memory_space<vmem>> -> memref<1x64xi32, #tpu.memory_space<vmem>>
      %dma_start3A_46 = tpu.memref_squeeze %dma_start3A_45 : memref<1x64xi32, #tpu.memory_space<vmem>> -> memref<64xi32, #tpu.memory_space<vmem>>
      %dma_start3A_47 = arith.constant 0 : i32
      %dma_start3A_48 = arith.constant 0 : i32
      %dma_start3A_49 = tpu.memref_slice %arg2[%arg0, %dma_start3A_47, %dma_start3A_48] : memref<2x10240x128xf32, #tpu.memory_space<hbm>> -> memref<1x10240x128xf32, #tpu.memory_space<hbm>>
      %dma_start3A_50 = tpu.memref_squeeze %dma_start3A_49 : memref<1x10240x128xf32, #tpu.memory_space<hbm>> -> memref<10240x128xf32, #tpu.memory_space<hbm>>
      %dma_start3A_51 = arith.constant 0 : i32
      %dma_start3A_52 = arith.constant 0 : i32
      %dma_start3A_53 = tpu.memref_slice %dma_start3A_50[%dma_start3A_51, %dma_start3A_52] : memref<10240x128xf32, #tpu.memory_space<hbm>> -> memref<10240x128xf32, #tpu.memory_space<hbm>>
      tpu.enqueue_indirect_dma source(%dma_start3A_53 : memref<10240x128xf32, #tpu.memory_space<hbm>>) target(%arg8 : memref<64x128xf32, #tpu.memory_space<vmem>>) offsets(%dma_start3A_46 : memref<64xi32, #tpu.memory_space<vmem>>) semaphore(%arg13 : memref<!tpu.dma_semaphore, #tpu.memory_space<semaphore_mem>>)
      %dma_start3A_54 = arith.constant 1 : i32
      %dma_start3A_55 = arith.constant 0 : i32
      %dma_start3A_56 = tpu.memref_slice %arg6[%dma_start3A_54, %dma_start3A_55] : memref<16x64xi32, #tpu.memory_space<vmem>> -> memref<1x64xi32, #tpu.memory_space<vmem>>
      %dma_start3A_57 = tpu.memref_squeeze %dma_start3A_56 : memref<1x64xi32, #tpu.memory_space<vmem>> -> memref<64xi32, #tpu.memory_space<vmem>>
      %dma_start3A_58 = arith.constant 0 : i32
      %dma_start3A_59 = arith.constant 0 : i32
      %dma_start3A_60 = tpu.memref_slice %arg2[%arg0, %dma_start3A_58, %dma_start3A_59] : memref<2x10240x128xf32, #tpu.memory_space<hbm>> -> memref<1x10240x128xf32, #tpu.memory_space<hbm>>
      %dma_start3A_61 = tpu.memref_squeeze %dma_start3A_60 : memref<1x10240x128xf32, #tpu.memory_space<hbm>> -> memref<10240x128xf32, #tpu.memory_space<hbm>>
      %dma_start3A_62 = arith.constant 0 : i32
      %dma_start3A_63 = arith.constant 0 : i32
      %dma_start3A_64 = tpu.memref_slice %dma_start3A_61[%dma_start3A_62, %dma_start3A_63] : memref<10240x128xf32, #tpu.memory_space<hbm>> -> memref<10240x128xf32, #tpu.memory_space<hbm>>
      tpu.enqueue_indirect_dma source(%dma_start3A_64 : memref<10240x128xf32, #tpu.memory_space<hbm>>) target(%arg9 : memref<64x128xf32, #tpu.memory_space<vmem>>) offsets(%dma_start3A_57 : memref<64xi32, #tpu.memory_space<vmem>>) semaphore(%arg14 : memref<!tpu.dma_semaphore, #tpu.memory_space<semaphore_mem>>)
      %dma_start3A_65 = arith.constant 2 : i32
      %dma_start3A_66 = arith.constant 0 : i32
      %dma_start3A_67 = tpu.memref_slice %arg6[%dma_start3A_65, %dma_start3A_66] : memref<16x64xi32, #tpu.memory_space<vmem>> -> memref<1x64xi32, #tpu.memory_space<vmem>>
      %dma_start3A_68 = tpu.memref_squeeze %dma_start3A_67 : memref<1x64xi32, #tpu.memory_space<vmem>> -> memref<64xi32, #tpu.memory_space<vmem>>
      %dma_start3A_69 = arith.constant 0 : i32
      %dma_start3A_70 = arith.constant 0 : i32
      %dma_start3A_71 = tpu.memref_slice %arg2[%arg0, %dma_start3A_69, %dma_start3A_70] : memref<2x10240x128xf32, #tpu.memory_space<hbm>> -> memref<1x10240x128xf32, #tpu.memory_space<hbm>>
      %dma_start3A_72 = tpu.memref_squeeze %dma_start3A_71 : memref<1x10240x128xf32, #tpu.memory_space<hbm>> -> memref<10240x128xf32, #tpu.memory_space<hbm>>
      %dma_start3A_73 = arith.constant 0 : i32
      %dma_start3A_74 = arith.constant 0 : i32
      %dma_start3A_75 = tpu.memref_slice %dma_start3A_72[%dma_start3A_73, %dma_start3A_74] : memref<10240x128xf32, #tpu.memory_space<hbm>> -> memref<10240x128xf32, #tpu.memory_space<hbm>>
      tpu.enqueue_indirect_dma source(%dma_start3A_75 : memref<10240x128xf32, #tpu.memory_space<hbm>>) target(%arg10 : memref<64x128xf32, #tpu.memory_space<vmem>>) offsets(%dma_start3A_68 : memref<64xi32, #tpu.memory_space<vmem>>) semaphore(%arg15 : memref<!tpu.dma_semaphore, #tpu.memory_space<semaphore_mem>>)
      %dma_start3A_76 = arith.constant 3 : i32
      %dma_start3A_77 = arith.constant 0 : i32
      %dma_start3A_78 = tpu.memref_slice %arg6[%dma_start3A_76, %dma_start3A_77] : memref<16x64xi32, #tpu.memory_space<vmem>> -> memref<1x64xi32, #tpu.memory_space<vmem>>
      %dma_start3A_79 = tpu.memref_squeeze %dma_start3A_78 : memref<1x64xi32, #tpu.memory_space<vmem>> -> memref<64xi32, #tpu.memory_space<vmem>>
      %dma_start3A_80 = arith.constant 0 : i32
      %dma_start3A_81 = arith.constant 0 : i32
      %dma_start3A_82 = tpu.memref_slice %arg2[%arg0, %dma_start3A_80, %dma_start3A_81] : memref<2x10240x128xf32, #tpu.memory_space<hbm>> -> memref<1x10240x128xf32, #tpu.memory_space<hbm>>
      %dma_start3A_83 = tpu.memref_squeeze %dma_start3A_82 : memref<1x10240x128xf32, #tpu.memory_space<hbm>> -> memref<10240x128xf32, #tpu.memory_space<hbm>>
      %dma_start3A_84 = arith.constant 0 : i32
      %dma_start3A_85 = arith.constant 0 : i32
      %dma_start3A_86 = tpu.memref_slice %dma_start3A_83[%dma_start3A_84, %dma_start3A_85] : memref<10240x128xf32, #tpu.memory_space<hbm>> -> memref<10240x128xf32, #tpu.memory_space<hbm>>
      tpu.enqueue_indirect_dma source(%dma_start3A_86 : memref<10240x128xf32, #tpu.memory_space<hbm>>) target(%arg11 : memref<64x128xf32, #tpu.memory_space<vmem>>) offsets(%dma_start3A_79 : memref<64xi32, #tpu.memory_space<vmem>>) semaphore(%arg16 : memref<!tpu.dma_semaphore, #tpu.memory_space<semaphore_mem>>)
      %scan3A_87 = arith.constant 0 : i32
      %scan3A_88 = arith.constant 4 : i32
      %scan3A_89 = arith.addi %scan3A_87, %scan3A_88 : i32
      %scan3A_90 = arith.constant 1 : i32
      scf.for %scan3A_92 = %scan3A_87 to %scan3A_89 step %scan3A_90  : i32 {
        %mul3A_93 = arith.constant 4 : i32
        %mul3A_94 = arith.muli %scan3A_92, %mul3A_93 : i32
        %add3A_95 = arith.constant 0 : i32
        %add3A_96 = arith.addi %add3A_95, %mul3A_94 : i32
        %add3A_97 = arith.constant 0 : i32
        %add3A_98 = arith.addi %add3A_96, %add3A_97 : i32
        %dma_wait3A = arith.constant 0 : i32
        %dma_wait3A_99 = tpu.memref_slice %arg6[%add3A_98, %dma_wait3A] : memref<16x64xi32, #tpu.memory_space<vmem>> -> memref<1x64xi32, #tpu.memory_space<vmem>>
        %dma_wait3A_100 = tpu.memref_squeeze %dma_wait3A_99 : memref<1x64xi32, #tpu.memory_space<vmem>> -> memref<64xi32, #tpu.memory_space<vmem>>
        %dma_wait3A_101 = arith.constant 0 : i32
        %dma_wait3A_102 = arith.constant 0 : i32
        %dma_wait3A_103 = tpu.memref_slice %arg2[%arg0, %dma_wait3A_101, %dma_wait3A_102] : memref<2x10240x128xf32, #tpu.memory_space<hbm>> -> memref<1x10240x128xf32, #tpu.memory_space<hbm>>
        %dma_wait3A_104 = tpu.memref_squeeze %dma_wait3A_103 : memref<1x10240x128xf32, #tpu.memory_space<hbm>> -> memref<10240x128xf32, #tpu.memory_space<hbm>>
        %dma_wait3A_105 = arith.constant 0 : i32
        %dma_wait3A_106 = arith.constant 0 : i32
        %dma_wait3A_107 = tpu.memref_slice %dma_wait3A_104[%dma_wait3A_105, %dma_wait3A_106] : memref<10240x128xf32, #tpu.memory_space<hbm>> -> memref<10240x128xf32, #tpu.memory_space<hbm>>
        tpu.wait_indirect_dma semaphore(%arg13 : memref<!tpu.dma_semaphore, #tpu.memory_space<semaphore_mem>>) src(%dma_wait3A_107 : memref<10240x128xf32, #tpu.memory_space<hbm>>) dst(%arg8 : memref<64x128xf32, #tpu.memory_space<vmem>>)
        %add3A_108 = arith.constant 0 : i32
        %add3A_109 = arith.addi %add3A_96, %add3A_108 : i32
        "tpu.region"() ({
          %run_scoped3A = tpu.sem_alloc : memref<!tpu.dma_semaphore, #tpu.memory_space<semaphore_mem>>
          %dma_start3A_185 = arith.constant 0 : i32
          %dma_start3A_186 = tpu.memref_slice %arg7[%add3A_109, %dma_start3A_185] : memref<16x64xi32, #tpu.memory_space<vmem>> -> memref<1x64xi32, #tpu.memory_space<vmem>>
          %dma_start3A_187 = tpu.memref_squeeze %dma_start3A_186 : memref<1x64xi32, #tpu.memory_space<vmem>> -> memref<64xi32, #tpu.memory_space<vmem>>
          %dma_start3A_188 = arith.constant 0 : i32
          %dma_start3A_189 = arith.constant 0 : i32
          %dma_start3A_190 = tpu.memref_slice %arg12[%dma_start3A_188, %dma_start3A_189] : memref<10240x128xf32, #tpu.memory_space<vmem_shared>> -> memref<10240x128xf32, #tpu.memory_space<vmem_shared>>
          tpu.enqueue_indirect_dma source(%arg8 : memref<64x128xf32, #tpu.memory_space<vmem>>) target(%dma_start3A_190 : memref<10240x128xf32, #tpu.memory_space<vmem_shared>>) offsets(%dma_start3A_187 : memref<64xi32, #tpu.memory_space<vmem>>) semaphore(%run_scoped3A : memref<!tpu.dma_semaphore, #tpu.memory_space<semaphore_mem>>) {add = true}
          %dma_wait3A_191 = arith.constant 0 : i32
          %dma_wait3A_192 = tpu.memref_slice %arg7[%add3A_109, %dma_wait3A_191] : memref<16x64xi32, #tpu.memory_space<vmem>> -> memref<1x64xi32, #tpu.memory_space<vmem>>
          %dma_wait3A_193 = tpu.memref_squeeze %dma_wait3A_192 : memref<1x64xi32, #tpu.memory_space<vmem>> -> memref<64xi32, #tpu.memory_space<vmem>>
          %dma_wait3A_194 = arith.constant 0 : i32
          %dma_wait3A_195 = arith.constant 0 : i32
          %dma_wait3A_196 = tpu.memref_slice %arg12[%dma_wait3A_194, %dma_wait3A_195] : memref<10240x128xf32, #tpu.memory_space<vmem_shared>> -> memref<10240x128xf32, #tpu.memory_space<vmem_shared>>
          tpu.wait_indirect_dma semaphore(%run_scoped3A : memref<!tpu.dma_semaphore, #tpu.memory_space<semaphore_mem>>) src(%arg8 : memref<64x128xf32, #tpu.memory_space<vmem>>) dst(%dma_wait3A_196 : memref<10240x128xf32, #tpu.memory_space<vmem_shared>>)
          tpu.yield
        }) : () -> ()
        %add3A_110 = arith.constant 0 : i32
        %add3A_111 = arith.addi %add3A_96, %add3A_110 : i32
        %add3A_112 = arith.constant 4 : i32
        %add3A_113 = arith.addi %add3A_111, %add3A_112 : i32
        %lt3A = arith.constant 16 : i32
        %lt3A_114 = arith.cmpi slt, %add3A_113, %lt3A : i32
        %convert_element_type3A = arith.extui %lt3A_114 : i1 to i32
        %cond3A = arith.constant 0 : i32
        %cond3A_115 = arith.cmpi ne, %convert_element_type3A, %cond3A : i32
        scf.if %cond3A_115 {
          %add3A_185 = arith.constant 0 : i32
          %add3A_186 = arith.addi %add3A_96, %add3A_185 : i32
          %add3A_187 = arith.constant 4 : i32
          %add3A_188 = arith.addi %add3A_186, %add3A_187 : i32
          %dma_start3A_189 = arith.constant 0 : i32
          %dma_start3A_190 = tpu.memref_slice %arg6[%add3A_188, %dma_start3A_189] : memref<16x64xi32, #tpu.memory_space<vmem>> -> memref<1x64xi32, #tpu.memory_space<vmem>>
          %dma_start3A_191 = tpu.memref_squeeze %dma_start3A_190 : memref<1x64xi32, #tpu.memory_space<vmem>> -> memref<64xi32, #tpu.memory_space<vmem>>
          %dma_start3A_192 = arith.constant 0 : i32
          %dma_start3A_193 = arith.constant 0 : i32
          %dma_start3A_194 = tpu.memref_slice %arg2[%arg0, %dma_start3A_192, %dma_start3A_193] : memref<2x10240x128xf32, #tpu.memory_space<hbm>> -> memref<1x10240x128xf32, #tpu.memory_space<hbm>>
          %dma_start3A_195 = tpu.memref_squeeze %dma_start3A_194 : memref<1x10240x128xf32, #tpu.memory_space<hbm>> -> memref<10240x128xf32, #tpu.memory_space<hbm>>
          %dma_start3A_196 = arith.constant 0 : i32
          %dma_start3A_197 = arith.constant 0 : i32
          %dma_start3A_198 = tpu.memref_slice %dma_start3A_195[%dma_start3A_196, %dma_start3A_197] : memref<10240x128xf32, #tpu.memory_space<hbm>> -> memref<10240x128xf32, #tpu.memory_space<hbm>>
          tpu.enqueue_indirect_dma source(%dma_start3A_198 : memref<10240x128xf32, #tpu.memory_space<hbm>>) target(%arg8 : memref<64x128xf32, #tpu.memory_space<vmem>>) offsets(%dma_start3A_191 : memref<64xi32, #tpu.memory_space<vmem>>) semaphore(%arg13 : memref<!tpu.dma_semaphore, #tpu.memory_space<semaphore_mem>>)
        } else {
        }
        %add3A_116 = arith.constant 1 : i32
        %add3A_117 = arith.addi %add3A_96, %add3A_116 : i32
        %dma_wait3A_118 = arith.constant 0 : i32
        %dma_wait3A_119 = tpu.memref_slice %arg6[%add3A_117, %dma_wait3A_118] : memref<16x64xi32, #tpu.memory_space<vmem>> -> memref<1x64xi32, #tpu.memory_space<vmem>>
        %dma_wait3A_120 = tpu.memref_squeeze %dma_wait3A_119 : memref<1x64xi32, #tpu.memory_space<vmem>> -> memref<64xi32, #tpu.memory_space<vmem>>
        %dma_wait3A_121 = arith.constant 0 : i32
        %dma_wait3A_122 = arith.constant 0 : i32
        %dma_wait3A_123 = tpu.memref_slice %arg2[%arg0, %dma_wait3A_121, %dma_wait3A_122] : memref<2x10240x128xf32, #tpu.memory_space<hbm>> -> memref<1x10240x128xf32, #tpu.memory_space<hbm>>
        %dma_wait3A_124 = tpu.memref_squeeze %dma_wait3A_123 : memref<1x10240x128xf32, #tpu.memory_space<hbm>> -> memref<10240x128xf32, #tpu.memory_space<hbm>>
        %dma_wait3A_125 = arith.constant 0 : i32
        %dma_wait3A_126 = arith.constant 0 : i32
        %dma_wait3A_127 = tpu.memref_slice %dma_wait3A_124[%dma_wait3A_125, %dma_wait3A_126] : memref<10240x128xf32, #tpu.memory_space<hbm>> -> memref<10240x128xf32, #tpu.memory_space<hbm>>
        tpu.wait_indirect_dma semaphore(%arg14 : memref<!tpu.dma_semaphore, #tpu.memory_space<semaphore_mem>>) src(%dma_wait3A_127 : memref<10240x128xf32, #tpu.memory_space<hbm>>) dst(%arg9 : memref<64x128xf32, #tpu.memory_space<vmem>>)
        %add3A_128 = arith.constant 1 : i32
        %add3A_129 = arith.addi %add3A_96, %add3A_128 : i32
        "tpu.region"() ({
          %run_scoped3A = tpu.sem_alloc : memref<!tpu.dma_semaphore, #tpu.memory_space<semaphore_mem>>
          %dma_start3A_185 = arith.constant 0 : i32
          %dma_start3A_186 = tpu.memref_slice %arg7[%add3A_129, %dma_start3A_185] : memref<16x64xi32, #tpu.memory_space<vmem>> -> memref<1x64xi32, #tpu.memory_space<vmem>>
          %dma_start3A_187 = tpu.memref_squeeze %dma_start3A_186 : memref<1x64xi32, #tpu.memory_space<vmem>> -> memref<64xi32, #tpu.memory_space<vmem>>
          %dma_start3A_188 = arith.constant 0 : i32
          %dma_start3A_189 = arith.constant 0 : i32
          %dma_start3A_190 = tpu.memref_slice %arg12[%dma_start3A_188, %dma_start3A_189] : memref<10240x128xf32, #tpu.memory_space<vmem_shared>> -> memref<10240x128xf32, #tpu.memory_space<vmem_shared>>
          tpu.enqueue_indirect_dma source(%arg9 : memref<64x128xf32, #tpu.memory_space<vmem>>) target(%dma_start3A_190 : memref<10240x128xf32, #tpu.memory_space<vmem_shared>>) offsets(%dma_start3A_187 : memref<64xi32, #tpu.memory_space<vmem>>) semaphore(%run_scoped3A : memref<!tpu.dma_semaphore, #tpu.memory_space<semaphore_mem>>) {add = true}
          %dma_wait3A_191 = arith.constant 0 : i32
          %dma_wait3A_192 = tpu.memref_slice %arg7[%add3A_129, %dma_wait3A_191] : memref<16x64xi32, #tpu.memory_space<vmem>> -> memref<1x64xi32, #tpu.memory_space<vmem>>
          %dma_wait3A_193 = tpu.memref_squeeze %dma_wait3A_192 : memref<1x64xi32, #tpu.memory_space<vmem>> -> memref<64xi32, #tpu.memory_space<vmem>>
          %dma_wait3A_194 = arith.constant 0 : i32
          %dma_wait3A_195 = arith.constant 0 : i32
          %dma_wait3A_196 = tpu.memref_slice %arg12[%dma_wait3A_194, %dma_wait3A_195] : memref<10240x128xf32, #tpu.memory_space<vmem_shared>> -> memref<10240x128xf32, #tpu.memory_space<vmem_shared>>
          tpu.wait_indirect_dma semaphore(%run_scoped3A : memref<!tpu.dma_semaphore, #tpu.memory_space<semaphore_mem>>) src(%arg9 : memref<64x128xf32, #tpu.memory_space<vmem>>) dst(%dma_wait3A_196 : memref<10240x128xf32, #tpu.memory_space<vmem_shared>>)
          tpu.yield
        }) : () -> ()
        %add3A_130 = arith.constant 1 : i32
        %add3A_131 = arith.addi %add3A_96, %add3A_130 : i32
        %add3A_132 = arith.constant 4 : i32
        %add3A_133 = arith.addi %add3A_131, %add3A_132 : i32
        %lt3A_134 = arith.constant 16 : i32
        %lt3A_135 = arith.cmpi slt, %add3A_133, %lt3A_134 : i32
        %convert_element_type3A_136 = arith.extui %lt3A_135 : i1 to i32
        %cond3A_137 = arith.constant 0 : i32
        %cond3A_138 = arith.cmpi ne, %convert_element_type3A_136, %cond3A_137 : i32
        scf.if %cond3A_138 {
          %add3A_185 = arith.constant 1 : i32
          %add3A_186 = arith.addi %add3A_96, %add3A_185 : i32
          %add3A_187 = arith.constant 4 : i32
          %add3A_188 = arith.addi %add3A_186, %add3A_187 : i32
          %dma_start3A_189 = arith.constant 0 : i32
          %dma_start3A_190 = tpu.memref_slice %arg6[%add3A_188, %dma_start3A_189] : memref<16x64xi32, #tpu.memory_space<vmem>> -> memref<1x64xi32, #tpu.memory_space<vmem>>
          %dma_start3A_191 = tpu.memref_squeeze %dma_start3A_190 : memref<1x64xi32, #tpu.memory_space<vmem>> -> memref<64xi32, #tpu.memory_space<vmem>>
          %dma_start3A_192 = arith.constant 0 : i32
          %dma_start3A_193 = arith.constant 0 : i32
          %dma_start3A_194 = tpu.memref_slice %arg2[%arg0, %dma_start3A_192, %dma_start3A_193] : memref<2x10240x128xf32, #tpu.memory_space<hbm>> -> memref<1x10240x128xf32, #tpu.memory_space<hbm>>
          %dma_start3A_195 = tpu.memref_squeeze %dma_start3A_194 : memref<1x10240x128xf32, #tpu.memory_space<hbm>> -> memref<10240x128xf32, #tpu.memory_space<hbm>>
          %dma_start3A_196 = arith.constant 0 : i32
          %dma_start3A_197 = arith.constant 0 : i32
          %dma_start3A_198 = tpu.memref_slice %dma_start3A_195[%dma_start3A_196, %dma_start3A_197] : memref<10240x128xf32, #tpu.memory_space<hbm>> -> memref<10240x128xf32, #tpu.memory_space<hbm>>
          tpu.enqueue_indirect_dma source(%dma_start3A_198 : memref<10240x128xf32, #tpu.memory_space<hbm>>) target(%arg9 : memref<64x128xf32, #tpu.memory_space<vmem>>) offsets(%dma_start3A_191 : memref<64xi32, #tpu.memory_space<vmem>>) semaphore(%arg14 : memref<!tpu.dma_semaphore, #tpu.memory_space<semaphore_mem>>)
        } else {
        }
        %add3A_139 = arith.constant 2 : i32
        %add3A_140 = arith.addi %add3A_96, %add3A_139 : i32
        %dma_wait3A_141 = arith.constant 0 : i32
        %dma_wait3A_142 = tpu.memref_slice %arg6[%add3A_140, %dma_wait3A_141] : memref<16x64xi32, #tpu.memory_space<vmem>> -> memref<1x64xi32, #tpu.memory_space<vmem>>
        %dma_wait3A_143 = tpu.memref_squeeze %dma_wait3A_142 : memref<1x64xi32, #tpu.memory_space<vmem>> -> memref<64xi32, #tpu.memory_space<vmem>>
        %dma_wait3A_144 = arith.constant 0 : i32
        %dma_wait3A_145 = arith.constant 0 : i32
        %dma_wait3A_146 = tpu.memref_slice %arg2[%arg0, %dma_wait3A_144, %dma_wait3A_145] : memref<2x10240x128xf32, #tpu.memory_space<hbm>> -> memref<1x10240x128xf32, #tpu.memory_space<hbm>>
        %dma_wait3A_147 = tpu.memref_squeeze %dma_wait3A_146 : memref<1x10240x128xf32, #tpu.memory_space<hbm>> -> memref<10240x128xf32, #tpu.memory_space<hbm>>
        %dma_wait3A_148 = arith.constant 0 : i32
        %dma_wait3A_149 = arith.constant 0 : i32
        %dma_wait3A_150 = tpu.memref_slice %dma_wait3A_147[%dma_wait3A_148, %dma_wait3A_149] : memref<10240x128xf32, #tpu.memory_space<hbm>> -> memref<10240x128xf32, #tpu.memory_space<hbm>>
        tpu.wait_indirect_dma semaphore(%arg15 : memref<!tpu.dma_semaphore, #tpu.memory_space<semaphore_mem>>) src(%dma_wait3A_150 : memref<10240x128xf32, #tpu.memory_space<hbm>>) dst(%arg10 : memref<64x128xf32, #tpu.memory_space<vmem>>)
        %add3A_151 = arith.constant 2 : i32
        %add3A_152 = arith.addi %add3A_96, %add3A_151 : i32
        "tpu.region"() ({
          %run_scoped3A = tpu.sem_alloc : memref<!tpu.dma_semaphore, #tpu.memory_space<semaphore_mem>>
          %dma_start3A_185 = arith.constant 0 : i32
          %dma_start3A_186 = tpu.memref_slice %arg7[%add3A_152, %dma_start3A_185] : memref<16x64xi32, #tpu.memory_space<vmem>> -> memref<1x64xi32, #tpu.memory_space<vmem>>
          %dma_start3A_187 = tpu.memref_squeeze %dma_start3A_186 : memref<1x64xi32, #tpu.memory_space<vmem>> -> memref<64xi32, #tpu.memory_space<vmem>>
          %dma_start3A_188 = arith.constant 0 : i32
          %dma_start3A_189 = arith.constant 0 : i32
          %dma_start3A_190 = tpu.memref_slice %arg12[%dma_start3A_188, %dma_start3A_189] : memref<10240x128xf32, #tpu.memory_space<vmem_shared>> -> memref<10240x128xf32, #tpu.memory_space<vmem_shared>>
          tpu.enqueue_indirect_dma source(%arg10 : memref<64x128xf32, #tpu.memory_space<vmem>>) target(%dma_start3A_190 : memref<10240x128xf32, #tpu.memory_space<vmem_shared>>) offsets(%dma_start3A_187 : memref<64xi32, #tpu.memory_space<vmem>>) semaphore(%run_scoped3A : memref<!tpu.dma_semaphore, #tpu.memory_space<semaphore_mem>>) {add = true}
          %dma_wait3A_191 = arith.constant 0 : i32
          %dma_wait3A_192 = tpu.memref_slice %arg7[%add3A_152, %dma_wait3A_191] : memref<16x64xi32, #tpu.memory_space<vmem>> -> memref<1x64xi32, #tpu.memory_space<vmem>>
          %dma_wait3A_193 = tpu.memref_squeeze %dma_wait3A_192 : memref<1x64xi32, #tpu.memory_space<vmem>> -> memref<64xi32, #tpu.memory_space<vmem>>
          %dma_wait3A_194 = arith.constant 0 : i32
          %dma_wait3A_195 = arith.constant 0 : i32
          %dma_wait3A_196 = tpu.memref_slice %arg12[%dma_wait3A_194, %dma_wait3A_195] : memref<10240x128xf32, #tpu.memory_space<vmem_shared>> -> memref<10240x128xf32, #tpu.memory_space<vmem_shared>>
          tpu.wait_indirect_dma semaphore(%run_scoped3A : memref<!tpu.dma_semaphore, #tpu.memory_space<semaphore_mem>>) src(%arg10 : memref<64x128xf32, #tpu.memory_space<vmem>>) dst(%dma_wait3A_196 : memref<10240x128xf32, #tpu.memory_space<vmem_shared>>)
          tpu.yield
        }) : () -> ()
        %add3A_153 = arith.constant 2 : i32
        %add3A_154 = arith.addi %add3A_96, %add3A_153 : i32
        %add3A_155 = arith.constant 4 : i32
        %add3A_156 = arith.addi %add3A_154, %add3A_155 : i32
        %lt3A_157 = arith.constant 16 : i32
        %lt3A_158 = arith.cmpi slt, %add3A_156, %lt3A_157 : i32
        %convert_element_type3A_159 = arith.extui %lt3A_158 : i1 to i32
        %cond3A_160 = arith.constant 0 : i32
        %cond3A_161 = arith.cmpi ne, %convert_element_type3A_159, %cond3A_160 : i32
        scf.if %cond3A_161 {
          %add3A_185 = arith.constant 2 : i32
          %add3A_186 = arith.addi %add3A_96, %add3A_185 : i32
          %add3A_187 = arith.constant 4 : i32
          %add3A_188 = arith.addi %add3A_186, %add3A_187 : i32
          %dma_start3A_189 = arith.constant 0 : i32
          %dma_start3A_190 = tpu.memref_slice %arg6[%add3A_188, %dma_start3A_189] : memref<16x64xi32, #tpu.memory_space<vmem>> -> memref<1x64xi32, #tpu.memory_space<vmem>>
          %dma_start3A_191 = tpu.memref_squeeze %dma_start3A_190 : memref<1x64xi32, #tpu.memory_space<vmem>> -> memref<64xi32, #tpu.memory_space<vmem>>
          %dma_start3A_192 = arith.constant 0 : i32
          %dma_start3A_193 = arith.constant 0 : i32
          %dma_start3A_194 = tpu.memref_slice %arg2[%arg0, %dma_start3A_192, %dma_start3A_193] : memref<2x10240x128xf32, #tpu.memory_space<hbm>> -> memref<1x10240x128xf32, #tpu.memory_space<hbm>>
          %dma_start3A_195 = tpu.memref_squeeze %dma_start3A_194 : memref<1x10240x128xf32, #tpu.memory_space<hbm>> -> memref<10240x128xf32, #tpu.memory_space<hbm>>
          %dma_start3A_196 = arith.constant 0 : i32
          %dma_start3A_197 = arith.constant 0 : i32
          %dma_start3A_198 = tpu.memref_slice %dma_start3A_195[%dma_start3A_196, %dma_start3A_197] : memref<10240x128xf32, #tpu.memory_space<hbm>> -> memref<10240x128xf32, #tpu.memory_space<hbm>>
          tpu.enqueue_indirect_dma source(%dma_start3A_198 : memref<10240x128xf32, #tpu.memory_space<hbm>>) target(%arg10 : memref<64x128xf32, #tpu.memory_space<vmem>>) offsets(%dma_start3A_191 : memref<64xi32, #tpu.memory_space<vmem>>) semaphore(%arg15 : memref<!tpu.dma_semaphore, #tpu.memory_space<semaphore_mem>>)
        } else {
        }
        %add3A_162 = arith.constant 3 : i32
        %add3A_163 = arith.addi %add3A_96, %add3A_162 : i32
        %dma_wait3A_164 = arith.constant 0 : i32
        %dma_wait3A_165 = tpu.memref_slice %arg6[%add3A_163, %dma_wait3A_164] : memref<16x64xi32, #tpu.memory_space<vmem>> -> memref<1x64xi32, #tpu.memory_space<vmem>>
        %dma_wait3A_166 = tpu.memref_squeeze %dma_wait3A_165 : memref<1x64xi32, #tpu.memory_space<vmem>> -> memref<64xi32, #tpu.memory_space<vmem>>
        %dma_wait3A_167 = arith.constant 0 : i32
        %dma_wait3A_168 = arith.constant 0 : i32
        %dma_wait3A_169 = tpu.memref_slice %arg2[%arg0, %dma_wait3A_167, %dma_wait3A_168] : memref<2x10240x128xf32, #tpu.memory_space<hbm>> -> memref<1x10240x128xf32, #tpu.memory_space<hbm>>
        %dma_wait3A_170 = tpu.memref_squeeze %dma_wait3A_169 : memref<1x10240x128xf32, #tpu.memory_space<hbm>> -> memref<10240x128xf32, #tpu.memory_space<hbm>>
        %dma_wait3A_171 = arith.constant 0 : i32
        %dma_wait3A_172 = arith.constant 0 : i32
        %dma_wait3A_173 = tpu.memref_slice %dma_wait3A_170[%dma_wait3A_171, %dma_wait3A_172] : memref<10240x128xf32, #tpu.memory_space<hbm>> -> memref<10240x128xf32, #tpu.memory_space<hbm>>
        tpu.wait_indirect_dma semaphore(%arg16 : memref<!tpu.dma_semaphore, #tpu.memory_space<semaphore_mem>>) src(%dma_wait3A_173 : memref<10240x128xf32, #tpu.memory_space<hbm>>) dst(%arg11 : memref<64x128xf32, #tpu.memory_space<vmem>>)
        %add3A_174 = arith.constant 3 : i32
        %add3A_175 = arith.addi %add3A_96, %add3A_174 : i32
        "tpu.region"() ({
          %run_scoped3A = tpu.sem_alloc : memref<!tpu.dma_semaphore, #tpu.memory_space<semaphore_mem>>
          %dma_start3A_185 = arith.constant 0 : i32
          %dma_start3A_186 = tpu.memref_slice %arg7[%add3A_175, %dma_start3A_185] : memref<16x64xi32, #tpu.memory_space<vmem>> -> memref<1x64xi32, #tpu.memory_space<vmem>>
          %dma_start3A_187 = tpu.memref_squeeze %dma_start3A_186 : memref<1x64xi32, #tpu.memory_space<vmem>> -> memref<64xi32, #tpu.memory_space<vmem>>
          %dma_start3A_188 = arith.constant 0 : i32
          %dma_start3A_189 = arith.constant 0 : i32
          %dma_start3A_190 = tpu.memref_slice %arg12[%dma_start3A_188, %dma_start3A_189] : memref<10240x128xf32, #tpu.memory_space<vmem_shared>> -> memref<10240x128xf32, #tpu.memory_space<vmem_shared>>
          tpu.enqueue_indirect_dma source(%arg11 : memref<64x128xf32, #tpu.memory_space<vmem>>) target(%dma_start3A_190 : memref<10240x128xf32, #tpu.memory_space<vmem_shared>>) offsets(%dma_start3A_187 : memref<64xi32, #tpu.memory_space<vmem>>) semaphore(%run_scoped3A : memref<!tpu.dma_semaphore, #tpu.memory_space<semaphore_mem>>) {add = true}
          %dma_wait3A_191 = arith.constant 0 : i32
          %dma_wait3A_192 = tpu.memref_slice %arg7[%add3A_175, %dma_wait3A_191] : memref<16x64xi32, #tpu.memory_space<vmem>> -> memref<1x64xi32, #tpu.memory_space<vmem>>
          %dma_wait3A_193 = tpu.memref_squeeze %dma_wait3A_192 : memref<1x64xi32, #tpu.memory_space<vmem>> -> memref<64xi32, #tpu.memory_space<vmem>>
          %dma_wait3A_194 = arith.constant 0 : i32
          %dma_wait3A_195 = arith.constant 0 : i32
          %dma_wait3A_196 = tpu.memref_slice %arg12[%dma_wait3A_194, %dma_wait3A_195] : memref<10240x128xf32, #tpu.memory_space<vmem_shared>> -> memref<10240x128xf32, #tpu.memory_space<vmem_shared>>
          tpu.wait_indirect_dma semaphore(%run_scoped3A : memref<!tpu.dma_semaphore, #tpu.memory_space<semaphore_mem>>) src(%arg11 : memref<64x128xf32, #tpu.memory_space<vmem>>) dst(%dma_wait3A_196 : memref<10240x128xf32, #tpu.memory_space<vmem_shared>>)
          tpu.yield
        }) : () -> ()
        %add3A_176 = arith.constant 3 : i32
        %add3A_177 = arith.addi %add3A_96, %add3A_176 : i32
        %add3A_178 = arith.constant 4 : i32
        %add3A_179 = arith.addi %add3A_177, %add3A_178 : i32
        %lt3A_180 = arith.constant 16 : i32
        %lt3A_181 = arith.cmpi slt, %add3A_179, %lt3A_180 : i32
        %convert_element_type3A_182 = arith.extui %lt3A_181 : i1 to i32
        %cond3A_183 = arith.constant 0 : i32
        %cond3A_184 = arith.cmpi ne, %convert_element_type3A_182, %cond3A_183 : i32
        scf.if %cond3A_184 {
          %add3A_185 = arith.constant 3 : i32
          %add3A_186 = arith.addi %add3A_96, %add3A_185 : i32
          %add3A_187 = arith.constant 4 : i32
          %add3A_188 = arith.addi %add3A_186, %add3A_187 : i32
          %dma_start3A_189 = arith.constant 0 : i32
          %dma_start3A_190 = tpu.memref_slice %arg6[%add3A_188, %dma_start3A_189] : memref<16x64xi32, #tpu.memory_space<vmem>> -> memref<1x64xi32, #tpu.memory_space<vmem>>
          %dma_start3A_191 = tpu.memref_squeeze %dma_start3A_190 : memref<1x64xi32, #tpu.memory_space<vmem>> -> memref<64xi32, #tpu.memory_space<vmem>>
          %dma_start3A_192 = arith.constant 0 : i32
          %dma_start3A_193 = arith.constant 0 : i32
          %dma_start3A_194 = tpu.memref_slice %arg2[%arg0, %dma_start3A_192, %dma_start3A_193] : memref<2x10240x128xf32, #tpu.memory_space<hbm>> -> memref<1x10240x128xf32, #tpu.memory_space<hbm>>
          %dma_start3A_195 = tpu.memref_squeeze %dma_start3A_194 : memref<1x10240x128xf32, #tpu.memory_space<hbm>> -> memref<10240x128xf32, #tpu.memory_space<hbm>>
          %dma_start3A_196 = arith.constant 0 : i32
          %dma_start3A_197 = arith.constant 0 : i32
          %dma_start3A_198 = tpu.memref_slice %dma_start3A_195[%dma_start3A_196, %dma_start3A_197] : memref<10240x128xf32, #tpu.memory_space<hbm>> -> memref<10240x128xf32, #tpu.memory_space<hbm>>
          tpu.enqueue_indirect_dma source(%dma_start3A_198 : memref<10240x128xf32, #tpu.memory_space<hbm>>) target(%arg11 : memref<64x128xf32, #tpu.memory_space<vmem>>) offsets(%dma_start3A_191 : memref<64xi32, #tpu.memory_space<vmem>>) semaphore(%arg16 : memref<!tpu.dma_semaphore, #tpu.memory_space<semaphore_mem>>)
        } else {
        }
      }
      %scan3A_91 = arith.constant 4 : i32
    }
    %barrier3A_34 = arith.constant 0 : index
    tpu.barrier barrier_id(%barrier3A_34)
    %mul3A_35 = arith.constant 640 : i32
    %mul3A_36 = arith.muli %arg1, %mul3A_35 : i32
    %mul3A_37 = arith.constant 640 : i32
    %mul3A_38 = arith.muli %arg1, %mul3A_37 : i32
    "tpu.region"() ({
      %run_scoped3A = tpu.sem_alloc : memref<!tpu.dma_semaphore, #tpu.memory_space<semaphore_mem>>
      %dma_start3A = arith.constant 0 : i32
      %dma_start3A_39 = tpu.memref_slice %arg5[%arg0, %mul3A_38, %dma_start3A] : memref<2x10240x128xf32, #tpu.memory_space<hbm>> -> memref<1x640x128xf32, #tpu.memory_space<hbm>>
      %dma_start3A_40 = tpu.memref_squeeze %dma_start3A_39 : memref<1x640x128xf32, #tpu.memory_space<hbm>> -> memref<640x128xf32, #tpu.memory_space<hbm>>
      %dma_start3A_41 = arith.constant 0 : i32
      %dma_start3A_42 = tpu.memref_slice %arg12[%mul3A_36, %dma_start3A_41] : memref<10240x128xf32, #tpu.memory_space<vmem_shared>> -> memref<640x128xf32, #tpu.memory_space<vmem_shared>>
      tpu.enqueue_dma source(%dma_start3A_42 : memref<640x128xf32, #tpu.memory_space<vmem_shared>>) target(%dma_start3A_40 : memref<640x128xf32, #tpu.memory_space<hbm>>) target_semaphore(%run_scoped3A : memref<!tpu.dma_semaphore, #tpu.memory_space<semaphore_mem>>)
      %dma_wait3A = arith.constant 0 : i32
      %dma_wait3A_43 = tpu.memref_slice %arg5[%arg0, %mul3A_38, %dma_wait3A] : memref<2x10240x128xf32, #tpu.memory_space<hbm>> -> memref<1x640x128xf32, #tpu.memory_space<hbm>>
      %dma_wait3A_44 = tpu.memref_squeeze %dma_wait3A_43 : memref<1x640x128xf32, #tpu.memory_space<hbm>> -> memref<640x128xf32, #tpu.memory_space<hbm>>
      %dma_wait3A_45 = arith.constant 0 : i32
      %dma_wait3A_46 = tpu.memref_slice %arg12[%mul3A_36, %dma_wait3A_45] : memref<10240x128xf32, #tpu.memory_space<vmem_shared>> -> memref<640x128xf32, #tpu.memory_space<vmem_shared>>
      tpu.wait_dma2 semaphore(%run_scoped3A : memref<!tpu.dma_semaphore, #tpu.memory_space<semaphore_mem>>) src(%dma_wait3A_46 : memref<640x128xf32, #tpu.memory_space<vmem_shared>>) dst(%dma_wait3A_44 : memref<640x128xf32, #tpu.memory_space<hbm>>)
      tpu.yield
    }) : () -> ()
    return
  }
}

module attributes {stable_mosaic.version = 14 : i64} {
  func.func @body(%arg0: i32, %arg1: memref<512x128xf32, #tpu.memory_space<vmem>>, %arg2: memref<128x128xf32, #tpu.memory_space<vmem>>, %arg3: memref<2x512x128xf32, #tpu.memory_space<vmem>>, %arg4: memref<2x512x128xf32, #tpu.memory_space<vmem>>, %arg5: memref<512x128xf32, #tpu.memory_space<vmem>>) attributes {dimension_semantics = [#tpu.dimension_semantics<arbitrary>], iteration_bounds = array<i64: 20>, scalar_prefetch = 0 : i64, scratch_operands = 0 : i64, tpu.core_type = #tpu.core_type<tc>, window_params = [{transform_indices = @transform_0, window_bounds = array<i64: 512, 128>}, {pipeline_mode = #tpu.pipeline_mode<synchronous>, transform_indices = @transform_1, window_bounds = array<i64: 128, 128>}, {transform_indices = @transform_2, window_bounds = array<i64: 2, 512, 128>}, {transform_indices = @transform_3, window_bounds = array<i64: 2, 512, 128>}, {transform_indices = @transform_4, window_bounds = array<i64: 512, 128>}]} {
    %get3A = arith.constant 0 : index
    %get3A_0 = arith.constant 0 : index
    %get3A_1 = arith.constant 0 : index
    %get3A_2 = vector.load %arg3[%get3A, %get3A_0, %get3A_1] : memref<2x512x128xf32, #tpu.memory_space<vmem>>, vector<1x512x128xf32>
    %get3A_3 = vector.shape_cast %get3A_2 : vector<1x512x128xf32> to vector<512x128xf32>
    %slice3A = vector.extract_strided_slice %get3A_3 {offsets = [0, 0], sizes = [512, 1], strides = [1, 1]} : vector<512x128xf32> to vector<512x1xf32>
    %get3A_4 = arith.constant 1 : index
    %get3A_5 = arith.constant 0 : index
    %get3A_6 = arith.constant 0 : index
    %get3A_7 = vector.load %arg3[%get3A_4, %get3A_5, %get3A_6] : memref<2x512x128xf32, #tpu.memory_space<vmem>>, vector<1x512x128xf32>
    %get3A_8 = vector.shape_cast %get3A_7 : vector<1x512x128xf32> to vector<512x128xf32>
    %slice3A_9 = vector.extract_strided_slice %get3A_8 {offsets = [0, 0], sizes = [512, 1], strides = [1, 1]} : vector<512x128xf32> to vector<512x1xf32>
    %add3A = arith.addf %slice3A, %slice3A_9 : vector<512x1xf32>
    %add3A_10 = arith.constant 1.000000e+00 : f32
    %add3A_11 = vector.broadcast %add3A_10 : f32 to vector<512x1xf32>
    %add3A_12 = arith.addf %add3A, %add3A_11 : vector<512x1xf32>
    %rsqrt3A = math.rsqrt %add3A_12 : vector<512x1xf32>
    %get3A_13 = arith.constant 0 : index
    %get3A_14 = arith.constant 0 : index
    %get3A_15 = vector.load %arg1[%get3A_13, %get3A_14] : memref<512x128xf32, #tpu.memory_space<vmem>>, vector<512x128xf32>
    %get3A_16 = arith.constant 0 : index
    %get3A_17 = arith.constant 0 : index
    %get3A_18 = vector.load %arg2[%get3A_16, %get3A_17] : memref<128x128xf32, #tpu.memory_space<vmem>>, vector<128x128xf32>
    %dot_general3A = arith.constant dense<0.000000e+00> : vector<512x128xf32>
    %dot_general3A_19 = tpu.matmul %get3A_15, %get3A_18, %dot_general3A {dimension_numbers = #tpu.dot_dimension_numbers<[1], [0], [0], [1], [0, 0, 1, 1], [], []>, precision = #tpu.contract_precision<fp32>, transpose_lhs_hint = false} : vector<512x128xf32>, vector<128x128xf32>, vector<512x128xf32> -> vector<512x128xf32>
    %mul3A = vector.broadcast %rsqrt3A : vector<512x1xf32> to vector<512x128xf32>
    %mul3A_20 = arith.mulf %dot_general3A_19, %mul3A : vector<512x128xf32>
    %swap3A = arith.constant 0 : index
    %swap3A_21 = arith.constant 0 : index
    %swap3A_22 = arith.constant 0 : index
    %swap3A_23 = vector.load %arg4[%swap3A, %swap3A_21, %swap3A_22] : memref<2x512x128xf32, #tpu.memory_space<vmem>>, vector<1x512x128xf32>
    %swap3A_24 = vector.shape_cast %swap3A_23 : vector<1x512x128xf32> to vector<512x128xf32>
    %swap3A_25 = vector.shape_cast %mul3A_20 : vector<512x128xf32> to vector<1x512x128xf32>
    tpu.vector_store %arg4[%swap3A, %swap3A_21, %swap3A_22], %swap3A_25 {strides = array<i32>} : memref<2x512x128xf32, #tpu.memory_space<vmem>>, vector<1x512x128xf32>,
    %swap3A_26 = arith.constant 1 : index
    %swap3A_27 = arith.constant 0 : index
    %swap3A_28 = arith.constant 0 : index
    %swap3A_29 = vector.load %arg4[%swap3A_26, %swap3A_27, %swap3A_28] : memref<2x512x128xf32, #tpu.memory_space<vmem>>, vector<1x512x128xf32>
    %swap3A_30 = vector.shape_cast %swap3A_29 : vector<1x512x128xf32> to vector<512x128xf32>
    %swap3A_31 = vector.shape_cast %mul3A_20 : vector<512x128xf32> to vector<1x512x128xf32>
    tpu.vector_store %arg4[%swap3A_26, %swap3A_27, %swap3A_28], %swap3A_31 {strides = array<i32>} : memref<2x512x128xf32, #tpu.memory_space<vmem>>, vector<1x512x128xf32>,
    %broadcast_in_dim3A = vector.shape_cast %rsqrt3A : vector<512x1xf32> to vector<512x1xf32>
    %broadcast_in_dim3A_32 = vector.broadcast %broadcast_in_dim3A : vector<512x1xf32> to vector<512x128xf32>
    %swap3A_33 = arith.constant 0 : index
    %swap3A_34 = arith.constant 0 : index
    %swap3A_35 = vector.load %arg5[%swap3A_33, %swap3A_34] : memref<512x128xf32, #tpu.memory_space<vmem>>, vector<512x128xf32>
    tpu.vector_store %arg5[%swap3A_33, %swap3A_34], %broadcast_in_dim3A_32 {strides = array<i32>} : memref<512x128xf32, #tpu.memory_space<vmem>>, vector<512x128xf32>,
    return
  }
  func.func @transform_0(%arg0: i32) -> (i32, i32) {
    %c0_i32 = arith.constant 0 : i32
    %c0_i32_0 = arith.constant 0 : i32
    return %arg0, %c0_i32 : i32, i32
  }
  func.func @transform_1(%arg0: i32) -> (i32, i32) {
    %c0_i32 = arith.constant 0 : i32
    %c0_i32_0 = arith.constant 0 : i32
    %c0_i32_1 = arith.constant 0 : i32
    return %c0_i32, %c0_i32_0 : i32, i32
  }
  func.func @transform_2(%arg0: i32) -> (i32, i32, i32) {
    %c0_i32 = arith.constant 0 : i32
    %c0_i32_0 = arith.constant 0 : i32
    %c0_i32_1 = arith.constant 0 : i32
    return %c0_i32, %arg0, %c0_i32_0 : i32, i32, i32
  }
  func.func @transform_3(%arg0: i32) -> (i32, i32, i32) {
    %c0_i32 = arith.constant 0 : i32
    %c0_i32_0 = arith.constant 0 : i32
    %c0_i32_1 = arith.constant 0 : i32
    return %c0_i32, %arg0, %c0_i32_0 : i32, i32, i32
  }
  func.func @transform_4(%arg0: i32) -> (i32, i32) {
    %c0_i32 = arith.constant 0 : i32
    %c0_i32_0 = arith.constant 0 : i32
    return %arg0, %c0_i32 : i32, i32
  }
}

module attributes {stable_mosaic.version = 14 : i64} {
  func.func @body(%arg0: i32, %arg1: memref<2x512x128xf32, #tpu.memory_space<vmem>>, %arg2: memref<2x512x128xf32, #tpu.memory_space<vmem>>, %arg3: memref<512x128xf32, #tpu.memory_space<vmem>>, %arg4: memref<128x128xf32, #tpu.memory_space<vmem>>, %arg5: memref<1x128xf32, #tpu.memory_space<vmem>>, %arg6: memref<2x512x128xf32, #tpu.memory_space<vmem>>) attributes {dimension_semantics = [#tpu.dimension_semantics<arbitrary>], iteration_bounds = array<i64: 20>, scalar_prefetch = 0 : i64, scratch_operands = 0 : i64, tpu.core_type = #tpu.core_type<tc>, window_params = [{transform_indices = @transform_0, window_bounds = array<i64: 2, 512, 128>}, {transform_indices = @transform_1, window_bounds = array<i64: 2, 512, 128>}, {transform_indices = @transform_2, window_bounds = array<i64: 512, 128>}, {pipeline_mode = #tpu.pipeline_mode<synchronous>, transform_indices = @transform_3, window_bounds = array<i64: 128, 128>}, {pipeline_mode = #tpu.pipeline_mode<synchronous>, transform_indices = @transform_4, window_bounds = array<i64: 1, 128>}, {transform_indices = @transform_5, window_bounds = array<i64: 2, 512, 128>}]} {
    %get3A = arith.constant 0 : index
    %get3A_0 = arith.constant 0 : index
    %get3A_1 = vector.load %arg3[%get3A, %get3A_0] : memref<512x128xf32, #tpu.memory_space<vmem>>, vector<512x1xf32>
    %get3A_2 = arith.constant 0 : index
    %get3A_3 = arith.constant 0 : index
    %get3A_4 = arith.constant 0 : index
    %get3A_5 = vector.load %arg1[%get3A_2, %get3A_3, %get3A_4] : memref<2x512x128xf32, #tpu.memory_space<vmem>>, vector<1x512x128xf32>
    %get3A_6 = vector.shape_cast %get3A_5 : vector<1x512x128xf32> to vector<512x128xf32>
    %get3A_7 = arith.constant 1 : index
    %get3A_8 = arith.constant 0 : index
    %get3A_9 = arith.constant 0 : index
    %get3A_10 = vector.load %arg1[%get3A_7, %get3A_8, %get3A_9] : memref<2x512x128xf32, #tpu.memory_space<vmem>>, vector<1x512x128xf32>
    %get3A_11 = vector.shape_cast %get3A_10 : vector<1x512x128xf32> to vector<512x128xf32>
    %add3A = arith.addf %get3A_6, %get3A_11 : vector<512x128xf32>
    %get3A_12 = arith.constant 0 : index
    %get3A_13 = arith.constant 0 : index
    %get3A_14 = arith.constant 0 : index
    %get3A_15 = vector.load %arg2[%get3A_12, %get3A_13, %get3A_14] : memref<2x512x128xf32, #tpu.memory_space<vmem>>, vector<1x512x128xf32>
    %get3A_16 = vector.shape_cast %get3A_15 : vector<1x512x128xf32> to vector<512x128xf32>
    %add3A_17 = arith.addf %add3A, %get3A_16 : vector<512x128xf32>
    %mul3A = vector.broadcast %get3A_1 : vector<512x1xf32> to vector<512x128xf32>
    %mul3A_18 = arith.mulf %mul3A, %add3A_17 : vector<512x128xf32>
    %get3A_19 = arith.constant 0 : index
    %get3A_20 = arith.constant 0 : index
    %get3A_21 = vector.load %arg5[%get3A_19, %get3A_20] : memref<1x128xf32, #tpu.memory_space<vmem>>, vector<1x128xf32>
    %add3A_22 = vector.broadcast %get3A_21 : vector<1x128xf32> to vector<512x128xf32>
    %add3A_23 = arith.addf %mul3A_18, %add3A_22 : vector<512x128xf32>
    %max3A = arith.constant 0.000000e+00 : f32
    %max3A_24 = vector.broadcast %max3A : f32 to vector<512x128xf32>
    %max3A_25 = arith.maximumf %add3A_23, %max3A_24 : vector<512x128xf32>
    %get3A_26 = arith.constant 0 : index
    %get3A_27 = arith.constant 0 : index
    %get3A_28 = vector.load %arg4[%get3A_26, %get3A_27] : memref<128x128xf32, #tpu.memory_space<vmem>>, vector<128x128xf32>
    %dot_general3A = arith.constant dense<0.000000e+00> : vector<512x128xf32>
    %dot_general3A_29 = tpu.matmul %max3A_25, %get3A_28, %dot_general3A {dimension_numbers = #tpu.dot_dimension_numbers<[1], [0], [0], [1], [0, 0, 1, 1], [], []>, precision = #tpu.contract_precision<fp32>, transpose_lhs_hint = false} : vector<512x128xf32>, vector<128x128xf32>, vector<512x128xf32> -> vector<512x128xf32>
    %mul3A_30 = vector.broadcast %get3A_1 : vector<512x1xf32> to vector<512x128xf32>
    %mul3A_31 = arith.mulf %dot_general3A_29, %mul3A_30 : vector<512x128xf32>
    %swap3A = arith.constant 0 : index
    %swap3A_32 = arith.constant 0 : index
    %swap3A_33 = arith.constant 0 : index
    %swap3A_34 = vector.load %arg6[%swap3A, %swap3A_32, %swap3A_33] : memref<2x512x128xf32, #tpu.memory_space<vmem>>, vector<1x512x128xf32>
    %swap3A_35 = vector.shape_cast %swap3A_34 : vector<1x512x128xf32> to vector<512x128xf32>
    %swap3A_36 = vector.shape_cast %mul3A_31 : vector<512x128xf32> to vector<1x512x128xf32>
    tpu.vector_store %arg6[%swap3A, %swap3A_32, %swap3A_33], %swap3A_36 {strides = array<i32>} : memref<2x512x128xf32, #tpu.memory_space<vmem>>, vector<1x512x128xf32>,
    %swap3A_37 = arith.constant 1 : index
    %swap3A_38 = arith.constant 0 : index
    %swap3A_39 = arith.constant 0 : index
    %swap3A_40 = vector.load %arg6[%swap3A_37, %swap3A_38, %swap3A_39] : memref<2x512x128xf32, #tpu.memory_space<vmem>>, vector<1x512x128xf32>
    %swap3A_41 = vector.shape_cast %swap3A_40 : vector<1x512x128xf32> to vector<512x128xf32>
    %swap3A_42 = vector.shape_cast %mul3A_31 : vector<512x128xf32> to vector<1x512x128xf32>
    tpu.vector_store %arg6[%swap3A_37, %swap3A_38, %swap3A_39], %swap3A_42 {strides = array<i32>} : memref<2x512x128xf32, #tpu.memory_space<vmem>>, vector<1x512x128xf32>,
    return
  }
  func.func @transform_0(%arg0: i32) -> (i32, i32, i32) {
    %c0_i32 = arith.constant 0 : i32
    %c0_i32_0 = arith.constant 0 : i32
    %c0_i32_1 = arith.constant 0 : i32
    return %c0_i32, %arg0, %c0_i32_0 : i32, i32, i32
  }
  func.func @transform_1(%arg0: i32) -> (i32, i32, i32) {
    %c0_i32 = arith.constant 0 : i32
    %c0_i32_0 = arith.constant 0 : i32
    %c0_i32_1 = arith.constant 0 : i32
    return %c0_i32, %arg0, %c0_i32_0 : i32, i32, i32
  }
  func.func @transform_2(%arg0: i32) -> (i32, i32) {
    %c0_i32 = arith.constant 0 : i32
    %c0_i32_0 = arith.constant 0 : i32
    return %arg0, %c0_i32 : i32, i32
  }
  func.func @transform_3(%arg0: i32) -> (i32, i32) {
    %c0_i32 = arith.constant 0 : i32
    %c0_i32_0 = arith.constant 0 : i32
    %c0_i32_1 = arith.constant 0 : i32
    return %c0_i32, %c0_i32_0 : i32, i32
  }
  func.func @transform_4(%arg0: i32) -> (i32, i32) {
    %c0_i32 = arith.constant 0 : i32
    %c0_i32_0 = arith.constant 0 : i32
    %c0_i32_1 = arith.constant 0 : i32
    return %c0_i32, %c0_i32_0 : i32, i32
  }
  func.func @transform_5(%arg0: i32) -> (i32, i32, i32) {
    %c0_i32 = arith.constant 0 : i32
    %c0_i32_0 = arith.constant 0 : i32
    %c0_i32_1 = arith.constant 0 : i32
    return %c0_i32, %arg0, %c0_i32_0 : i32, i32, i32
  }
}

module attributes {stable_mosaic.version = 14 : i64} {
  func.func @body(%arg0: i32, %arg1: memref<2x512x128xf32, #tpu.memory_space<vmem>>, %arg2: memref<2x512x128xf32, #tpu.memory_space<vmem>>, %arg3: memref<512x128xf32, #tpu.memory_space<vmem>>, %arg4: memref<1x128xf32, #tpu.memory_space<vmem>>, %arg5: memref<512x128xf32, #tpu.memory_space<vmem>>) attributes {dimension_semantics = [#tpu.dimension_semantics<arbitrary>], iteration_bounds = array<i64: 20>, scalar_prefetch = 0 : i64, scratch_operands = 0 : i64, tpu.core_type = #tpu.core_type<tc>, window_params = [{transform_indices = @transform_0, window_bounds = array<i64: 2, 512, 128>}, {transform_indices = @transform_1, window_bounds = array<i64: 2, 512, 128>}, {transform_indices = @transform_2, window_bounds = array<i64: 512, 128>}, {pipeline_mode = #tpu.pipeline_mode<synchronous>, transform_indices = @transform_3, window_bounds = array<i64: 1, 128>}, {transform_indices = @transform_4, window_bounds = array<i64: 512, 128>}]} {
    %get3A = arith.constant 0 : index
    %get3A_0 = arith.constant 0 : index
    %get3A_1 = vector.load %arg3[%get3A, %get3A_0] : memref<512x128xf32, #tpu.memory_space<vmem>>, vector<512x1xf32>
    %get3A_2 = arith.constant 0 : index
    %get3A_3 = arith.constant 0 : index
    %get3A_4 = arith.constant 0 : index
    %get3A_5 = vector.load %arg1[%get3A_2, %get3A_3, %get3A_4] : memref<2x512x128xf32, #tpu.memory_space<vmem>>, vector<1x512x128xf32>
    %get3A_6 = vector.shape_cast %get3A_5 : vector<1x512x128xf32> to vector<512x128xf32>
    %get3A_7 = arith.constant 1 : index
    %get3A_8 = arith.constant 0 : index
    %get3A_9 = arith.constant 0 : index
    %get3A_10 = vector.load %arg1[%get3A_7, %get3A_8, %get3A_9] : memref<2x512x128xf32, #tpu.memory_space<vmem>>, vector<1x512x128xf32>
    %get3A_11 = vector.shape_cast %get3A_10 : vector<1x512x128xf32> to vector<512x128xf32>
    %add3A = arith.addf %get3A_6, %get3A_11 : vector<512x128xf32>
    %get3A_12 = arith.constant 0 : index
    %get3A_13 = arith.constant 0 : index
    %get3A_14 = arith.constant 0 : index
    %get3A_15 = vector.load %arg2[%get3A_12, %get3A_13, %get3A_14] : memref<2x512x128xf32, #tpu.memory_space<vmem>>, vector<1x512x128xf32>
    %get3A_16 = vector.shape_cast %get3A_15 : vector<1x512x128xf32> to vector<512x128xf32>
    %add3A_17 = arith.addf %add3A, %get3A_16 : vector<512x128xf32>
    %mul3A = vector.broadcast %get3A_1 : vector<512x1xf32> to vector<512x128xf32>
    %mul3A_18 = arith.mulf %mul3A, %add3A_17 : vector<512x128xf32>
    %get3A_19 = arith.constant 0 : index
    %get3A_20 = arith.constant 0 : index
    %get3A_21 = vector.load %arg4[%get3A_19, %get3A_20] : memref<1x128xf32, #tpu.memory_space<vmem>>, vector<1x128xf32>
    %add3A_22 = vector.broadcast %get3A_21 : vector<1x128xf32> to vector<512x128xf32>
    %add3A_23 = arith.addf %mul3A_18, %add3A_22 : vector<512x128xf32>
    %swap3A = arith.constant 0 : index
    %swap3A_24 = arith.constant 0 : index
    %swap3A_25 = vector.load %arg5[%swap3A, %swap3A_24] : memref<512x128xf32, #tpu.memory_space<vmem>>, vector<512x128xf32>
    tpu.vector_store %arg5[%swap3A, %swap3A_24], %add3A_23 {strides = array<i32>} : memref<512x128xf32, #tpu.memory_space<vmem>>, vector<512x128xf32>,
    return
  }
  func.func @transform_0(%arg0: i32) -> (i32, i32, i32) {
    %c0_i32 = arith.constant 0 : i32
    %c0_i32_0 = arith.constant 0 : i32
    %c0_i32_1 = arith.constant 0 : i32
    return %c0_i32, %arg0, %c0_i32_0 : i32, i32, i32
  }
  func.func @transform_1(%arg0: i32) -> (i32, i32, i32) {
    %c0_i32 = arith.constant 0 : i32
    %c0_i32_0 = arith.constant 0 : i32
    %c0_i32_1 = arith.constant 0 : i32
    return %c0_i32, %arg0, %c0_i32_0 : i32, i32, i32
  }
  func.func @transform_2(%arg0: i32) -> (i32, i32) {
    %c0_i32 = arith.constant 0 : i32
    %c0_i32_0 = arith.constant 0 : i32
    return %arg0, %c0_i32 : i32, i32
  }
  func.func @transform_3(%arg0: i32) -> (i32, i32) {
    %c0_i32 = arith.constant 0 : i32
    %c0_i32_0 = arith.constant 0 : i32
    %c0_i32_1 = arith.constant 0 : i32
    return %c0_i32, %c0_i32_0 : i32, i32
  }
  func.func @transform_4(%arg0: i32) -> (i32, i32) {
    %c0_i32 = arith.constant 0 : i32
    %c0_i32_0 = arith.constant 0 : i32
    return %arg0, %c0_i32 : i32, i32
  }
}

</mosaic_0001>

<sc_bundles>
// kernel: kernel.11.cloned.1.call-start
scs
__scs_entry_jumppad:
0x0: {  	(pc) =	sbr.rel $0x88, $3  }
0x1: {  	(tag) =	ssettag $0x0;
	lr =	simm.s32 $0x1  }
0x2: {  	[smem:$0x3F9B] =	sst lr;
	_ =	strace $0xD0000000  }
0x3: {  	_ = 	snop  }
0x4: {  	_ = 	snop  }
0x5: {  	_ = 	snop  }
0x6: {  	_ = 	snop  }
0x7: {  	_ = 	snop  }
__scs_overlays_trampoline_lowered:
0x8: {  	[smem:$0x3FAA] =	sst s0  }
0x9: {  	[smem:$0x3FAB] =	sst s1  }
0xa: {  	[smem:$0x3FAC] =	sst s2  }
0xb: {  	[smem:$0x3FAD] =	sst s3  }
0xc: {  	[smem:$0x3FAE] =	sst s4  }
0xd: {  	[smem:$0x3FAF] =	sst s5  }
0xe: {  	[smem:$0x3FB0] =	sst s6  }
0xf: {  	[smem:$0x3FB1] =	sst s7  }
0x10: {  	[smem:$0x3FB2] =	sst s8  }
0x11: {  	[smem:$0x3FB3] =	sst s9;
	s0 =	simm.s32 @!p0 $0x0  }
0x12: {  	s1 =	sld [smem:$0x3F99];
	s0 =	simm.s32 @p0 $0x1  }
0x13: {  	[smem:$0x3FB4] =	sst s0;
	s0 =	simm.s32 @!p1 $0x0  }
0x14: {  	s2 =	sld [smem:$0x3F98];
	s0 =	simm.s32 @p1 $0x1  }
0x15: {  	[smem:$0x3FB5] =	sst s0;
	s0 =	simm.s32 @!p2 $0x0  }
0x16: {  	s3 =	sld [smem:$0x3FDB];
	s0 =	simm.s32 @p2 $0x1  }
0x17: {  	s4 =	simm.s32 $0x1BF5;
	[smem:$0x3FB7] =	sst s0  }
0x18: {  	s0 =	sld [smem:$0x3F9A];
	_ =	swait.ge [sflag:s4], $0x0  }
0x19: {  	s7 =	sld [smem:$0x3F9B]  }
0x1a: {  	s8 =	sadd.s32 $0xFFFFE003, lr  }
0x1b: {  	s9 =	sadd.s32 $0xFFFFFEF7, lr;
	s5 =	simm.s32 $0xFFFFFFFF;
	p2 =	slt.u32 s8, $0xFFFFF086  }
0x1c: {  	p1 =	slt.u32 s9, $0xF7A;
	s5 =	simm.s32 @!p2 $0x0  }
0x1d: {  	s5 =	simm.s32 @p1 $0x1;
	p0 =	seq.s32 s7, s2  }
0x1e: {  	s7 =	smul.u32 @!p0 $0xF7A, s2;
	p2 =	seq.s32 @!p0 s5, $0x0  }
0x1f: {  	s9 =	smul.u32 $0xF7A, s1;
	s8 =	simm.s32 @!p0 $0x1BF5;
	p2 =	por !p2, p0  }
0x20: {  	[sflag:s8] =	ssyncset.s32 @!p0 $0xFFFFF086;
	s6 =	sadd.s32 @!p0 s3, s7;
	s7 =	simm.s32 @!p0 $0x108  }
0x21: {  	s3 =	sadd.s32 s3, s9;
	s6 =	sadd.s32 @!p0 $0x88, s6;
	s7 =	simm.s32 @p2 $0x1082  }
0x22: {  	[simem:s7], [sflag:s8] =	dma.local @!p0 [hbm:s6], $0xF7A  }
0x23: {  	s9 =	sor.u32 $0xD0000000, s2;
	s6 =	simm.s32 $0x108;
	_ =	swait.ge @!p0 [sflag:s8], $0x0  }
0x24: {  	s3 =	sadd.s32 $0x88, s3;
	s6 =	simm.s32 @!p1 $0x1082;
	[sflag:s4] =	ssyncset.s32 $0xFFFFF086  }
0x25: {  	[simem:s6], [sflag:s4] =	dma.local [hbm:s3], $0xF7A  }
0x26: {  	[smem:$0x3F9B] =	sst s1;
	(tag) =	ssettag s2;
	_ =	strace s9  }
0x27: {  	s1 =	sld [smem:$0x3FAB]  }
0x28: {  	s2 =	sld [smem:$0x3FAC]  }
0x29: {  	s4 =	sld [smem:$0x3FAE]  }
0x2a: {  	p0 =	seq.s32 s5, $0x0;
	s5 =	sld [smem:$0x3FAF]  }
0x2b: {  	s6 =	sld [smem:$0x3FB0]  }
0x2c: {  	s7 =	sld [smem:$0x3FB1]  }
0x2d: {  	s3 =	simm.s32 $0x108;
	s8 =	sld [smem:$0x3FB2]  }
0x2e: {  	s3 =	simm.s32 @!p0 $0x1082;
	s9 =	sld [smem:$0x3FB3]  }
0x2f: {  	lr =	sadd.s32 s0, s3;
	s0 =	sld [smem:$0x3FAA]  }
0x30: {  	s3 =	sld [smem:$0x3FAD]  }
0x31: {  	[smem:$0x3FB6] =	sst s10  }
0x32: {  	s10 =	sld [smem:$0x3FB4];
	_ =	sdelay $0x3  }
0x33: {  	p0 =	seq.s32 s10, $0x1;
	s10 =	sld [smem:$0x3FB6];
	_ =	sdelay $0x3  }
0x34: {  	[smem:$0x3FB6] =	sst s10  }
0x35: {  	s10 =	sld [smem:$0x3FB5];
	_ =	sdelay $0x3  }
0x36: {  	p1 =	seq.s32 s10, $0x1;
	s10 =	sld [smem:$0x3FB6];
	_ =	sdelay $0x3  }
0x37: {  	[smem:$0x3FB6] =	sst s10  }
0x38: {  	s10 =	sld [smem:$0x3FB7]  }
0x39: {  	_ = 	snop;
	(pc) =	sbr.ind lr, $3  }
0x3a: {  	_ = 	snop  }
0x3b: {  	_ = 	snop  }
0x3c: {  	p2 =	seq.s32 s10, $0x1;
	s10 =	sld [smem:$0x3FB6]  }
0x3d: {  	_ =	shalt  }
0x3e: {  	_ =	shalt  }
0x3f: {  	_ =	shalt  }
0x40: {  	_ =	shalt  }
0x41: {  	_ =	shalt  }
0x42: {  	_ =	shalt  }
0x43: {  	_ =	shalt  }
0x44: {  	_ =	shalt  }
0x45: {  	_ =	shalt  }
0x46: {  	_ =	shalt  }
0x47: {  	_ =	shalt  }
0x48: {  	_ =	shalt  }
0x49: {  	_ =	shalt  }
0x4a: {  	_ =	shalt  }
0x4b: {  	_ =	shalt  }
0x4c: {  	_ =	shalt  }
0x4d: {  	_ =	shalt  }
0x4e: {  	_ =	shalt  }
0x4f: {  	_ =	shalt  }
0x50: {  	_ =	shalt  }
0x51: {  	_ =	shalt  }
0x52: {  	_ =	shalt  }
0x53: {  	_ =	shalt  }
0x54: {  	_ =	shalt  }
0x55: {  	_ =	shalt  }
0x56: {  	_ =	shalt  }
0x57: {  	_ =	shalt  }
0x58: {  	_ =	shalt  }
0x59: {  	_ =	shalt  }
0x5a: {  	_ =	shalt  }
0x5b: {  	_ =	shalt  }
0x5c: {  	_ =	shalt  }
0x5d: {  	_ =	shalt  }
0x5e: {  	_ =	shalt  }
0x5f: {  	_ =	shalt  }
0x60: {  	_ =	shalt  }
0x61: {  	_ =	shalt  }
0x62: {  	_ =	shalt  }
0x63: {  	_ =	shalt  }
0x64: {  	_ =	shalt  }
0x65: {  	_ =	shalt  }
0x66: {  	_ =	shalt  }
0x67: {  	_ =	shalt  }
0x68: {  	_ =	shalt  }
0x69: {  	_ =	shalt  }
0x6a: {  	_ =	shalt  }
0x6b: {  	_ =	shalt  }
0x6c: {  	_ =	shalt  }
0x6d: {  	_ =	shalt  }
0x6e: {  	_ =	shalt  }
0x6f: {  	_ =	shalt  }
0x70: {  	_ =	shalt  }
0x71: {  	_ =	shalt  }
0x72: {  	_ =	shalt  }
0x73: {  	_ =	shalt  }
0x74: {  	_ =	shalt  }
0x75: {  	_ =	shalt  }
0x76: {  	_ =	shalt  }
0x77: {  	_ =	shalt  }
0x78: {  	_ =	shalt  }
0x79: {  	_ =	shalt  }
0x7a: {  	_ =	shalt  }
0x7b: {  	_ =	shalt  }
0x7c: {  	_ =	shalt  }
0x7d: {  	_ =	shalt  }
0x7e: {  	_ =	shalt  }
0x7f: {  	_ =	shalt  }
0x80: {  	_ =	shalt  }
0x81: {  	_ =	shalt  }
0x82: {  	_ =	shalt  }
0x83: {  	_ =	shalt  }
0x84: {  	_ =	shalt  }
0x85: {  	_ =	shalt  }
0x86: {  	_ =	shalt  }
0x87: {  	_ =	shalt  }
.Lfunc_end0:
.L_simem_size_0:
called_computation.1_lowered:
.L_overlay_start_0:
0x88: {  	s2 =	sld [smem:$0x3FD9]  }
0x89: {  	s3 =	sld [smem:$0x3FFE];
	_ =	sdelay $0x1  }
0x8a: {  	s1 =	srdreg.scid  }
0x8b: {  	s0 =	sand.u32 $0x1, s1  }
0x8c: {  	s17 =	sshll.u32 s0, $0xA;
	s2 =	sadd.s32 s3, s2  }
0x8d: {  	s2 =	sadd.s32 s2, s17  }
0x8e: {  	[smem:$0x3FC2] =	sst s2  }
0x8f: {  	_ = 	snop  }
0x90: {  	s2 =	sld [smem:$0x3FD0];
	(tm) =	ssettm $0x1  }
0x91: {  	s18 =	sld [smem:$0x3FFB];
	_ =	sdelay $0x3  }
0x92: {  	_ =	strace s18  }
0x93: {  	s3 =	sld [smem:$0x3FFC];
	_ =	sdelay $0x3  }
0x94: {  	_ =	strace s3  }
0x95: {  	s3 =	sld [smem:$0x3FFD];
	_ =	sdelay $0x3  }
0x96: {  	_ =	strace s3  }
0x97: {  	_ =	strace $0x8FFFFFFF  }
0x98: {  	s19 =	sld [smem:$0x3FDB];
	_ =	sdelay $0x1  }
0x99: {  	s4 =	simm.s32 $_scs_section_size  }
0x9a: {  	s5 =	simm.s32 $_size__tile_overlayer_lowered;
	s6 =	simm.s32 $_tile_overlayer_lowered  }
0x9b: {  	s22 =	simm.s32 $0x1BFF;
	s21 =	sshll.u32 s6, $0x1;
	s3 =	sadd.s32 s4, s19  }
0x9c: {  	s7 =	simm.s32 $0x0;
	s20 =	sshll.u32 s5, $0x1;
	s5 =	sadd.s32 s21, s3  }
0x9d: {  	[timem:s7], [sflag:s22] =	dma.local [hbm:s5], s20  }
0x9e: {  	_ =	swait.ge [sflag:s22], s20  }
0x9f: {  	s4 =	ssub.s32 $0x0, s20;
	[sflag:s22] =	ssyncset.done $0x0  }
0xa0: {  	[sflag:s22] =	ssyncadd.s32 s4;
	_ =	sdelay $0x1  }
0xa1: {  	s23 =	simm.s32 $0x1B8B  }
0xa2: {  	_ =	swait.ge [sflag:s23], $0x1  }
0xa3: {  	[sflag:s23] =	ssyncset.done $0x0  }
0xa4: {  	s25 =	simm.s32 $0x1B8E;
	s24 =	sld [smem:$0x3FFE];
	[sflag:s23] =	ssyncadd.s32 $0xFFFFFFFF  }
0xa5: {  	s26 =	simm.s32 $execute0_lowered;
	[smem:$0x3FD2] =	sst s25  }
0xa6: {  	s5 =	sshll.u32 s26, $0x1;
	_ =	strace $0x80000049;
	[dreg:$0x1] =	wrdreg $0xFFFFFFFF  }
0xa7: {  	s28 =	simm.s32 $_size_execute0_lowered;
	s3 =	sadd.s32 s3, s5;
	[dreg:$0x0] =	wrdreg $0x0  }
0xa8: {  	s5 =	sshll.u32 s28, $0x1;
	[dreg:$0x2] =	wrdreg s3  }
0xa9: {  	[dreg:$0x3] =	wrdreg s5  }
0xaa: {  	[dreg:$0x4] =	wrdreg $0xC0  }
0xab: {  	_ =	task [dreg:s7], $0x5FFFF  }
0xac: {  	[dreg:$0x1] =	wrdreg $0xFFFFFFFF  }
0xad: {  	[dreg:$0x0] =	wrdreg $0x60  }
0xae: {  	[dreg:$0x2] =	wrdreg s24  }
0xaf: {  	[dreg:$0x3] =	wrdreg s2  }
0xb0: {  	[dreg:$0x4] =	wrdreg $0x90000  }
0xb1: {  	[dreg:$0x5] =	wrdreg $0x9  }
0xb2: {  	_ =	task.clear_ibuf [dreg:s7], $0x6FFFF;
	_ =	strace $0x90000049  }
0xb3: {  	s29 =	simm.s32 $0x9;
	_ =	strace $0x8000004B  }
0xb4: {  	_ =	swait.ge [sflag:s29], $0x1  }
0xb5: {  	[sflag:s29] =	ssyncadd.s32 $0xFFFFFFFF  }
0xb6: {  	_ =	strace $0x9000004B  }
0xb7: {  	_ =	sfence  }
0xb8: {  	s30 =	sld [smem:$0x0];
	_ =	sdelay $0x2  }
0xb9: {  	s31 =	sshll.u32 s1, $0xD;
	s1 =	sshrl.u32 s1, $0x2  }
0xba: {  	s3 =	sand.u32 $0x4000, s31;
	s1 =	sadd.s32 s1, s30  }
0xbb: {  	s0 =	sor.u32 s3, s0;
	s1 =	sshll.u32 s1, $0x11  }
0xbc: {  	s0 =	sor.u32 s1, s0  }
0xbd: {  	s0 =	sadd.s32 $0x8F2B, s0  }
0xbe: {  	[sflag:s0] =	ssyncadd.remote.s32 $0x1  }
0xbf: {  	_ =	sfence.sel $0xFFFF  }
0xc0: {  	[dreg:$0x0] =	wrdreg $0xFFFFFFFF;
	(pc) =	sbr.abs _section_cstart, $3  }
0xc1: {  	[dreg:$0x1] =	wrdreg $0xFFFFFFFF  }
0xc2: {  	_ =	task.clear_ibuf [dreg:s7], $0x2FFFF;
	_ =	strace $0x9FFFFFFF  }
0xc3: {  	(tm) =	ssettm $0x7FFFFFFF  }
tec
execute0_lowered:
.L_overlay_start_1:
0x0: {  	(tag) =	ssettag $0x1  }
0x1: {  	s0 =	rddreg [dreg:$0x0]  }
0x2: {  	s2 =	rddreg [dreg:$0x1]  }
0x3: {  	s1 =	rddreg [dreg:$0x2]  }
0x4: {  	s3 =	srdreg.scid;
	s9 =	stileid.u32;
	s29 =	simm.s32 $0x7000  }
0x5: {  	s30 =	simm.s32 $0x1;
	s28 =	simm.s32 $0x580;
	s6 =	smul.u32 $0x130, s9  }
0x6: {  	s31 =	simm.s32 $0xC00;
	s4 =	sand.u32 $0x1, s3;
	s12 =	smul.u32 $0x14000, s9  }
0x7: {  	s3 =	simm.s32 $0x0;
	s7 =	sshll.u32 s9, $0x4;
	s9 =	smul.u32 $0x50000, s9  }
0x8: {  	s5 =	smul.u32 $0x28000, s4;
	[smem:$0x7FF] =	sst s3;
	p0 =	seq.s32 s4, $0x0  }
0x9: {  	s7 =	sor.u32 $0x1300, s7;
	s8 =	smul.u32 $0x140000, s4;
	s13 =	ssub.s32 $0x2, s4  }
0xa: {  	_ =	strace $0x8000004A;
	s7 =	smov.u32 @p0 s6;
	s11 =	sshrl.u32 s13, $0x1  }
0xb: {  	s9 =	sshrl.u32 s9, $0x2;
	p0 =	sne.s32 s4, $0x0;
	s4 =	simm.s32 $0xF00  }
0xc: {  	s6 =	sadd.s32 s12, s8;
	s14 =	ssub.s32 s13, s11;
	s8 =	sadd.s32 s9, s1  }
0xd: {  	s5 =	sadd.s32 s5, s0;
	s15 =	smax.u32 s14, $0x1;
	[dreg:$0x4] =	wrdreg s8  }
0xe: {  	s7 =	sshll.u32 s7, $0x4;
	s16 =	sadd.s32 $0x2000, s8;
	[dreg:$0x6] =	wrdreg s15  }
0xf: {  	s9 =	simm.s32 $0xD00;
	s17 =	sadd.s32 $0x4000, s8;
	[dreg:$0x7] =	wrdreg s16  }
0x10: {  	s11 =	simm.s32 $0x700;
	s18 =	sadd.s32 $0x6000, s8;
	[dreg:$0x8] =	wrdreg s17  }
0x11: {  	s12 =	simm.s32 $0xD80;
	s19 =	sadd.s32 $0x8000, s8;
	[dreg:$0x9] =	wrdreg s18  }
0x12: {  	s13 =	simm.s32 $0x780;
	s20 =	sadd.s32 $0xA000, s8;
	[dreg:$0xa] =	wrdreg s19  }
0x13: {  	s10 =	sadd.s32 s7, s0;
	s21 =	sadd.s32 $0xC000, s8;
	[dreg:$0xb] =	wrdreg s20  }
0x14: {  	s6 =	sshrl.u32 s6, $0x3;
	s22 =	sadd.s32 $0xE000, s8;
	[dreg:$0xc] =	wrdreg s21  }
0x15: {  	s5 =	sadd.s32 $0x1C00, s5;
	s23 =	sadd.s32 $0x10000, s8;
	[dreg:$0xd] =	wrdreg s22  }
0x16: {  	s24 =	sadd.s32 $0x12000, s8;
	s25 =	sadd.s32 s7, s2;
	[dreg:$0xe] =	wrdreg s23  }
0x17: {  	s7 =	simm.s32 $0x3;
	s2 =	simm.s32 $0x0;
	[dreg:$0xf] =	wrdreg s24  }
0x18: {  	s14 =	simm.s32 $0xE00;
	s0 =	sadd.s32 s6, s0;
	[dreg:$0x10] =	wrdreg s25  }
0x19: {  	s26 =	sadd.s32 $0x51C00, s10;
	s19 =	simm.s32 $0x1000;
	s20 =	simm.s32 $0x5  }
0x1a: {  	s21 =	simm.s32 $0x800;
	s22 =	simm.s32 $0x40;
	s24 =	simm.s32 $0x3000  }
0x1b: {  	s10 =	simm.s32 $0x4;
	s6 =	simm.s32 $0xC80;
	s15 =	simm.s32 $0xE80  }
0x1c: {  	s23 =	simm.s32 $0xF80;
	s0 =	sadd.s32 $0x65C00, s0;
	[dreg:$0x11] =	wrdreg s26  }
0x1d: {  	v0 =	vimm.f32 $0.0e+00;
	s26 =	simm.s32 $0x5000;
	[dreg:$0x5] =	wrdreg s0;
	s0 =	simm.s32 $0x2  }
.LBB2_1:
0x1e: {  	[dreg:$0x12] =	wrdreg s2;
	s16 =	simm.s32 $0x0;
	s17 =	simm.s32 $0x200  }
.LBB2_2:
0x1f: {  	p1 =	sne.s32 s17, $0x7E00;
	[tilespmem:s16+$0x1070] =	vst v0  }
0x20: {  	[tilespmem:s16+$0x1000] =	vst v0  }
0x21: {  	[tilespmem:s16+$0x1010] =	vst v0  }
.Ltmp0:
0x22: {  	[tilespmem:s16+$0x1020] =	vst v0;
	(pc) =	sbr.rel @p1 .LBB2_2-.Ltmp0, $4  }
0x23: {  	[tilespmem:s16+$0x1030] =	vst v0  }
0x24: {  	[tilespmem:s16+$0x1040] =	vst v0  }
0x25: {  	[tilespmem:s16+$0x1050] =	vst v0  }
0x26: {  	[tilespmem:s16+$0x1060] =	vst v0;
	s16 =	sshra.s32 s17, $0x2;
	s17 =	sadd.s32 $0x200, s17  }
0x27: {  	[tilespmem:s16+$0x1070] =	vst v0  }
0x28: {  	[tilespmem:s16+$0x1000] =	vst v0  }
0x29: {  	[tilespmem:s16+$0x1010] =	vst v0  }
0x2a: {  	[tilespmem:s16+$0x1020] =	vst v0  }
0x2b: {  	[tilespmem:s16+$0x1030] =	vst v0  }
0x2c: {  	[tilespmem:s16+$0x1040] =	vst v0  }
0x2d: {  	[tilespmem:s16+$0x1050] =	vst v0  }
0x2e: {  	[tilespmem:s16+$0x1060] =	vst v0  }
0x2f: {  	[spmem:s8] =	stream.linear.scatter [tilespmem:s19], [sflag:$0x5], $0x2000, $0x38;
	[tilespmem:$0x1D000] =	vst v63  }
0x30: {  	_ =	swait.ge [sflag:s20], $0x2000  }
0x31: {  	[sflag:s20] =	ssyncset.done $0x0  }
0x32: {  	s8 =	rddreg [dreg:$0x7];
	[sflag:s20] =	ssyncadd.s32 $0xFFFFE000  }
0x33: {  	[spmem:s8] =	stream.linear.scatter [tilespmem:s19], [sflag:$0x5], $0x2000, $0x38;
	[tilespmem:$0x1D000] =	vst v63  }
0x34: {  	_ =	swait.ge [sflag:s20], $0x2000  }
0x35: {  	[sflag:s20] =	ssyncset.done $0x0  }
0x36: {  	s17 =	rddreg [dreg:$0x8];
	[sflag:s20] =	ssyncadd.s32 $0xFFFFE000  }
0x37: {  	[spmem:s17] =	stream.linear.scatter [tilespmem:s19], [sflag:$0x5], $0x2000, $0x38;
	[tilespmem:$0x1D000] =	vst v63  }
0x38: {  	_ =	swait.ge [sflag:s20], $0x2000  }
0x39: {  	[sflag:s20] =	ssyncset.done $0x0  }
0x3a: {  	s18 =	rddreg [dreg:$0x9];
	[sflag:s20] =	ssyncadd.s32 $0xFFFFE000  }
0x3b: {  	[spmem:s18] =	stream.linear.scatter [tilespmem:s19], [sflag:$0x5], $0x2000, $0x38;
	[tilespmem:$0x1D000] =	vst v63  }
0x3c: {  	_ =	swait.ge [sflag:s20], $0x2000  }
0x3d: {  	[sflag:s20] =	ssyncset.done $0x0  }
0x3e: {  	s25 =	rddreg [dreg:$0xa];
	[sflag:s20] =	ssyncadd.s32 $0xFFFFE000  }
0x3f: {  	[spmem:s25] =	stream.linear.scatter [tilespmem:s19], [sflag:$0x5], $0x2000, $0x38;
	[tilespmem:$0x1D000] =	vst v63  }
0x40: {  	_ =	swait.ge [sflag:s20], $0x2000  }
0x41: {  	[sflag:s20] =	ssyncset.done $0x0  }
0x42: {  	s2 =	rddreg [dreg:$0xb];
	[sflag:s20] =	ssyncadd.s32 $0xFFFFE000  }
0x43: {  	[spmem:s2] =	stream.linear.scatter [tilespmem:s19], [sflag:$0x5], $0x2000, $0x38;
	[tilespmem:$0x1D000] =	vst v63  }
0x44: {  	_ =	swait.ge [sflag:s20], $0x2000  }
0x45: {  	[sflag:s20] =	ssyncset.done $0x0  }
0x46: {  	s8 =	rddreg [dreg:$0xc];
	[sflag:s20] =	ssyncadd.s32 $0xFFFFE000  }
0x47: {  	[spmem:s8] =	stream.linear.scatter [tilespmem:s19], [sflag:$0x5], $0x2000, $0x38;
	[tilespmem:$0x1D000] =	vst v63  }
0x48: {  	_ =	swait.ge [sflag:s20], $0x2000  }
0x49: {  	[sflag:s20] =	ssyncset.done $0x0  }
0x4a: {  	s17 =	rddreg [dreg:$0xd];
	[sflag:s20] =	ssyncadd.s32 $0xFFFFE000  }
0x4b: {  	[spmem:s17] =	stream.linear.scatter [tilespmem:s19], [sflag:$0x5], $0x2000, $0x38;
	[tilespmem:$0x1D000] =	vst v63  }
0x4c: {  	_ =	swait.ge [sflag:s20], $0x2000  }
0x4d: {  	[sflag:s20] =	ssyncset.done $0x0  }
0x4e: {  	s18 =	rddreg [dreg:$0xe];
	[sflag:s20] =	ssyncadd.s32 $0xFFFFE000  }
0x4f: {  	[spmem:s18] =	stream.linear.scatter [tilespmem:s19], [sflag:$0x5], $0x2000, $0x38;
	[tilespmem:$0x1D000] =	vst v63  }
0x50: {  	_ =	swait.ge [sflag:s20], $0x2000  }
0x51: {  	[sflag:s20] =	ssyncset.done $0x0  }
0x52: {  	s25 =	rddreg [dreg:$0xf];
	[sflag:s20] =	ssyncadd.s32 $0xFFFFE000  }
0x53: {  	[spmem:s25] =	stream.linear.scatter [tilespmem:s19], [sflag:$0x5], $0x2000, $0x38;
	[tilespmem:$0x1D000] =	vst v63  }
0x54: {  	_ =	swait.ge [sflag:s20], $0x2000  }
0x55: {  	[sflag:s20] =	ssyncset.done $0x0  }
0x56: {  	[sflag:s20] =	ssyncadd.s32 $0xFFFFE000  }
0x57: {  	[bflag:$0x0] =	sbarrier.arrive $0xFFFF  }
0x58: {  	s2 =	simm.s32 $0x600;
	s16 =	rddreg [dreg:$0x11]  }
0x59: {  	s8 =	simm.s32 $0x680;
	s18 =	simm.s32 $0x0;
	s17 =	rddreg [dreg:$0x10]  }
.LBB2_4:
0x5a: {  	[tilespmem:s3], [sflag:$0x5] =	stream.linear.gather [hbm4b:s16+s3], $0x800, $0x38;
	[tilespmem:$0x1D000] =	vst v63  }
0x5b: {  	_ =	swait.ge [sflag:s20], $0x800  }
0x5c: {  	[sflag:s20] =	ssyncset.done $0x0  }
0x5d: {  	[sflag:s20] =	ssyncadd.s32 $0xFFFFF800  }
0x5e: {  	[tilespmem:s21], [sflag:$0x5] =	stream.linear.gather [hbm4b:s17+s3], $0x800, $0x38;
	[tilespmem:$0x1D000] =	vst v63  }
0x5f: {  	_ =	swait.ge [sflag:s20], $0x800  }
0x60: {  	[sflag:s20] =	ssyncset.done $0x0  }
0x61: {  	[sflag:s20] =	ssyncadd.s32 $0xFFFFF800  }
0x62: {  	[tilespmem:s19], [sflag:$0x1] =	stream.indirect.gather [hbm4b:s5+s22], $0x80, s3, s22, $0xb8;
	[tilespmem:$0x1D000] =	vst v63  }
0x63: {  	s25 =	simm.s32 $0x80  }
0x64: {  	[tilespmem:s24], [sflag:$0x2] =	stream.indirect.gather [hbm4b:s5+s22], $0x80, s25, s22, $0xb8;
	[tilespmem:$0x1D000] =	vst v63  }
0x65: {  	s25 =	simm.s32 $0x100  }
0x66: {  	[tilespmem:s26], [sflag:$0x3] =	stream.indirect.gather [hbm4b:s5+s22], $0x80, s25, s22, $0xb8;
	[tilespmem:$0x1D000] =	vst v63  }
0x67: {  	s25 =	simm.s32 $0x180  }
0x68: {  	[tilespmem:s29], [sflag:$0x4] =	stream.indirect.gather [hbm4b:s5+s22], $0x80, s25, s22, $0xb8;
	[tilespmem:$0x1D000] =	vst v63  }
0x69: {  	_ =	swait.ge [sflag:s30], $0x2000  }
0x6a: {  	[sflag:s30] =	ssyncset.done $0x0  }
0x6b: {  	[sflag:s30] =	ssyncadd.s32 $0xFFFFE000  }
0x6c: {  	[spmem:s1] =	stream.indirect.scatter.add.f32 [tilespmem:s19], [sflag:$0x5], $0x80, s21, s22, $0xb8;
	[tilespmem:$0x1D000] =	vst v63  }
0x6d: {  	_ =	swait.ge [sflag:s20], $0x2000  }
0x6e: {  	[sflag:s20] =	ssyncset.done $0x0  }
0x6f: {  	s25 =	simm.s32 $0x200;
	[sflag:s20] =	ssyncadd.s32 $0xFFFFE000  }
0x70: {  	[tilespmem:s19], [sflag:$0x1] =	stream.indirect.gather [hbm4b:s5+s22], $0x80, s25, s22, $0xb8;
	[tilespmem:$0x1D000] =	vst v63  }
0x71: {  	_ =	swait.ge [sflag:s0], $0x2000  }
0x72: {  	[sflag:s0] =	ssyncset.done $0x0  }
0x73: {  	s25 =	simm.s32 $0x880;
	[sflag:s0] =	ssyncadd.s32 $0xFFFFE000  }
0x74: {  	[spmem:s1] =	stream.indirect.scatter.add.f32 [tilespmem:s24], [sflag:$0x5], $0x80, s25, s22, $0xb8;
	[tilespmem:$0x1D000] =	vst v63  }
0x75: {  	_ =	swait.ge [sflag:s20], $0x2000  }
0x76: {  	[sflag:s20] =	ssyncset.done $0x0  }
0x77: {  	s25 =	simm.s32 $0x280;
	[sflag:s20] =	ssyncadd.s32 $0xFFFFE000  }
0x78: {  	[tilespmem:s24], [sflag:$0x2] =	stream.indirect.gather [hbm4b:s5+s22], $0x80, s25, s22, $0xb8;
	[tilespmem:$0x1D000] =	vst v63  }
0x79: {  	_ =	swait.ge [sflag:s7], $0x2000  }
0x7a: {  	[sflag:s7] =	ssyncset.done $0x0  }
0x7b: {  	s25 =	simm.s32 $0x900;
	[sflag:s7] =	ssyncadd.s32 $0xFFFFE000  }
0x7c: {  	[spmem:s1] =	stream.indirect.scatter.add.f32 [tilespmem:s26], [sflag:$0x5], $0x80, s25, s22, $0xb8;
	[tilespmem:$0x1D000] =	vst v63  }
0x7d: {  	_ =	swait.ge [sflag:s20], $0x2000  }
0x7e: {  	[sflag:s20] =	ssyncset.done $0x0  }
0x7f: {  	s25 =	simm.s32 $0x300;
	[sflag:s20] =	ssyncadd.s32 $0xFFFFE000  }
0x80: {  	[tilespmem:s26], [sflag:$0x3] =	stream.indirect.gather [hbm4b:s5+s22], $0x80, s25, s22, $0xb8;
	[tilespmem:$0x1D000] =	vst v63  }
0x81: {  	_ =	swait.ge [sflag:s10], $0x2000  }
0x82: {  	[sflag:s10] =	ssyncset.done $0x0  }
0x83: {  	s25 =	simm.s32 $0x980;
	[sflag:s10] =	ssyncadd.s32 $0xFFFFE000  }
0x84: {  	[spmem:s1] =	stream.indirect.scatter.add.f32 [tilespmem:s29], [sflag:$0x5], $0x80, s25, s22, $0xb8;
	[tilespmem:$0x1D000] =	vst v63  }
0x85: {  	_ =	swait.ge [sflag:s20], $0x2000  }
0x86: {  	[sflag:s20] =	ssyncset.done $0x0  }
0x87: {  	s25 =	simm.s32 $0x380;
	[sflag:s20] =	ssyncadd.s32 $0xFFFFE000  }
0x88: {  	[tilespmem:s29], [sflag:$0x4] =	stream.indirect.gather [hbm4b:s5+s22], $0x80, s25, s22, $0xb8;
	[tilespmem:$0x1D000] =	vst v63  }
0x89: {  	_ =	swait.ge [sflag:s30], $0x2000  }
0x8a: {  	[sflag:s30] =	ssyncset.done $0x0  }
0x8b: {  	s25 =	simm.s32 $0xA00;
	[sflag:s30] =	ssyncadd.s32 $0xFFFFE000  }
0x8c: {  	[spmem:s1] =	stream.indirect.scatter.add.f32 [tilespmem:s19], [sflag:$0x5], $0x80, s25, s22, $0xb8;
	[tilespmem:$0x1D000] =	vst v63  }
0x8d: {  	_ =	swait.ge [sflag:s20], $0x2000  }
0x8e: {  	[sflag:s20] =	ssyncset.done $0x0  }
0x8f: {  	s25 =	simm.s32 $0x400;
	[sflag:s20] =	ssyncadd.s32 $0xFFFFE000  }
0x90: {  	[tilespmem:s19], [sflag:$0x1] =	stream.indirect.gather [hbm4b:s5+s22], $0x80, s25, s22, $0xb8;
	[tilespmem:$0x1D000] =	vst v63  }
0x91: {  	_ =	swait.ge [sflag:s0], $0x2000  }
0x92: {  	[sflag:s0] =	ssyncset.done $0x0  }
0x93: {  	s25 =	simm.s32 $0xA80;
	[sflag:s0] =	ssyncadd.s32 $0xFFFFE000  }
0x94: {  	[spmem:s1] =	stream.indirect.scatter.add.f32 [tilespmem:s24], [sflag:$0x5], $0x80, s25, s22, $0xb8;
	[tilespmem:$0x1D000] =	vst v63  }
0x95: {  	_ =	swait.ge [sflag:s20], $0x2000  }
0x96: {  	[sflag:s20] =	ssyncset.done $0x0  }
0x97: {  	s25 =	simm.s32 $0x480;
	[sflag:s20] =	ssyncadd.s32 $0xFFFFE000  }
0x98: {  	[tilespmem:s24], [sflag:$0x2] =	stream.indirect.gather [hbm4b:s5+s22], $0x80, s25, s22, $0xb8;
	[tilespmem:$0x1D000] =	vst v63  }
0x99: {  	_ =	swait.ge [sflag:s7], $0x2000  }
0x9a: {  	[sflag:s7] =	ssyncset.done $0x0  }
0x9b: {  	s25 =	simm.s32 $0xB00;
	[sflag:s7] =	ssyncadd.s32 $0xFFFFE000  }
0x9c: {  	[spmem:s1] =	stream.indirect.scatter.add.f32 [tilespmem:s26], [sflag:$0x5], $0x80, s25, s22, $0xb8;
	[tilespmem:$0x1D000] =	vst v63  }
0x9d: {  	_ =	swait.ge [sflag:s20], $0x2000  }
0x9e: {  	[sflag:s20] =	ssyncset.done $0x0  }
0x9f: {  	s25 =	simm.s32 $0x500;
	[sflag:s20] =	ssyncadd.s32 $0xFFFFE000  }
0xa0: {  	[tilespmem:s26], [sflag:$0x3] =	stream.indirect.gather [hbm4b:s5+s22], $0x80, s25, s22, $0xb8;
	[tilespmem:$0x1D000] =	vst v63  }
0xa1: {  	_ =	swait.ge [sflag:s10], $0x2000  }
0xa2: {  	[sflag:s10] =	ssyncset.done $0x0  }
0xa3: {  	s25 =	simm.s32 $0xB80;
	[sflag:s10] =	ssyncadd.s32 $0xFFFFE000  }
0xa4: {  	[spmem:s1] =	stream.indirect.scatter.add.f32 [tilespmem:s29], [sflag:$0x5], $0x80, s25, s22, $0xb8;
	[tilespmem:$0x1D000] =	vst v63  }
0xa5: {  	_ =	swait.ge [sflag:s20], $0x2000  }
0xa6: {  	[sflag:s20] =	ssyncset.done $0x0  }
0xa7: {  	[sflag:s20] =	ssyncadd.s32 $0xFFFFE000  }
0xa8: {  	[tilespmem:s29], [sflag:$0x4] =	stream.indirect.gather [hbm4b:s5+s22], $0x80, s28, s22, $0xb8;
	[tilespmem:$0x1D000] =	vst v63  }
0xa9: {  	_ =	swait.ge [sflag:s30], $0x2000  }
0xaa: {  	[sflag:s30] =	ssyncset.done $0x0  }
0xab: {  	[sflag:s30] =	ssyncadd.s32 $0xFFFFE000  }
0xac: {  	[spmem:s1] =	stream.indirect.scatter.add.f32 [tilespmem:s19], [sflag:$0x5], $0x80, s31, s22, $0xb8;
	[tilespmem:$0x1D000] =	vst v63  }
0xad: {  	_ =	swait.ge [sflag:s20], $0x2000  }
0xae: {  	[sflag:s20] =	ssyncset.done $0x0  }
0xaf: {  	[sflag:s20] =	ssyncadd.s32 $0xFFFFE000  }
0xb0: {  	[tilespmem:s19], [sflag:$0x1] =	stream.indirect.gather [hbm4b:s5+s22], $0x80, s2, s22, $0xb8;
	[tilespmem:$0x1D000] =	vst v63  }
0xb1: {  	_ =	swait.ge [sflag:s0], $0x2000  }
0xb2: {  	[sflag:s0] =	ssyncset.done $0x0  }
0xb3: {  	[sflag:s0] =	ssyncadd.s32 $0xFFFFE000  }
0xb4: {  	[spmem:s1] =	stream.indirect.scatter.add.f32 [tilespmem:s24], [sflag:$0x5], $0x80, s6, s22, $0xb8;
	[tilespmem:$0x1D000] =	vst v63  }
0xb5: {  	_ =	swait.ge [sflag:s20], $0x2000  }
0xb6: {  	[sflag:s20] =	ssyncset.done $0x0  }
0xb7: {  	[sflag:s20] =	ssyncadd.s32 $0xFFFFE000  }
0xb8: {  	[tilespmem:s24], [sflag:$0x2] =	stream.indirect.gather [hbm4b:s5+s22], $0x80, s8, s22, $0xb8;
	[tilespmem:$0x1D000] =	vst v63  }
0xb9: {  	_ =	swait.ge [sflag:s7], $0x2000  }
0xba: {  	[sflag:s7] =	ssyncset.done $0x0  }
0xbb: {  	[sflag:s7] =	ssyncadd.s32 $0xFFFFE000  }
0xbc: {  	[spmem:s1] =	stream.indirect.scatter.add.f32 [tilespmem:s26], [sflag:$0x5], $0x80, s9, s22, $0xb8;
	[tilespmem:$0x1D000] =	vst v63  }
0xbd: {  	_ =	swait.ge [sflag:s20], $0x2000  }
0xbe: {  	[sflag:s20] =	ssyncset.done $0x0  }
0xbf: {  	[sflag:s20] =	ssyncadd.s32 $0xFFFFE000  }
0xc0: {  	[tilespmem:s26], [sflag:$0x3] =	stream.indirect.gather [hbm4b:s5+s22], $0x80, s11, s22, $0xb8;
	[tilespmem:$0x1D000] =	vst v63  }
0xc1: {  	_ =	swait.ge [sflag:s10], $0x2000  }
0xc2: {  	[sflag:s10] =	ssyncset.done $0x0  }
0xc3: {  	[sflag:s10] =	ssyncadd.s32 $0xFFFFE000  }
0xc4: {  	[spmem:s1] =	stream.indirect.scatter.add.f32 [tilespmem:s29], [sflag:$0x5], $0x80, s12, s22, $0xb8;
	[tilespmem:$0x1D000] =	vst v63  }
0xc5: {  	_ =	swait.ge [sflag:s20], $0x2000  }
0xc6: {  	[sflag:s20] =	ssyncset.done $0x0  }
0xc7: {  	[sflag:s20] =	ssyncadd.s32 $0xFFFFE000  }
0xc8: {  	[tilespmem:s29], [sflag:$0x4] =	stream.indirect.gather [hbm4b:s5+s22], $0x80, s13, s22, $0xb8;
	[tilespmem:$0x1D000] =	vst v63  }
0xc9: {  	_ =	swait.ge [sflag:s30], $0x2000  }
0xca: {  	[sflag:s30] =	ssyncset.done $0x0  }
0xcb: {  	[sflag:s30] =	ssyncadd.s32 $0xFFFFE000  }
0xcc: {  	[spmem:s1] =	stream.indirect.scatter.add.f32 [tilespmem:s19], [sflag:$0x5], $0x80, s14, s22, $0xb8;
	[tilespmem:$0x1D000] =	vst v63  }
0xcd: {  	_ =	swait.ge [sflag:s20], $0x2000  }
0xce: {  	[sflag:s20] =	ssyncset.done $0x0  }
0xcf: {  	[sflag:s20] =	ssyncadd.s32 $0xFFFFE000  }
0xd0: {  	_ =	swait.ge [sflag:s0], $0x2000  }
0xd1: {  	[sflag:s0] =	ssyncset.done $0x0  }
0xd2: {  	[sflag:s0] =	ssyncadd.s32 $0xFFFFE000  }
0xd3: {  	[spmem:s1] =	stream.indirect.scatter.add.f32 [tilespmem:s24], [sflag:$0x5], $0x80, s15, s22, $0xb8;
	[tilespmem:$0x1D000] =	vst v63  }
0xd4: {  	_ =	swait.ge [sflag:s20], $0x2000  }
0xd5: {  	[sflag:s20] =	ssyncset.done $0x0  }
0xd6: {  	[sflag:s20] =	ssyncadd.s32 $0xFFFFE000  }
0xd7: {  	_ =	swait.ge [sflag:s7], $0x2000  }
0xd8: {  	[sflag:s7] =	ssyncset.done $0x0  }
0xd9: {  	[sflag:s7] =	ssyncadd.s32 $0xFFFFE000  }
0xda: {  	[spmem:s1] =	stream.indirect.scatter.add.f32 [tilespmem:s26], [sflag:$0x5], $0x80, s4, s22, $0xb8;
	[tilespmem:$0x1D000] =	vst v63  }
0xdb: {  	_ =	swait.ge [sflag:s20], $0x2000  }
0xdc: {  	[sflag:s20] =	ssyncset.done $0x0  }
0xdd: {  	[sflag:s20] =	ssyncadd.s32 $0xFFFFE000  }
0xde: {  	p1 =	slt.u32 @!p0 s18, $0x12;
	_ =	swait.ge [sflag:s10], $0x2000  }
0xdf: {  	p1 =	por p0, !p1;
	[sflag:s10] =	ssyncset.done $0x0  }
.Ltmp1:
0xe0: {  	[sflag:s10] =	ssyncadd.s32 $0xFFFFE000;
	(pc) =	sbr.rel @!p1 .LBB2_4-.Ltmp1, $4  }
0xe1: {  	[spmem:s1] =	stream.indirect.scatter.add.f32 [tilespmem:s29], [sflag:$0x5], $0x80, s23, s22, $0xb8;
	[tilespmem:$0x1D000] =	vst v63  }
0xe2: {  	_ =	swait.ge [sflag:s20], $0x2000  }
0xe3: {  	s18 =	sadd.s32 $0x1, s18;
	[sflag:s20] =	ssyncset.done $0x0  }
0xe4: {  	s16 =	sadd.s32 $0x100, s16;
	s17 =	sadd.s32 $0x100, s17;
	[sflag:s20] =	ssyncadd.s32 $0xFFFFE000  }
0xe5: {  	s16 =	stileid.u32;
	[bflag:$0x0] =	sbarrier.arrive $0xFFFF  }
0xe6: {  	s16 =	sshll.u32 s16, $0x6;
	s8 =	rddreg [dreg:$0x4]  }
0xe7: {  	s18 =	rddreg [dreg:$0x5];
	s16 =	sor.u32 $0x1C05, s16;
	s17 =	sshrl.u32 s8, $0x3  }
0xe8: {  	[hbm:s18], [sflag:s16] =	dma.local [spmem:s17], $0x2800  }
0xe9: {  	_ =	swait.ge [sflag:s20], $0x2800  }
0xea: {  	s2 =	rddreg [dreg:$0x12]  }
0xeb: {  	s25 =	rddreg [dreg:$0x6];
	s2 =	sadd.s32 $0x1, s2  }
0xec: {  	p1 =	sne.s32 s2, s25  }
.Ltmp2:
0xed: {  	_ = 	snop;
	(pc) =	sbr.rel @p1 .LBB2_1-.Ltmp2, $3  }
0xee: {  	_ =	sdelay $0x1  }
0xef: {  	[sflag:s20] =	ssyncset.done $0x0  }
0xf0: {  	[sflag:s20] =	ssyncadd.s32 $0xFFFFD800  }
0xf1: {  	_ =	sfence.sel $0x180000  }
0xf2: {  	[bflag:$0x0] =	sbarrier.arrive $0xFFFF  }
0xf3: {  	_ =	strace $0x9000004A  }
0xf4: {  	s0 =	stileid.u32;
	[bflag:$0x2] =	sbarrier.arrive $0xFFFF  }
0xf5: {  	p0 =	sne.s32 s0, $0x0;
	s0 =	rddreg [dreg:$0x3]  }
0xf6: {  	s0 =	sadd.s32 @!p0 $0x100000, s0  }
0xf7: {  	[sflag:s0] =	ssyncadd.tile.s32 @!p0 $0x1;
	_ =	shalt  }
.Lfunc_end2:
_tile_overlayer_lowered:
.L_overlay_start_2:
0xf8: {  	(tag) =	ssettag $0x2  }
0xf9: {  	s0 =	rddreg [dreg:$0x0];
	s2 =	stileid.u32  }
0xfa: {  	s1 =	rddreg [dreg:$0x1];
	p0 =	sne.s32 s2, $0x0  }
0xfb: {  	s3 =	rddreg [dreg:$0x2];
	[bflag:$0x3] =	sbarrier.arrive $0xFFFF;
	s2 =	simm.s32 @!p0 $0x1C05  }
0xfc: {  	[timem:s3], [sflag:s2] =	dma.local @!p0 [hbm:s0], s1  }
0xfd: {  	s0 =	simm.s32 @!p0 $0x5  }
0xfe: {  	_ =	swait.ge @!p0 [sflag:s0], s1  }
0xff: {  	s1 =	ssub.s32 @!p0 $0x0, s1;
	[sflag:s0] =	ssyncset.done @!p0 $0x0  }
0x100: {  	[sflag:s0] =	ssyncadd.s32 @!p0 s1  }
0x101: {  	[bflag:$0x3] =	sbarrier.arrive $0xFFFF  }
0x102: {  	_ =	shalt  }

// kernel: kernel.14.cloned.1.call-start
scs
__scs_entry_jumppad:
0x0: {  	(pc) =	sbr.rel $0x88, $3  }
0x1: {  	(tag) =	ssettag $0x0;
	lr =	simm.s32 $0x1  }
0x2: {  	[smem:$0x3F9B] =	sst lr;
	_ =	strace $0xD0000000  }
0x3: {  	_ = 	snop  }
0x4: {  	_ = 	snop  }
0x5: {  	_ = 	snop  }
0x6: {  	_ = 	snop  }
0x7: {  	_ = 	snop  }
__scs_overlays_trampoline_lowered:
0x8: {  	[smem:$0x3FAA] =	sst s0  }
0x9: {  	[smem:$0x3FAB] =	sst s1  }
0xa: {  	[smem:$0x3FAC] =	sst s2  }
0xb: {  	[smem:$0x3FAD] =	sst s3  }
0xc: {  	[smem:$0x3FAE] =	sst s4  }
0xd: {  	[smem:$0x3FAF] =	sst s5  }
0xe: {  	[smem:$0x3FB0] =	sst s6  }
0xf: {  	[smem:$0x3FB1] =	sst s7  }
0x10: {  	[smem:$0x3FB2] =	sst s8  }
0x11: {  	[smem:$0x3FB3] =	sst s9;
	s0 =	simm.s32 @!p0 $0x0  }
0x12: {  	s1 =	sld [smem:$0x3F99];
	s0 =	simm.s32 @p0 $0x1  }
0x13: {  	[smem:$0x3FB4] =	sst s0;
	s0 =	simm.s32 @!p1 $0x0  }
0x14: {  	s2 =	sld [smem:$0x3F98];
	s0 =	simm.s32 @p1 $0x1  }
0x15: {  	[smem:$0x3FB5] =	sst s0;
	s0 =	simm.s32 @!p2 $0x0  }
0x16: {  	s3 =	sld [smem:$0x3FDB];
	s0 =	simm.s32 @p2 $0x1  }
0x17: {  	s4 =	simm.s32 $0x1BF5;
	[smem:$0x3FB7] =	sst s0  }
0x18: {  	s0 =	sld [smem:$0x3F9A];
	_ =	swait.ge [sflag:s4], $0x0  }
0x19: {  	s7 =	sld [smem:$0x3F9B]  }
0x1a: {  	s8 =	sadd.s32 $0xFFFFE003, lr  }
0x1b: {  	s9 =	sadd.s32 $0xFFFFFEF7, lr;
	s5 =	simm.s32 $0xFFFFFFFF;
	p2 =	slt.u32 s8, $0xFFFFF086  }
0x1c: {  	p1 =	slt.u32 s9, $0xF7A;
	s5 =	simm.s32 @!p2 $0x0  }
0x1d: {  	s5 =	simm.s32 @p1 $0x1;
	p0 =	seq.s32 s7, s2  }
0x1e: {  	s7 =	smul.u32 @!p0 $0xF7A, s2;
	p2 =	seq.s32 @!p0 s5, $0x0  }
0x1f: {  	s9 =	smul.u32 $0xF7A, s1;
	s8 =	simm.s32 @!p0 $0x1BF5;
	p2 =	por !p2, p0  }
0x20: {  	[sflag:s8] =	ssyncset.s32 @!p0 $0xFFFFF086;
	s6 =	sadd.s32 @!p0 s3, s7;
	s7 =	simm.s32 @!p0 $0x108  }
0x21: {  	s3 =	sadd.s32 s3, s9;
	s6 =	sadd.s32 @!p0 $0x88, s6;
	s7 =	simm.s32 @p2 $0x1082  }
0x22: {  	[simem:s7], [sflag:s8] =	dma.local @!p0 [hbm:s6], $0xF7A  }
0x23: {  	s9 =	sor.u32 $0xD0000000, s2;
	s6 =	simm.s32 $0x108;
	_ =	swait.ge @!p0 [sflag:s8], $0x0  }
0x24: {  	s3 =	sadd.s32 $0x88, s3;
	s6 =	simm.s32 @!p1 $0x1082;
	[sflag:s4] =	ssyncset.s32 $0xFFFFF086  }
0x25: {  	[simem:s6], [sflag:s4] =	dma.local [hbm:s3], $0xF7A  }
0x26: {  	[smem:$0x3F9B] =	sst s1;
	(tag) =	ssettag s2;
	_ =	strace s9  }
0x27: {  	s1 =	sld [smem:$0x3FAB]  }
0x28: {  	s2 =	sld [smem:$0x3FAC]  }
0x29: {  	s4 =	sld [smem:$0x3FAE]  }
0x2a: {  	p0 =	seq.s32 s5, $0x0;
	s5 =	sld [smem:$0x3FAF]  }
0x2b: {  	s6 =	sld [smem:$0x3FB0]  }
0x2c: {  	s7 =	sld [smem:$0x3FB1]  }
0x2d: {  	s3 =	simm.s32 $0x108;
	s8 =	sld [smem:$0x3FB2]  }
0x2e: {  	s3 =	simm.s32 @!p0 $0x1082;
	s9 =	sld [smem:$0x3FB3]  }
0x2f: {  	lr =	sadd.s32 s0, s3;
	s0 =	sld [smem:$0x3FAA]  }
0x30: {  	s3 =	sld [smem:$0x3FAD]  }
0x31: {  	[smem:$0x3FB6] =	sst s10  }
0x32: {  	s10 =	sld [smem:$0x3FB4];
	_ =	sdelay $0x3  }
0x33: {  	p0 =	seq.s32 s10, $0x1;
	s10 =	sld [smem:$0x3FB6];
	_ =	sdelay $0x3  }
0x34: {  	[smem:$0x3FB6] =	sst s10  }
0x35: {  	s10 =	sld [smem:$0x3FB5];
	_ =	sdelay $0x3  }
0x36: {  	p1 =	seq.s32 s10, $0x1;
	s10 =	sld [smem:$0x3FB6];
	_ =	sdelay $0x3  }
0x37: {  	[smem:$0x3FB6] =	sst s10  }
0x38: {  	s10 =	sld [smem:$0x3FB7]  }
0x39: {  	_ = 	snop;
	(pc) =	sbr.ind lr, $3  }
0x3a: {  	_ = 	snop  }
0x3b: {  	_ = 	snop  }
0x3c: {  	p2 =	seq.s32 s10, $0x1;
	s10 =	sld [smem:$0x3FB6]  }
0x3d: {  	_ =	shalt  }
0x3e: {  	_ =	shalt  }
0x3f: {  	_ =	shalt  }
0x40: {  	_ =	shalt  }
0x41: {  	_ =	shalt  }
0x42: {  	_ =	shalt  }
0x43: {  	_ =	shalt  }
0x44: {  	_ =	shalt  }
0x45: {  	_ =	shalt  }
0x46: {  	_ =	shalt  }
0x47: {  	_ =	shalt  }
0x48: {  	_ =	shalt  }
0x49: {  	_ =	shalt  }
0x4a: {  	_ =	shalt  }
0x4b: {  	_ =	shalt  }
0x4c: {  	_ =	shalt  }
0x4d: {  	_ =	shalt  }
0x4e: {  	_ =	shalt  }
0x4f: {  	_ =	shalt  }
0x50: {  	_ =	shalt  }
0x51: {  	_ =	shalt  }
0x52: {  	_ =	shalt  }
0x53: {  	_ =	shalt  }
0x54: {  	_ =	shalt  }
0x55: {  	_ =	shalt  }
0x56: {  	_ =	shalt  }
0x57: {  	_ =	shalt  }
0x58: {  	_ =	shalt  }
0x59: {  	_ =	shalt  }
0x5a: {  	_ =	shalt  }
0x5b: {  	_ =	shalt  }
0x5c: {  	_ =	shalt  }
0x5d: {  	_ =	shalt  }
0x5e: {  	_ =	shalt  }
0x5f: {  	_ =	shalt  }
0x60: {  	_ =	shalt  }
0x61: {  	_ =	shalt  }
0x62: {  	_ =	shalt  }
0x63: {  	_ =	shalt  }
0x64: {  	_ =	shalt  }
0x65: {  	_ =	shalt  }
0x66: {  	_ =	shalt  }
0x67: {  	_ =	shalt  }
0x68: {  	_ =	shalt  }
0x69: {  	_ =	shalt  }
0x6a: {  	_ =	shalt  }
0x6b: {  	_ =	shalt  }
0x6c: {  	_ =	shalt  }
0x6d: {  	_ =	shalt  }
0x6e: {  	_ =	shalt  }
0x6f: {  	_ =	shalt  }
0x70: {  	_ =	shalt  }
0x71: {  	_ =	shalt  }
0x72: {  	_ =	shalt  }
0x73: {  	_ =	shalt  }
0x74: {  	_ =	shalt  }
0x75: {  	_ =	shalt  }
0x76: {  	_ =	shalt  }
0x77: {  	_ =	shalt  }
0x78: {  	_ =	shalt  }
0x79: {  	_ =	shalt  }
0x7a: {  	_ =	shalt  }
0x7b: {  	_ =	shalt  }
0x7c: {  	_ =	shalt  }
0x7d: {  	_ =	shalt  }
0x7e: {  	_ =	shalt  }
0x7f: {  	_ =	shalt  }
0x80: {  	_ =	shalt  }
0x81: {  	_ =	shalt  }
0x82: {  	_ =	shalt  }
0x83: {  	_ =	shalt  }
0x84: {  	_ =	shalt  }
0x85: {  	_ =	shalt  }
0x86: {  	_ =	shalt  }
0x87: {  	_ =	shalt  }
.Lfunc_end0:
.L_simem_size_0:
called_computation.2_lowered:
.L_overlay_start_0:
0x88: {  	s2 =	sld [smem:$0x3FD9]  }
0x89: {  	s3 =	sld [smem:$0x3FFE];
	_ =	sdelay $0x1  }
0x8a: {  	s1 =	srdreg.scid  }
0x8b: {  	s0 =	sand.u32 $0x1, s1  }
0x8c: {  	s17 =	sshll.u32 s0, $0xA;
	s2 =	sadd.s32 s3, s2  }
0x8d: {  	s2 =	sadd.s32 s2, s17  }
0x8e: {  	[smem:$0x3FC2] =	sst s2  }
0x8f: {  	_ = 	snop  }
0x90: {  	s2 =	sld [smem:$0x3FD0];
	(tm) =	ssettm $0x1  }
0x91: {  	s18 =	sld [smem:$0x3FFB];
	_ =	sdelay $0x3  }
0x92: {  	_ =	strace s18  }
0x93: {  	s3 =	sld [smem:$0x3FFC];
	_ =	sdelay $0x3  }
0x94: {  	_ =	strace s3  }
0x95: {  	s3 =	sld [smem:$0x3FFD];
	_ =	sdelay $0x3  }
0x96: {  	_ =	strace s3  }
0x97: {  	_ =	strace $0x8FFFFFFF  }
0x98: {  	s19 =	sld [smem:$0x3FDB];
	_ =	sdelay $0x1  }
0x99: {  	s4 =	simm.s32 $_scs_section_size  }
0x9a: {  	s5 =	simm.s32 $_size__tile_overlayer_lowered;
	s6 =	simm.s32 $_tile_overlayer_lowered  }
0x9b: {  	s22 =	simm.s32 $0x1BFF;
	s21 =	sshll.u32 s6, $0x1;
	s3 =	sadd.s32 s4, s19  }
0x9c: {  	s7 =	simm.s32 $0x0;
	s20 =	sshll.u32 s5, $0x1;
	s5 =	sadd.s32 s21, s3  }
0x9d: {  	[timem:s7], [sflag:s22] =	dma.local [hbm:s5], s20  }
0x9e: {  	_ =	swait.ge [sflag:s22], s20  }
0x9f: {  	s4 =	ssub.s32 $0x0, s20;
	[sflag:s22] =	ssyncset.done $0x0  }
0xa0: {  	[sflag:s22] =	ssyncadd.s32 s4;
	_ =	sdelay $0x1  }
0xa1: {  	s23 =	simm.s32 $0x1B8B  }
0xa2: {  	_ =	swait.ge [sflag:s23], $0x1  }
0xa3: {  	[sflag:s23] =	ssyncset.done $0x0  }
0xa4: {  	s25 =	simm.s32 $0x1B8E;
	s24 =	sld [smem:$0x3FFE];
	[sflag:s23] =	ssyncadd.s32 $0xFFFFFFFF  }
0xa5: {  	s26 =	simm.s32 $execute0_lowered;
	[smem:$0x3FD2] =	sst s25  }
0xa6: {  	s5 =	sshll.u32 s26, $0x1;
	_ =	strace $0x8000004C;
	[dreg:$0x1] =	wrdreg $0xFFFFFFFF  }
0xa7: {  	s28 =	simm.s32 $_size_execute0_lowered;
	s3 =	sadd.s32 s3, s5;
	[dreg:$0x0] =	wrdreg $0x0  }
0xa8: {  	s5 =	sshll.u32 s28, $0x1;
	[dreg:$0x2] =	wrdreg s3  }
0xa9: {  	[dreg:$0x3] =	wrdreg s5  }
0xaa: {  	[dreg:$0x4] =	wrdreg $0xC0  }
0xab: {  	_ =	task [dreg:s7], $0x5FFFF  }
0xac: {  	[dreg:$0x1] =	wrdreg $0xFFFFFFFF  }
0xad: {  	[dreg:$0x0] =	wrdreg $0x60  }
0xae: {  	[dreg:$0x2] =	wrdreg s24  }
0xaf: {  	[dreg:$0x3] =	wrdreg s2  }
0xb0: {  	[dreg:$0x4] =	wrdreg $0x90000  }
0xb1: {  	[dreg:$0x5] =	wrdreg $0x9  }
0xb2: {  	_ =	task.clear_ibuf [dreg:s7], $0x6FFFF;
	_ =	strace $0x9000004C  }
0xb3: {  	s29 =	simm.s32 $0x9;
	_ =	strace $0x8000004E  }
0xb4: {  	_ =	swait.ge [sflag:s29], $0x1  }
0xb5: {  	[sflag:s29] =	ssyncadd.s32 $0xFFFFFFFF  }
0xb6: {  	_ =	strace $0x9000004E  }
0xb7: {  	_ =	sfence  }
0xb8: {  	s30 =	sld [smem:$0x0];
	_ =	sdelay $0x2  }
0xb9: {  	s31 =	sshll.u32 s1, $0xD;
	s1 =	sshrl.u32 s1, $0x2  }
0xba: {  	s3 =	sand.u32 $0x4000, s31;
	s1 =	sadd.s32 s1, s30  }
0xbb: {  	s0 =	sor.u32 s3, s0;
	s1 =	sshll.u32 s1, $0x11  }
0xbc: {  	s0 =	sor.u32 s1, s0  }
0xbd: {  	s0 =	sadd.s32 $0x8F2B, s0  }
0xbe: {  	[sflag:s0] =	ssyncadd.remote.s32 $0x1  }
0xbf: {  	_ =	sfence.sel $0xFFFF  }
0xc0: {  	[dreg:$0x0] =	wrdreg $0xFFFFFFFF;
	(pc) =	sbr.abs _section_cstart, $3  }
0xc1: {  	[dreg:$0x1] =	wrdreg $0xFFFFFFFF  }
0xc2: {  	_ =	task.clear_ibuf [dreg:s7], $0x2FFFF;
	_ =	strace $0x9FFFFFFF  }
0xc3: {  	(tm) =	ssettm $0x7FFFFFFF  }
tec
execute0_lowered:
.L_overlay_start_1:
0x0: {  	(tag) =	ssettag $0x1  }
0x1: {  	s0 =	rddreg [dreg:$0x0]  }
0x2: {  	s2 =	rddreg [dreg:$0x1]  }
0x3: {  	s1 =	rddreg [dreg:$0x2]  }
0x4: {  	s3 =	srdreg.scid;
	s9 =	stileid.u32;
	s29 =	simm.s32 $0x7000  }
0x5: {  	s30 =	simm.s32 $0x1;
	s28 =	simm.s32 $0x580;
	s6 =	smul.u32 $0x130, s9  }
0x6: {  	s31 =	simm.s32 $0xC00;
	s4 =	sand.u32 $0x1, s3;
	s12 =	smul.u32 $0x14000, s9  }
0x7: {  	s3 =	simm.s32 $0x0;
	s7 =	sshll.u32 s9, $0x4;
	s9 =	smul.u32 $0x50000, s9  }
0x8: {  	s5 =	smul.u32 $0x28000, s4;
	[smem:$0x7FF] =	sst s3;
	p0 =	seq.s32 s4, $0x0  }
0x9: {  	s7 =	sor.u32 $0x1300, s7;
	s8 =	smul.u32 $0x140000, s4;
	s13 =	ssub.s32 $0x2, s4  }
0xa: {  	_ =	strace $0x8000004D;
	s7 =	smov.u32 @p0 s6;
	s11 =	sshrl.u32 s13, $0x1  }
0xb: {  	s9 =	sshrl.u32 s9, $0x2;
	p0 =	sne.s32 s4, $0x0;
	s4 =	simm.s32 $0xF00  }
0xc: {  	s6 =	sadd.s32 s12, s8;
	s14 =	ssub.s32 s13, s11;
	s8 =	sadd.s32 s9, s1  }
0xd: {  	s5 =	sadd.s32 s5, s0;
	s15 =	smax.u32 s14, $0x1;
	[dreg:$0x4] =	wrdreg s8  }
0xe: {  	s7 =	sshll.u32 s7, $0x4;
	s16 =	sadd.s32 $0x2000, s8;
	[dreg:$0x6] =	wrdreg s15  }
0xf: {  	s9 =	simm.s32 $0xD00;
	s17 =	sadd.s32 $0x4000, s8;
	[dreg:$0x7] =	wrdreg s16  }
0x10: {  	s11 =	simm.s32 $0x700;
	s18 =	sadd.s32 $0x6000, s8;
	[dreg:$0x8] =	wrdreg s17  }
0x11: {  	s12 =	simm.s32 $0xD80;
	s19 =	sadd.s32 $0x8000, s8;
	[dreg:$0x9] =	wrdreg s18  }
0x12: {  	s13 =	simm.s32 $0x780;
	s20 =	sadd.s32 $0xA000, s8;
	[dreg:$0xa] =	wrdreg s19  }
0x13: {  	s10 =	sadd.s32 s7, s0;
	s21 =	sadd.s32 $0xC000, s8;
	[dreg:$0xb] =	wrdreg s20  }
0x14: {  	s6 =	sshrl.u32 s6, $0x3;
	s22 =	sadd.s32 $0xE000, s8;
	[dreg:$0xc] =	wrdreg s21  }
0x15: {  	s5 =	sadd.s32 $0x1C00, s5;
	s23 =	sadd.s32 $0x10000, s8;
	[dreg:$0xd] =	wrdreg s22  }
0x16: {  	s24 =	sadd.s32 $0x12000, s8;
	s25 =	sadd.s32 s7, s2;
	[dreg:$0xe] =	wrdreg s23  }
0x17: {  	s7 =	simm.s32 $0x3;
	s2 =	simm.s32 $0x0;
	[dreg:$0xf] =	wrdreg s24  }
0x18: {  	s14 =	simm.s32 $0xE00;
	s0 =	sadd.s32 s6, s0;
	[dreg:$0x10] =	wrdreg s25  }
0x19: {  	s26 =	sadd.s32 $0x51C00, s10;
	s19 =	simm.s32 $0x1000;
	s20 =	simm.s32 $0x5  }
0x1a: {  	s21 =	simm.s32 $0x800;
	s22 =	simm.s32 $0x40;
	s24 =	simm.s32 $0x3000  }
0x1b: {  	s10 =	simm.s32 $0x4;
	s6 =	simm.s32 $0xC80;
	s15 =	simm.s32 $0xE80  }
0x1c: {  	s23 =	simm.s32 $0xF80;
	s0 =	sadd.s32 $0x65C00, s0;
	[dreg:$0x11] =	wrdreg s26  }
0x1d: {  	v0 =	vimm.f32 $0.0e+00;
	s26 =	simm.s32 $0x5000;
	[dreg:$0x5] =	wrdreg s0;
	s0 =	simm.s32 $0x2  }
.LBB2_1:
0x1e: {  	[dreg:$0x12] =	wrdreg s2;
	s16 =	simm.s32 $0x0;
	s17 =	simm.s32 $0x200  }
.LBB2_2:
0x1f: {  	p1 =	sne.s32 s17, $0x7E00;
	[tilespmem:s16+$0x1070] =	vst v0  }
0x20: {  	[tilespmem:s16+$0x1000] =	vst v0  }
0x21: {  	[tilespmem:s16+$0x1010] =	vst v0  }
.Ltmp0:
0x22: {  	[tilespmem:s16+$0x1020] =	vst v0;
	(pc) =	sbr.rel @p1 .LBB2_2-.Ltmp0, $4  }
0x23: {  	[tilespmem:s16+$0x1030] =	vst v0  }
0x24: {  	[tilespmem:s16+$0x1040] =	vst v0  }
0x25: {  	[tilespmem:s16+$0x1050] =	vst v0  }
0x26: {  	[tilespmem:s16+$0x1060] =	vst v0;
	s16 =	sshra.s32 s17, $0x2;
	s17 =	sadd.s32 $0x200, s17  }
0x27: {  	[tilespmem:s16+$0x1070] =	vst v0  }
0x28: {  	[tilespmem:s16+$0x1000] =	vst v0  }
0x29: {  	[tilespmem:s16+$0x1010] =	vst v0  }
0x2a: {  	[tilespmem:s16+$0x1020] =	vst v0  }
0x2b: {  	[tilespmem:s16+$0x1030] =	vst v0  }
0x2c: {  	[tilespmem:s16+$0x1040] =	vst v0  }
0x2d: {  	[tilespmem:s16+$0x1050] =	vst v0  }
0x2e: {  	[tilespmem:s16+$0x1060] =	vst v0  }
0x2f: {  	[spmem:s8] =	stream.linear.scatter [tilespmem:s19], [sflag:$0x5], $0x2000, $0x38;
	[tilespmem:$0x1D000] =	vst v63  }
0x30: {  	_ =	swait.ge [sflag:s20], $0x2000  }
0x31: {  	[sflag:s20] =	ssyncset.done $0x0  }
0x32: {  	s8 =	rddreg [dreg:$0x7];
	[sflag:s20] =	ssyncadd.s32 $0xFFFFE000  }
0x33: {  	[spmem:s8] =	stream.linear.scatter [tilespmem:s19], [sflag:$0x5], $0x2000, $0x38;
	[tilespmem:$0x1D000] =	vst v63  }
0x34: {  	_ =	swait.ge [sflag:s20], $0x2000  }
0x35: {  	[sflag:s20] =	ssyncset.done $0x0  }
0x36: {  	s17 =	rddreg [dreg:$0x8];
	[sflag:s20] =	ssyncadd.s32 $0xFFFFE000  }
0x37: {  	[spmem:s17] =	stream.linear.scatter [tilespmem:s19], [sflag:$0x5], $0x2000, $0x38;
	[tilespmem:$0x1D000] =	vst v63  }
0x38: {  	_ =	swait.ge [sflag:s20], $0x2000  }
0x39: {  	[sflag:s20] =	ssyncset.done $0x0  }
0x3a: {  	s18 =	rddreg [dreg:$0x9];
	[sflag:s20] =	ssyncadd.s32 $0xFFFFE000  }
0x3b: {  	[spmem:s18] =	stream.linear.scatter [tilespmem:s19], [sflag:$0x5], $0x2000, $0x38;
	[tilespmem:$0x1D000] =	vst v63  }
0x3c: {  	_ =	swait.ge [sflag:s20], $0x2000  }
0x3d: {  	[sflag:s20] =	ssyncset.done $0x0  }
0x3e: {  	s25 =	rddreg [dreg:$0xa];
	[sflag:s20] =	ssyncadd.s32 $0xFFFFE000  }
0x3f: {  	[spmem:s25] =	stream.linear.scatter [tilespmem:s19], [sflag:$0x5], $0x2000, $0x38;
	[tilespmem:$0x1D000] =	vst v63  }
0x40: {  	_ =	swait.ge [sflag:s20], $0x2000  }
0x41: {  	[sflag:s20] =	ssyncset.done $0x0  }
0x42: {  	s2 =	rddreg [dreg:$0xb];
	[sflag:s20] =	ssyncadd.s32 $0xFFFFE000  }
0x43: {  	[spmem:s2] =	stream.linear.scatter [tilespmem:s19], [sflag:$0x5], $0x2000, $0x38;
	[tilespmem:$0x1D000] =	vst v63  }
0x44: {  	_ =	swait.ge [sflag:s20], $0x2000  }
0x45: {  	[sflag:s20] =	ssyncset.done $0x0  }
0x46: {  	s8 =	rddreg [dreg:$0xc];
	[sflag:s20] =	ssyncadd.s32 $0xFFFFE000  }
0x47: {  	[spmem:s8] =	stream.linear.scatter [tilespmem:s19], [sflag:$0x5], $0x2000, $0x38;
	[tilespmem:$0x1D000] =	vst v63  }
0x48: {  	_ =	swait.ge [sflag:s20], $0x2000  }
0x49: {  	[sflag:s20] =	ssyncset.done $0x0  }
0x4a: {  	s17 =	rddreg [dreg:$0xd];
	[sflag:s20] =	ssyncadd.s32 $0xFFFFE000  }
0x4b: {  	[spmem:s17] =	stream.linear.scatter [tilespmem:s19], [sflag:$0x5], $0x2000, $0x38;
	[tilespmem:$0x1D000] =	vst v63  }
0x4c: {  	_ =	swait.ge [sflag:s20], $0x2000  }
0x4d: {  	[sflag:s20] =	ssyncset.done $0x0  }
0x4e: {  	s18 =	rddreg [dreg:$0xe];
	[sflag:s20] =	ssyncadd.s32 $0xFFFFE000  }
0x4f: {  	[spmem:s18] =	stream.linear.scatter [tilespmem:s19], [sflag:$0x5], $0x2000, $0x38;
	[tilespmem:$0x1D000] =	vst v63  }
0x50: {  	_ =	swait.ge [sflag:s20], $0x2000  }
0x51: {  	[sflag:s20] =	ssyncset.done $0x0  }
0x52: {  	s25 =	rddreg [dreg:$0xf];
	[sflag:s20] =	ssyncadd.s32 $0xFFFFE000  }
0x53: {  	[spmem:s25] =	stream.linear.scatter [tilespmem:s19], [sflag:$0x5], $0x2000, $0x38;
	[tilespmem:$0x1D000] =	vst v63  }
0x54: {  	_ =	swait.ge [sflag:s20], $0x2000  }
0x55: {  	[sflag:s20] =	ssyncset.done $0x0  }
0x56: {  	[sflag:s20] =	ssyncadd.s32 $0xFFFFE000  }
0x57: {  	[bflag:$0x0] =	sbarrier.arrive $0xFFFF  }
0x58: {  	s2 =	simm.s32 $0x600;
	s16 =	rddreg [dreg:$0x11]  }
0x59: {  	s8 =	simm.s32 $0x680;
	s18 =	simm.s32 $0x0;
	s17 =	rddreg [dreg:$0x10]  }
.LBB2_4:
0x5a: {  	[tilespmem:s3], [sflag:$0x5] =	stream.linear.gather [hbm4b:s16+s3], $0x800, $0x38;
	[tilespmem:$0x1D000] =	vst v63  }
0x5b: {  	_ =	swait.ge [sflag:s20], $0x800  }
0x5c: {  	[sflag:s20] =	ssyncset.done $0x0  }
0x5d: {  	[sflag:s20] =	ssyncadd.s32 $0xFFFFF800  }
0x5e: {  	[tilespmem:s21], [sflag:$0x5] =	stream.linear.gather [hbm4b:s17+s3], $0x800, $0x38;
	[tilespmem:$0x1D000] =	vst v63  }
0x5f: {  	_ =	swait.ge [sflag:s20], $0x800  }
0x60: {  	[sflag:s20] =	ssyncset.done $0x0  }
0x61: {  	[sflag:s20] =	ssyncadd.s32 $0xFFFFF800  }
0x62: {  	[tilespmem:s19], [sflag:$0x1] =	stream.indirect.gather [hbm4b:s5+s22], $0x80, s3, s22, $0xb8;
	[tilespmem:$0x1D000] =	vst v63  }
0x63: {  	s25 =	simm.s32 $0x80  }
0x64: {  	[tilespmem:s24], [sflag:$0x2] =	stream.indirect.gather [hbm4b:s5+s22], $0x80, s25, s22, $0xb8;
	[tilespmem:$0x1D000] =	vst v63  }
0x65: {  	s25 =	simm.s32 $0x100  }
0x66: {  	[tilespmem:s26], [sflag:$0x3] =	stream.indirect.gather [hbm4b:s5+s22], $0x80, s25, s22, $0xb8;
	[tilespmem:$0x1D000] =	vst v63  }
0x67: {  	s25 =	simm.s32 $0x180  }
0x68: {  	[tilespmem:s29], [sflag:$0x4] =	stream.indirect.gather [hbm4b:s5+s22], $0x80, s25, s22, $0xb8;
	[tilespmem:$0x1D000] =	vst v63  }
0x69: {  	_ =	swait.ge [sflag:s30], $0x2000  }
0x6a: {  	[sflag:s30] =	ssyncset.done $0x0  }
0x6b: {  	[sflag:s30] =	ssyncadd.s32 $0xFFFFE000  }
0x6c: {  	[spmem:s1] =	stream.indirect.scatter.add.f32 [tilespmem:s19], [sflag:$0x5], $0x80, s21, s22, $0xb8;
	[tilespmem:$0x1D000] =	vst v63  }
0x6d: {  	_ =	swait.ge [sflag:s20], $0x2000  }
0x6e: {  	[sflag:s20] =	ssyncset.done $0x0  }
0x6f: {  	s25 =	simm.s32 $0x200;
	[sflag:s20] =	ssyncadd.s32 $0xFFFFE000  }
0x70: {  	[tilespmem:s19], [sflag:$0x1] =	stream.indirect.gather [hbm4b:s5+s22], $0x80, s25, s22, $0xb8;
	[tilespmem:$0x1D000] =	vst v63  }
0x71: {  	_ =	swait.ge [sflag:s0], $0x2000  }
0x72: {  	[sflag:s0] =	ssyncset.done $0x0  }
0x73: {  	s25 =	simm.s32 $0x880;
	[sflag:s0] =	ssyncadd.s32 $0xFFFFE000  }
0x74: {  	[spmem:s1] =	stream.indirect.scatter.add.f32 [tilespmem:s24], [sflag:$0x5], $0x80, s25, s22, $0xb8;
	[tilespmem:$0x1D000] =	vst v63  }
0x75: {  	_ =	swait.ge [sflag:s20], $0x2000  }
0x76: {  	[sflag:s20] =	ssyncset.done $0x0  }
0x77: {  	s25 =	simm.s32 $0x280;
	[sflag:s20] =	ssyncadd.s32 $0xFFFFE000  }
0x78: {  	[tilespmem:s24], [sflag:$0x2] =	stream.indirect.gather [hbm4b:s5+s22], $0x80, s25, s22, $0xb8;
	[tilespmem:$0x1D000] =	vst v63  }
0x79: {  	_ =	swait.ge [sflag:s7], $0x2000  }
0x7a: {  	[sflag:s7] =	ssyncset.done $0x0  }
0x7b: {  	s25 =	simm.s32 $0x900;
	[sflag:s7] =	ssyncadd.s32 $0xFFFFE000  }
0x7c: {  	[spmem:s1] =	stream.indirect.scatter.add.f32 [tilespmem:s26], [sflag:$0x5], $0x80, s25, s22, $0xb8;
	[tilespmem:$0x1D000] =	vst v63  }
0x7d: {  	_ =	swait.ge [sflag:s20], $0x2000  }
0x7e: {  	[sflag:s20] =	ssyncset.done $0x0  }
0x7f: {  	s25 =	simm.s32 $0x300;
	[sflag:s20] =	ssyncadd.s32 $0xFFFFE000  }
0x80: {  	[tilespmem:s26], [sflag:$0x3] =	stream.indirect.gather [hbm4b:s5+s22], $0x80, s25, s22, $0xb8;
	[tilespmem:$0x1D000] =	vst v63  }
0x81: {  	_ =	swait.ge [sflag:s10], $0x2000  }
0x82: {  	[sflag:s10] =	ssyncset.done $0x0  }
0x83: {  	s25 =	simm.s32 $0x980;
	[sflag:s10] =	ssyncadd.s32 $0xFFFFE000  }
0x84: {  	[spmem:s1] =	stream.indirect.scatter.add.f32 [tilespmem:s29], [sflag:$0x5], $0x80, s25, s22, $0xb8;
	[tilespmem:$0x1D000] =	vst v63  }
0x85: {  	_ =	swait.ge [sflag:s20], $0x2000  }
0x86: {  	[sflag:s20] =	ssyncset.done $0x0  }
0x87: {  	s25 =	simm.s32 $0x380;
	[sflag:s20] =	ssyncadd.s32 $0xFFFFE000  }
0x88: {  	[tilespmem:s29], [sflag:$0x4] =	stream.indirect.gather [hbm4b:s5+s22], $0x80, s25, s22, $0xb8;
	[tilespmem:$0x1D000] =	vst v63  }
0x89: {  	_ =	swait.ge [sflag:s30], $0x2000  }
0x8a: {  	[sflag:s30] =	ssyncset.done $0x0  }
0x8b: {  	s25 =	simm.s32 $0xA00;
	[sflag:s30] =	ssyncadd.s32 $0xFFFFE000  }
0x8c: {  	[spmem:s1] =	stream.indirect.scatter.add.f32 [tilespmem:s19], [sflag:$0x5], $0x80, s25, s22, $0xb8;
	[tilespmem:$0x1D000] =	vst v63  }
0x8d: {  	_ =	swait.ge [sflag:s20], $0x2000  }
0x8e: {  	[sflag:s20] =	ssyncset.done $0x0  }
0x8f: {  	s25 =	simm.s32 $0x400;
	[sflag:s20] =	ssyncadd.s32 $0xFFFFE000  }
0x90: {  	[tilespmem:s19], [sflag:$0x1] =	stream.indirect.gather [hbm4b:s5+s22], $0x80, s25, s22, $0xb8;
	[tilespmem:$0x1D000] =	vst v63  }
0x91: {  	_ =	swait.ge [sflag:s0], $0x2000  }
0x92: {  	[sflag:s0] =	ssyncset.done $0x0  }
0x93: {  	s25 =	simm.s32 $0xA80;
	[sflag:s0] =	ssyncadd.s32 $0xFFFFE000  }
0x94: {  	[spmem:s1] =	stream.indirect.scatter.add.f32 [tilespmem:s24], [sflag:$0x5], $0x80, s25, s22, $0xb8;
	[tilespmem:$0x1D000] =	vst v63  }
0x95: {  	_ =	swait.ge [sflag:s20], $0x2000  }
0x96: {  	[sflag:s20] =	ssyncset.done $0x0  }
0x97: {  	s25 =	simm.s32 $0x480;
	[sflag:s20] =	ssyncadd.s32 $0xFFFFE000  }
0x98: {  	[tilespmem:s24], [sflag:$0x2] =	stream.indirect.gather [hbm4b:s5+s22], $0x80, s25, s22, $0xb8;
	[tilespmem:$0x1D000] =	vst v63  }
0x99: {  	_ =	swait.ge [sflag:s7], $0x2000  }
0x9a: {  	[sflag:s7] =	ssyncset.done $0x0  }
0x9b: {  	s25 =	simm.s32 $0xB00;
	[sflag:s7] =	ssyncadd.s32 $0xFFFFE000  }
0x9c: {  	[spmem:s1] =	stream.indirect.scatter.add.f32 [tilespmem:s26], [sflag:$0x5], $0x80, s25, s22, $0xb8;
	[tilespmem:$0x1D000] =	vst v63  }
0x9d: {  	_ =	swait.ge [sflag:s20], $0x2000  }
0x9e: {  	[sflag:s20] =	ssyncset.done $0x0  }
0x9f: {  	s25 =	simm.s32 $0x500;
	[sflag:s20] =	ssyncadd.s32 $0xFFFFE000  }
0xa0: {  	[tilespmem:s26], [sflag:$0x3] =	stream.indirect.gather [hbm4b:s5+s22], $0x80, s25, s22, $0xb8;
	[tilespmem:$0x1D000] =	vst v63  }
0xa1: {  	_ =	swait.ge [sflag:s10], $0x2000  }
0xa2: {  	[sflag:s10] =	ssyncset.done $0x0  }
0xa3: {  	s25 =	simm.s32 $0xB80;
	[sflag:s10] =	ssyncadd.s32 $0xFFFFE000  }
0xa4: {  	[spmem:s1] =	stream.indirect.scatter.add.f32 [tilespmem:s29], [sflag:$0x5], $0x80, s25, s22, $0xb8;
	[tilespmem:$0x1D000] =	vst v63  }
0xa5: {  	_ =	swait.ge [sflag:s20], $0x2000  }
0xa6: {  	[sflag:s20] =	ssyncset.done $0x0  }
0xa7: {  	[sflag:s20] =	ssyncadd.s32 $0xFFFFE000  }
0xa8: {  	[tilespmem:s29], [sflag:$0x4] =	stream.indirect.gather [hbm4b:s5+s22], $0x80, s28, s22, $0xb8;
	[tilespmem:$0x1D000] =	vst v63  }
0xa9: {  	_ =	swait.ge [sflag:s30], $0x2000  }
0xaa: {  	[sflag:s30] =	ssyncset.done $0x0  }
0xab: {  	[sflag:s30] =	ssyncadd.s32 $0xFFFFE000  }
0xac: {  	[spmem:s1] =	stream.indirect.scatter.add.f32 [tilespmem:s19], [sflag:$0x5], $0x80, s31, s22, $0xb8;
	[tilespmem:$0x1D000] =	vst v63  }
0xad: {  	_ =	swait.ge [sflag:s20], $0x2000  }
0xae: {  	[sflag:s20] =	ssyncset.done $0x0  }
0xaf: {  	[sflag:s20] =	ssyncadd.s32 $0xFFFFE000  }
0xb0: {  	[tilespmem:s19], [sflag:$0x1] =	stream.indirect.gather [hbm4b:s5+s22], $0x80, s2, s22, $0xb8;
	[tilespmem:$0x1D000] =	vst v63  }
0xb1: {  	_ =	swait.ge [sflag:s0], $0x2000  }
0xb2: {  	[sflag:s0] =	ssyncset.done $0x0  }
0xb3: {  	[sflag:s0] =	ssyncadd.s32 $0xFFFFE000  }
0xb4: {  	[spmem:s1] =	stream.indirect.scatter.add.f32 [tilespmem:s24], [sflag:$0x5], $0x80, s6, s22, $0xb8;
	[tilespmem:$0x1D000] =	vst v63  }
0xb5: {  	_ =	swait.ge [sflag:s20], $0x2000  }
0xb6: {  	[sflag:s20] =	ssyncset.done $0x0  }
0xb7: {  	[sflag:s20] =	ssyncadd.s32 $0xFFFFE000  }
0xb8: {  	[tilespmem:s24], [sflag:$0x2] =	stream.indirect.gather [hbm4b:s5+s22], $0x80, s8, s22, $0xb8;
	[tilespmem:$0x1D000] =	vst v63  }
0xb9: {  	_ =	swait.ge [sflag:s7], $0x2000  }
0xba: {  	[sflag:s7] =	ssyncset.done $0x0  }
0xbb: {  	[sflag:s7] =	ssyncadd.s32 $0xFFFFE000  }
0xbc: {  	[spmem:s1] =	stream.indirect.scatter.add.f32 [tilespmem:s26], [sflag:$0x5], $0x80, s9, s22, $0xb8;
	[tilespmem:$0x1D000] =	vst v63  }
0xbd: {  	_ =	swait.ge [sflag:s20], $0x2000  }
0xbe: {  	[sflag:s20] =	ssyncset.done $0x0  }
0xbf: {  	[sflag:s20] =	ssyncadd.s32 $0xFFFFE000  }
0xc0: {  	[tilespmem:s26], [sflag:$0x3] =	stream.indirect.gather [hbm4b:s5+s22], $0x80, s11, s22, $0xb8;
	[tilespmem:$0x1D000] =	vst v63  }
0xc1: {  	_ =	swait.ge [sflag:s10], $0x2000  }
0xc2: {  	[sflag:s10] =	ssyncset.done $0x0  }
0xc3: {  	[sflag:s10] =	ssyncadd.s32 $0xFFFFE000  }
0xc4: {  	[spmem:s1] =	stream.indirect.scatter.add.f32 [tilespmem:s29], [sflag:$0x5], $0x80, s12, s22, $0xb8;
	[tilespmem:$0x1D000] =	vst v63  }
0xc5: {  	_ =	swait.ge [sflag:s20], $0x2000  }
0xc6: {  	[sflag:s20] =	ssyncset.done $0x0  }
0xc7: {  	[sflag:s20] =	ssyncadd.s32 $0xFFFFE000  }
0xc8: {  	[tilespmem:s29], [sflag:$0x4] =	stream.indirect.gather [hbm4b:s5+s22], $0x80, s13, s22, $0xb8;
	[tilespmem:$0x1D000] =	vst v63  }
0xc9: {  	_ =	swait.ge [sflag:s30], $0x2000  }
0xca: {  	[sflag:s30] =	ssyncset.done $0x0  }
0xcb: {  	[sflag:s30] =	ssyncadd.s32 $0xFFFFE000  }
0xcc: {  	[spmem:s1] =	stream.indirect.scatter.add.f32 [tilespmem:s19], [sflag:$0x5], $0x80, s14, s22, $0xb8;
	[tilespmem:$0x1D000] =	vst v63  }
0xcd: {  	_ =	swait.ge [sflag:s20], $0x2000  }
0xce: {  	[sflag:s20] =	ssyncset.done $0x0  }
0xcf: {  	[sflag:s20] =	ssyncadd.s32 $0xFFFFE000  }
0xd0: {  	_ =	swait.ge [sflag:s0], $0x2000  }
0xd1: {  	[sflag:s0] =	ssyncset.done $0x0  }
0xd2: {  	[sflag:s0] =	ssyncadd.s32 $0xFFFFE000  }
0xd3: {  	[spmem:s1] =	stream.indirect.scatter.add.f32 [tilespmem:s24], [sflag:$0x5], $0x80, s15, s22, $0xb8;
	[tilespmem:$0x1D000] =	vst v63  }
0xd4: {  	_ =	swait.ge [sflag:s20], $0x2000  }
0xd5: {  	[sflag:s20] =	ssyncset.done $0x0  }
0xd6: {  	[sflag:s20] =	ssyncadd.s32 $0xFFFFE000  }
0xd7: {  	_ =	swait.ge [sflag:s7], $0x2000  }
0xd8: {  	[sflag:s7] =	ssyncset.done $0x0  }
0xd9: {  	[sflag:s7] =	ssyncadd.s32 $0xFFFFE000  }
0xda: {  	[spmem:s1] =	stream.indirect.scatter.add.f32 [tilespmem:s26], [sflag:$0x5], $0x80, s4, s22, $0xb8;
	[tilespmem:$0x1D000] =	vst v63  }
0xdb: {  	_ =	swait.ge [sflag:s20], $0x2000  }
0xdc: {  	[sflag:s20] =	ssyncset.done $0x0  }
0xdd: {  	[sflag:s20] =	ssyncadd.s32 $0xFFFFE000  }
0xde: {  	p1 =	slt.u32 @!p0 s18, $0x12;
	_ =	swait.ge [sflag:s10], $0x2000  }
0xdf: {  	p1 =	por p0, !p1;
	[sflag:s10] =	ssyncset.done $0x0  }
.Ltmp1:
0xe0: {  	[sflag:s10] =	ssyncadd.s32 $0xFFFFE000;
	(pc) =	sbr.rel @!p1 .LBB2_4-.Ltmp1, $4  }
0xe1: {  	[spmem:s1] =	stream.indirect.scatter.add.f32 [tilespmem:s29], [sflag:$0x5], $0x80, s23, s22, $0xb8;
	[tilespmem:$0x1D000] =	vst v63  }
0xe2: {  	_ =	swait.ge [sflag:s20], $0x2000  }
0xe3: {  	s18 =	sadd.s32 $0x1, s18;
	[sflag:s20] =	ssyncset.done $0x0  }
0xe4: {  	s16 =	sadd.s32 $0x100, s16;
	s17 =	sadd.s32 $0x100, s17;
	[sflag:s20] =	ssyncadd.s32 $0xFFFFE000  }
0xe5: {  	s16 =	stileid.u32;
	[bflag:$0x0] =	sbarrier.arrive $0xFFFF  }
0xe6: {  	s16 =	sshll.u32 s16, $0x6;
	s8 =	rddreg [dreg:$0x4]  }
0xe7: {  	s18 =	rddreg [dreg:$0x5];
	s16 =	sor.u32 $0x1C05, s16;
	s17 =	sshrl.u32 s8, $0x3  }
0xe8: {  	[hbm:s18], [sflag:s16] =	dma.local [spmem:s17], $0x2800  }
0xe9: {  	_ =	swait.ge [sflag:s20], $0x2800  }
0xea: {  	s2 =	rddreg [dreg:$0x12]  }
0xeb: {  	s25 =	rddreg [dreg:$0x6];
	s2 =	sadd.s32 $0x1, s2  }
0xec: {  	p1 =	sne.s32 s2, s25  }
.Ltmp2:
0xed: {  	_ = 	snop;
	(pc) =	sbr.rel @p1 .LBB2_1-.Ltmp2, $3  }
0xee: {  	_ =	sdelay $0x1  }
0xef: {  	[sflag:s20] =	ssyncset.done $0x0  }
0xf0: {  	[sflag:s20] =	ssyncadd.s32 $0xFFFFD800  }
0xf1: {  	_ =	sfence.sel $0x180000  }
0xf2: {  	[bflag:$0x0] =	sbarrier.arrive $0xFFFF  }
0xf3: {  	_ =	strace $0x9000004D  }
0xf4: {  	s0 =	stileid.u32;
	[bflag:$0x2] =	sbarrier.arrive $0xFFFF  }
0xf5: {  	p0 =	sne.s32 s0, $0x0;
	s0 =	rddreg [dreg:$0x3]  }
0xf6: {  	s0 =	sadd.s32 @!p0 $0x100000, s0  }
0xf7: {  	[sflag:s0] =	ssyncadd.tile.s32 @!p0 $0x1;
	_ =	shalt  }
.Lfunc_end2:
_tile_overlayer_lowered:
.L_overlay_start_2:
0xf8: {  	(tag) =	ssettag $0x2  }
0xf9: {  	s0 =	rddreg [dreg:$0x0];
	s2 =	stileid.u32  }
0xfa: {  	s1 =	rddreg [dreg:$0x1];
	p0 =	sne.s32 s2, $0x0  }
0xfb: {  	s3 =	rddreg [dreg:$0x2];
	[bflag:$0x3] =	sbarrier.arrive $0xFFFF;
	s2 =	simm.s32 @!p0 $0x1C05  }
0xfc: {  	[timem:s3], [sflag:s2] =	dma.local @!p0 [hbm:s0], s1  }
0xfd: {  	s0 =	simm.s32 @!p0 $0x5  }
0xfe: {  	_ =	swait.ge @!p0 [sflag:s0], s1  }
0xff: {  	s1 =	ssub.s32 @!p0 $0x0, s1;
	[sflag:s0] =	ssyncset.done @!p0 $0x0  }
0x100: {  	[sflag:s0] =	ssyncadd.s32 @!p0 s1  }
0x101: {  	[bflag:$0x3] =	sbarrier.arrive $0xFFFF  }
0x102: {  	_ =	shalt  }

// kernel: kernel.8.cloned.1.call-start
scs
__scs_entry_jumppad:
0x0: {  	(pc) =	sbr.rel $0x88, $3  }
0x1: {  	(tag) =	ssettag $0x0;
	lr =	simm.s32 $0x1  }
0x2: {  	[smem:$0x3F9B] =	sst lr;
	_ =	strace $0xD0000000  }
0x3: {  	_ = 	snop  }
0x4: {  	_ = 	snop  }
0x5: {  	_ = 	snop  }
0x6: {  	_ = 	snop  }
0x7: {  	_ = 	snop  }
__scs_overlays_trampoline_lowered:
0x8: {  	[smem:$0x3FAA] =	sst s0  }
0x9: {  	[smem:$0x3FAB] =	sst s1  }
0xa: {  	[smem:$0x3FAC] =	sst s2  }
0xb: {  	[smem:$0x3FAD] =	sst s3  }
0xc: {  	[smem:$0x3FAE] =	sst s4  }
0xd: {  	[smem:$0x3FAF] =	sst s5  }
0xe: {  	[smem:$0x3FB0] =	sst s6  }
0xf: {  	[smem:$0x3FB1] =	sst s7  }
0x10: {  	[smem:$0x3FB2] =	sst s8  }
0x11: {  	[smem:$0x3FB3] =	sst s9;
	s0 =	simm.s32 @!p0 $0x0  }
0x12: {  	s1 =	sld [smem:$0x3F99];
	s0 =	simm.s32 @p0 $0x1  }
0x13: {  	[smem:$0x3FB4] =	sst s0;
	s0 =	simm.s32 @!p1 $0x0  }
0x14: {  	s2 =	sld [smem:$0x3F98];
	s0 =	simm.s32 @p1 $0x1  }
0x15: {  	[smem:$0x3FB5] =	sst s0;
	s0 =	simm.s32 @!p2 $0x0  }
0x16: {  	s3 =	sld [smem:$0x3FDB];
	s0 =	simm.s32 @p2 $0x1  }
0x17: {  	s4 =	simm.s32 $0x1BF5;
	[smem:$0x3FB7] =	sst s0  }
0x18: {  	s0 =	sld [smem:$0x3F9A];
	_ =	swait.ge [sflag:s4], $0x0  }
0x19: {  	s7 =	sld [smem:$0x3F9B]  }
0x1a: {  	s8 =	sadd.s32 $0xFFFFE003, lr  }
0x1b: {  	s9 =	sadd.s32 $0xFFFFFEF7, lr;
	s5 =	simm.s32 $0xFFFFFFFF;
	p2 =	slt.u32 s8, $0xFFFFF086  }
0x1c: {  	p1 =	slt.u32 s9, $0xF7A;
	s5 =	simm.s32 @!p2 $0x0  }
0x1d: {  	s5 =	simm.s32 @p1 $0x1;
	p0 =	seq.s32 s7, s2  }
0x1e: {  	s7 =	smul.u32 @!p0 $0xF7A, s2;
	p2 =	seq.s32 @!p0 s5, $0x0  }
0x1f: {  	s9 =	smul.u32 $0xF7A, s1;
	s8 =	simm.s32 @!p0 $0x1BF5;
	p2 =	por !p2, p0  }
0x20: {  	[sflag:s8] =	ssyncset.s32 @!p0 $0xFFFFF086;
	s6 =	sadd.s32 @!p0 s3, s7;
	s7 =	simm.s32 @!p0 $0x108  }
0x21: {  	s3 =	sadd.s32 s3, s9;
	s6 =	sadd.s32 @!p0 $0x88, s6;
	s7 =	simm.s32 @p2 $0x1082  }
0x22: {  	[simem:s7], [sflag:s8] =	dma.local @!p0 [hbm:s6], $0xF7A  }
0x23: {  	s9 =	sor.u32 $0xD0000000, s2;
	s6 =	simm.s32 $0x108;
	_ =	swait.ge @!p0 [sflag:s8], $0x0  }
0x24: {  	s3 =	sadd.s32 $0x88, s3;
	s6 =	simm.s32 @!p1 $0x1082;
	[sflag:s4] =	ssyncset.s32 $0xFFFFF086  }
0x25: {  	[simem:s6], [sflag:s4] =	dma.local [hbm:s3], $0xF7A  }
0x26: {  	[smem:$0x3F9B] =	sst s1;
	(tag) =	ssettag s2;
	_ =	strace s9  }
0x27: {  	s1 =	sld [smem:$0x3FAB]  }
0x28: {  	s2 =	sld [smem:$0x3FAC]  }
0x29: {  	s4 =	sld [smem:$0x3FAE]  }
0x2a: {  	p0 =	seq.s32 s5, $0x0;
	s5 =	sld [smem:$0x3FAF]  }
0x2b: {  	s6 =	sld [smem:$0x3FB0]  }
0x2c: {  	s7 =	sld [smem:$0x3FB1]  }
0x2d: {  	s3 =	simm.s32 $0x108;
	s8 =	sld [smem:$0x3FB2]  }
0x2e: {  	s3 =	simm.s32 @!p0 $0x1082;
	s9 =	sld [smem:$0x3FB3]  }
0x2f: {  	lr =	sadd.s32 s0, s3;
	s0 =	sld [smem:$0x3FAA]  }
0x30: {  	s3 =	sld [smem:$0x3FAD]  }
0x31: {  	[smem:$0x3FB6] =	sst s10  }
0x32: {  	s10 =	sld [smem:$0x3FB4];
	_ =	sdelay $0x3  }
0x33: {  	p0 =	seq.s32 s10, $0x1;
	s10 =	sld [smem:$0x3FB6];
	_ =	sdelay $0x3  }
0x34: {  	[smem:$0x3FB6] =	sst s10  }
0x35: {  	s10 =	sld [smem:$0x3FB5];
	_ =	sdelay $0x3  }
0x36: {  	p1 =	seq.s32 s10, $0x1;
	s10 =	sld [smem:$0x3FB6];
	_ =	sdelay $0x3  }
0x37: {  	[smem:$0x3FB6] =	sst s10  }
0x38: {  	s10 =	sld [smem:$0x3FB7]  }
0x39: {  	_ = 	snop;
	(pc) =	sbr.ind lr, $3  }
0x3a: {  	_ = 	snop  }
0x3b: {  	_ = 	snop  }
0x3c: {  	p2 =	seq.s32 s10, $0x1;
	s10 =	sld [smem:$0x3FB6]  }
0x3d: {  	_ =	shalt  }
0x3e: {  	_ =	shalt  }
0x3f: {  	_ =	shalt  }
0x40: {  	_ =	shalt  }
0x41: {  	_ =	shalt  }
0x42: {  	_ =	shalt  }
0x43: {  	_ =	shalt  }
0x44: {  	_ =	shalt  }
0x45: {  	_ =	shalt  }
0x46: {  	_ =	shalt  }
0x47: {  	_ =	shalt  }
0x48: {  	_ =	shalt  }
0x49: {  	_ =	shalt  }
0x4a: {  	_ =	shalt  }
0x4b: {  	_ =	shalt  }
0x4c: {  	_ =	shalt  }
0x4d: {  	_ =	shalt  }
0x4e: {  	_ =	shalt  }
0x4f: {  	_ =	shalt  }
0x50: {  	_ =	shalt  }
0x51: {  	_ =	shalt  }
0x52: {  	_ =	shalt  }
0x53: {  	_ =	shalt  }
0x54: {  	_ =	shalt  }
0x55: {  	_ =	shalt  }
0x56: {  	_ =	shalt  }
0x57: {  	_ =	shalt  }
0x58: {  	_ =	shalt  }
0x59: {  	_ =	shalt  }
0x5a: {  	_ =	shalt  }
0x5b: {  	_ =	shalt  }
0x5c: {  	_ =	shalt  }
0x5d: {  	_ =	shalt  }
0x5e: {  	_ =	shalt  }
0x5f: {  	_ =	shalt  }
0x60: {  	_ =	shalt  }
0x61: {  	_ =	shalt  }
0x62: {  	_ =	shalt  }
0x63: {  	_ =	shalt  }
0x64: {  	_ =	shalt  }
0x65: {  	_ =	shalt  }
0x66: {  	_ =	shalt  }
0x67: {  	_ =	shalt  }
0x68: {  	_ =	shalt  }
0x69: {  	_ =	shalt  }
0x6a: {  	_ =	shalt  }
0x6b: {  	_ =	shalt  }
0x6c: {  	_ =	shalt  }
0x6d: {  	_ =	shalt  }
0x6e: {  	_ =	shalt  }
0x6f: {  	_ =	shalt  }
0x70: {  	_ =	shalt  }
0x71: {  	_ =	shalt  }
0x72: {  	_ =	shalt  }
0x73: {  	_ =	shalt  }
0x74: {  	_ =	shalt  }
0x75: {  	_ =	shalt  }
0x76: {  	_ =	shalt  }
0x77: {  	_ =	shalt  }
0x78: {  	_ =	shalt  }
0x79: {  	_ =	shalt  }
0x7a: {  	_ =	shalt  }
0x7b: {  	_ =	shalt  }
0x7c: {  	_ =	shalt  }
0x7d: {  	_ =	shalt  }
0x7e: {  	_ =	shalt  }
0x7f: {  	_ =	shalt  }
0x80: {  	_ =	shalt  }
0x81: {  	_ =	shalt  }
0x82: {  	_ =	shalt  }
0x83: {  	_ =	shalt  }
0x84: {  	_ =	shalt  }
0x85: {  	_ =	shalt  }
0x86: {  	_ =	shalt  }
0x87: {  	_ =	shalt  }
.Lfunc_end0:
.L_simem_size_0:
called_computation_lowered:
.L_overlay_start_0:
0x88: {  	s2 =	sld [smem:$0x3FD9]  }
0x89: {  	s3 =	sld [smem:$0x3FFE];
	_ =	sdelay $0x1  }
0x8a: {  	s1 =	srdreg.scid  }
0x8b: {  	s0 =	sand.u32 $0x1, s1  }
0x8c: {  	s17 =	sshll.u32 s0, $0xA;
	s2 =	sadd.s32 s3, s2  }
0x8d: {  	s2 =	sadd.s32 s2, s17  }
0x8e: {  	[smem:$0x3FC2] =	sst s2  }
0x8f: {  	_ = 	snop  }
0x90: {  	s2 =	sld [smem:$0x3FD0];
	(tm) =	ssettm $0x1  }
0x91: {  	s18 =	sld [smem:$0x3FFB];
	_ =	sdelay $0x3  }
0x92: {  	_ =	strace s18  }
0x93: {  	s3 =	sld [smem:$0x3FFC];
	_ =	sdelay $0x3  }
0x94: {  	_ =	strace s3  }
0x95: {  	s3 =	sld [smem:$0x3FFD];
	_ =	sdelay $0x3  }
0x96: {  	_ =	strace s3  }
0x97: {  	_ =	strace $0x8FFFFFFF  }
0x98: {  	s19 =	sld [smem:$0x3FDB];
	_ =	sdelay $0x1  }
0x99: {  	s4 =	simm.s32 $_scs_section_size  }
0x9a: {  	s5 =	simm.s32 $_size__tile_overlayer_lowered;
	s6 =	simm.s32 $_tile_overlayer_lowered  }
0x9b: {  	s22 =	simm.s32 $0x1BFF;
	s21 =	sshll.u32 s6, $0x1;
	s3 =	sadd.s32 s4, s19  }
0x9c: {  	s7 =	simm.s32 $0x0;
	s20 =	sshll.u32 s5, $0x1;
	s5 =	sadd.s32 s21, s3  }
0x9d: {  	[timem:s7], [sflag:s22] =	dma.local [hbm:s5], s20  }
0x9e: {  	_ =	swait.ge [sflag:s22], s20  }
0x9f: {  	s4 =	ssub.s32 $0x0, s20;
	[sflag:s22] =	ssyncset.done $0x0  }
0xa0: {  	[sflag:s22] =	ssyncadd.s32 s4;
	_ =	sdelay $0x1  }
0xa1: {  	s23 =	simm.s32 $0x1B8B  }
0xa2: {  	_ =	swait.ge [sflag:s23], $0x1  }
0xa3: {  	[sflag:s23] =	ssyncset.done $0x0  }
0xa4: {  	s25 =	simm.s32 $0x1B8E;
	s24 =	sld [smem:$0x3FFE];
	[sflag:s23] =	ssyncadd.s32 $0xFFFFFFFF  }
0xa5: {  	s26 =	simm.s32 $execute0_lowered;
	[smem:$0x3FD2] =	sst s25  }
0xa6: {  	s5 =	sshll.u32 s26, $0x1;
	_ =	strace $0x80000046;
	[dreg:$0x1] =	wrdreg $0xFFFFFFFF  }
0xa7: {  	s28 =	simm.s32 $_size_execute0_lowered;
	s3 =	sadd.s32 s3, s5;
	[dreg:$0x0] =	wrdreg $0x0  }
0xa8: {  	s5 =	sshll.u32 s28, $0x1;
	[dreg:$0x2] =	wrdreg s3  }
0xa9: {  	[dreg:$0x3] =	wrdreg s5  }
0xaa: {  	[dreg:$0x4] =	wrdreg $0xC0  }
0xab: {  	_ =	task [dreg:s7], $0x5FFFF  }
0xac: {  	[dreg:$0x1] =	wrdreg $0xFFFFFFFF  }
0xad: {  	[dreg:$0x0] =	wrdreg $0x60  }
0xae: {  	[dreg:$0x2] =	wrdreg s2  }
0xaf: {  	[dreg:$0x3] =	wrdreg s24  }
0xb0: {  	[dreg:$0x4] =	wrdreg $0x90000  }
0xb1: {  	[dreg:$0x5] =	wrdreg $0x9  }
0xb2: {  	_ =	task.clear_ibuf [dreg:s7], $0x6FFFF;
	_ =	strace $0x90000046  }
0xb3: {  	s29 =	simm.s32 $0x9;
	_ =	strace $0x80000048  }
0xb4: {  	_ =	swait.ge [sflag:s29], $0x1  }
0xb5: {  	[sflag:s29] =	ssyncadd.s32 $0xFFFFFFFF  }
0xb6: {  	_ =	strace $0x90000048  }
0xb7: {  	_ =	sfence  }
0xb8: {  	s30 =	sld [smem:$0x0];
	_ =	sdelay $0x2  }
0xb9: {  	s31 =	sshll.u32 s1, $0xD;
	s1 =	sshrl.u32 s1, $0x2  }
0xba: {  	s3 =	sand.u32 $0x4000, s31;
	s1 =	sadd.s32 s1, s30  }
0xbb: {  	s0 =	sor.u32 s3, s0;
	s1 =	sshll.u32 s1, $0x11  }
0xbc: {  	s0 =	sor.u32 s1, s0  }
0xbd: {  	s0 =	sadd.s32 $0x8F2B, s0  }
0xbe: {  	[sflag:s0] =	ssyncadd.remote.s32 $0x1  }
0xbf: {  	_ =	sfence.sel $0xFFFF  }
0xc0: {  	[dreg:$0x0] =	wrdreg $0xFFFFFFFF;
	(pc) =	sbr.abs _section_cstart, $3  }
0xc1: {  	[dreg:$0x1] =	wrdreg $0xFFFFFFFF  }
0xc2: {  	_ =	task.clear_ibuf [dreg:s7], $0x2FFFF;
	_ =	strace $0x9FFFFFFF  }
0xc3: {  	(tm) =	ssettm $0x7FFFFFFF  }
tec
execute0_lowered:
.L_overlay_start_1:
0x0: {  	(tag) =	ssettag $0x1  }
0x1: {  	s4 =	rddreg [dreg:$0x0]  }
0x2: {  	s5 =	rddreg [dreg:$0x1]  }
0x3: {  	s2 =	rddreg [dreg:$0x2]  }
0x4: {  	s0 =	srdreg.scid;
	s1 =	rddreg [dreg:$0x3];
	s3 =	simm.s32 $0x0  }
0x5: {  	s17 =	simm.s32 $0x2;
	s18 =	simm.s32 $0x5000;
	s19 =	simm.s32 $0x40  }
0x6: {  	s20 =	simm.s32 $0x7000;
	s21 =	simm.s32 $0x1;
	s6 =	sand.u32 $0x1, s0  }
0x7: {  	s24 =	simm.s32 $0x0;
	s0 =	stileid.u32;
	s7 =	smul.u32 $0x140000, s6  }
0x8: {  	[smem:$0x7FF] =	sst s3;
	s8 =	smul.u32 $0x14000, s0;
	s9 =	sshll.u32 s6, $0x4  }
0x9: {  	s6 =	ssub.s32 $0x2, s6;
	s29 =	smul.u32 $0x50000, s0;
	_ =	strace $0x80000047  }
0xa: {  	s22 =	sshll.u32 s0, $0x6;
	s9 =	sor.u32 s0, s9;
	s30 =	sshrl.u32 s6, $0x1  }
0xb: {  	s22 =	sor.u32 $0x1C02, s22;
	s7 =	sadd.s32 s8, s7;
	s28 =	smul.u32 $0xA00, s9  }
0xc: {  	s10 =	ssub.s32 s6, s30;
	s31 =	sshrl.u32 s29, $0x2;
	s7 =	sshrl.u32 s7, $0x3  }
0xd: {  	s7 =	sadd.s32 s7, s5;
	s4 =	sadd.s32 s4, s28;
	s5 =	sadd.s32 s31, s2  }
0xe: {  	s6 =	sadd.s32 $0x1C00, s7;
	s7 =	smax.u32 s10, $0x1;
	s8 =	sadd.s32 $0x2000, s5  }
0xf: {  	s9 =	sadd.s32 $0x4000, s5;
	s10 =	sadd.s32 $0x6000, s5;
	s11 =	sadd.s32 $0x8000, s5  }
0x10: {  	s12 =	sadd.s32 $0xA000, s5;
	s13 =	sadd.s32 $0xC000, s5;
	s14 =	sadd.s32 $0xE000, s5  }
0x11: {  	v0 =	vimm.f32 $0.0e+00;
	v1 =	vimm.f32 $1.000000000e+00;
	s15 =	sadd.s32 $0x10000, s5;
	s16 =	sadd.s32 $0x12000, s5;
	s23 =	sshrl.u32 s5, $0x3  }
.LBB2_1:
0x12: {  	[tilespmem:s3], [sflag:$0x2] =	stream.linear.gather [hbm4b:s4+s3], $0x5000, $0x38;
	[tilespmem:$0x1D000] =	vst v63  }
0x13: {  	_ =	swait.ge [sflag:s17], $0x5000  }
0x14: {  	[sflag:s17] =	ssyncset.done $0x0  }
0x15: {  	s25 =	simm.s32 $0x0;
	s26 =	simm.s32 $0x200;
	[sflag:s17] =	ssyncadd.s32 $0xFFFFB000  }
.LBB2_2:
0x16: {  	p0 =	sne.s32 s26, $0x7E00;
	[tilespmem:s25+$0x7070] =	vst v1  }
0x17: {  	[tilespmem:s25+$0x5000] =	vst v0  }
0x18: {  	[tilespmem:s25+$0x5010] =	vst v0  }
0x19: {  	[tilespmem:s25+$0x5020] =	vst v0  }
0x1a: {  	[tilespmem:s25+$0x5030] =	vst v0  }
0x1b: {  	[tilespmem:s25+$0x5040] =	vst v0  }
0x1c: {  	[tilespmem:s25+$0x5050] =	vst v0  }
0x1d: {  	[tilespmem:s25+$0x5060] =	vst v0  }
0x1e: {  	[tilespmem:s25+$0x5070] =	vst v0  }
0x1f: {  	[tilespmem:s25+$0x7000] =	vst v1  }
0x20: {  	[tilespmem:s25+$0x7010] =	vst v1  }
.Ltmp0:
0x21: {  	[tilespmem:s25+$0x7020] =	vst v1;
	(pc) =	sbr.rel @p0 .LBB2_2-.Ltmp0, $4  }
0x22: {  	[tilespmem:s25+$0x7030] =	vst v1  }
0x23: {  	[tilespmem:s25+$0x7040] =	vst v1  }
0x24: {  	[tilespmem:s25+$0x7050] =	vst v1  }
0x25: {  	[tilespmem:s25+$0x7060] =	vst v1;
	s25 =	sshra.s32 s26, $0x2;
	s26 =	sadd.s32 $0x200, s26  }
0x26: {  	[tilespmem:s25+$0x7070] =	vst v1  }
0x27: {  	[tilespmem:s25+$0x5000] =	vst v0  }
0x28: {  	[tilespmem:s25+$0x5010] =	vst v0  }
0x29: {  	[tilespmem:s25+$0x5020] =	vst v0  }
0x2a: {  	[tilespmem:s25+$0x5030] =	vst v0  }
0x2b: {  	[tilespmem:s25+$0x5040] =	vst v0  }
0x2c: {  	[tilespmem:s25+$0x5050] =	vst v0  }
0x2d: {  	[tilespmem:s25+$0x5060] =	vst v0  }
0x2e: {  	[tilespmem:s25+$0x5070] =	vst v0  }
0x2f: {  	[tilespmem:s25+$0x7000] =	vst v1  }
0x30: {  	[tilespmem:s25+$0x7010] =	vst v1  }
0x31: {  	[tilespmem:s25+$0x7020] =	vst v1  }
0x32: {  	[tilespmem:s25+$0x7030] =	vst v1  }
0x33: {  	[tilespmem:s25+$0x7040] =	vst v1  }
0x34: {  	[tilespmem:s25+$0x7050] =	vst v1  }
0x35: {  	[tilespmem:s25+$0x7060] =	vst v1  }
0x36: {  	[spmem:s5] =	stream.linear.scatter [tilespmem:s18], [sflag:$0x2], $0x2000, $0x38;
	[tilespmem:$0x1D000] =	vst v63  }
0x37: {  	_ =	swait.ge [sflag:s17], $0x2000  }
0x38: {  	[sflag:s17] =	ssyncset.done $0x0  }
0x39: {  	[sflag:s17] =	ssyncadd.s32 $0xFFFFE000  }
0x3a: {  	[spmem:s8] =	stream.linear.scatter [tilespmem:s18], [sflag:$0x2], $0x2000, $0x38;
	[tilespmem:$0x1D000] =	vst v63  }
0x3b: {  	_ =	swait.ge [sflag:s17], $0x2000  }
0x3c: {  	[sflag:s17] =	ssyncset.done $0x0  }
0x3d: {  	[sflag:s17] =	ssyncadd.s32 $0xFFFFE000  }
0x3e: {  	[spmem:s9] =	stream.linear.scatter [tilespmem:s18], [sflag:$0x2], $0x2000, $0x38;
	[tilespmem:$0x1D000] =	vst v63  }
0x3f: {  	_ =	swait.ge [sflag:s17], $0x2000  }
0x40: {  	[sflag:s17] =	ssyncset.done $0x0  }
0x41: {  	[sflag:s17] =	ssyncadd.s32 $0xFFFFE000  }
0x42: {  	[spmem:s10] =	stream.linear.scatter [tilespmem:s18], [sflag:$0x2], $0x2000, $0x38;
	[tilespmem:$0x1D000] =	vst v63  }
0x43: {  	_ =	swait.ge [sflag:s17], $0x2000  }
0x44: {  	[sflag:s17] =	ssyncset.done $0x0  }
0x45: {  	[sflag:s17] =	ssyncadd.s32 $0xFFFFE000  }
0x46: {  	[spmem:s11] =	stream.linear.scatter [tilespmem:s18], [sflag:$0x2], $0x2000, $0x38;
	[tilespmem:$0x1D000] =	vst v63  }
0x47: {  	_ =	swait.ge [sflag:s17], $0x2000  }
0x48: {  	[sflag:s17] =	ssyncset.done $0x0  }
0x49: {  	[sflag:s17] =	ssyncadd.s32 $0xFFFFE000  }
0x4a: {  	[spmem:s12] =	stream.linear.scatter [tilespmem:s18], [sflag:$0x2], $0x2000, $0x38;
	[tilespmem:$0x1D000] =	vst v63  }
0x4b: {  	_ =	swait.ge [sflag:s17], $0x2000  }
0x4c: {  	[sflag:s17] =	ssyncset.done $0x0  }
0x4d: {  	[sflag:s17] =	ssyncadd.s32 $0xFFFFE000  }
0x4e: {  	[spmem:s13] =	stream.linear.scatter [tilespmem:s18], [sflag:$0x2], $0x2000, $0x38;
	[tilespmem:$0x1D000] =	vst v63  }
0x4f: {  	_ =	swait.ge [sflag:s17], $0x2000  }
0x50: {  	[sflag:s17] =	ssyncset.done $0x0  }
0x51: {  	[sflag:s17] =	ssyncadd.s32 $0xFFFFE000  }
0x52: {  	[spmem:s14] =	stream.linear.scatter [tilespmem:s18], [sflag:$0x2], $0x2000, $0x38;
	[tilespmem:$0x1D000] =	vst v63  }
0x53: {  	_ =	swait.ge [sflag:s17], $0x2000  }
0x54: {  	[sflag:s17] =	ssyncset.done $0x0  }
0x55: {  	[sflag:s17] =	ssyncadd.s32 $0xFFFFE000  }
0x56: {  	[spmem:s15] =	stream.linear.scatter [tilespmem:s18], [sflag:$0x2], $0x2000, $0x38;
	[tilespmem:$0x1D000] =	vst v63  }
0x57: {  	_ =	swait.ge [sflag:s17], $0x2000  }
0x58: {  	[sflag:s17] =	ssyncset.done $0x0  }
0x59: {  	[sflag:s17] =	ssyncadd.s32 $0xFFFFE000  }
0x5a: {  	[spmem:s16] =	stream.linear.scatter [tilespmem:s18], [sflag:$0x2], $0x2000, $0x38;
	[tilespmem:$0x1D000] =	vst v63  }
0x5b: {  	_ =	swait.ge [sflag:s17], $0x2000  }
0x5c: {  	[sflag:s17] =	ssyncset.done $0x0  }
0x5d: {  	[sflag:s17] =	ssyncadd.s32 $0xFFFFE000  }
0x5e: {  	s26 =	simm.s32 $0x0;
	[bflag:$0x0] =	sbarrier.arrive $0xFFFF  }
0x5f: {  	[spmem:s2] =	stream.indirect.scatter.add.f32 [tilespmem:s20], [sflag:$0x1], $0x80, s26, s19, $0xb8;
	[tilespmem:$0x1D000] =	vst v63  }
0x60: {  	s29 =	simm.s32 $0x80  }
0x61: {  	[spmem:s2] =	stream.indirect.scatter.add.f32 [tilespmem:s20], [sflag:$0x1], $0x80, s29, s19, $0xb8;
	[tilespmem:$0x1D000] =	vst v63  }
0x62: {  	s30 =	simm.s32 $0x100  }
0x63: {  	[spmem:s2] =	stream.indirect.scatter.add.f32 [tilespmem:s20], [sflag:$0x1], $0x80, s30, s19, $0xb8;
	[tilespmem:$0x1D000] =	vst v63  }
0x64: {  	s31 =	simm.s32 $0x180  }
0x65: {  	[spmem:s2] =	stream.indirect.scatter.add.f32 [tilespmem:s20], [sflag:$0x1], $0x80, s31, s19, $0xb8;
	[tilespmem:$0x1D000] =	vst v63  }
0x66: {  	s26 =	simm.s32 $0x200  }
0x67: {  	[spmem:s2] =	stream.indirect.scatter.add.f32 [tilespmem:s20], [sflag:$0x1], $0x80, s26, s19, $0xb8;
	[tilespmem:$0x1D000] =	vst v63  }
0x68: {  	s29 =	simm.s32 $0x280  }
0x69: {  	[spmem:s2] =	stream.indirect.scatter.add.f32 [tilespmem:s20], [sflag:$0x1], $0x80, s29, s19, $0xb8;
	[tilespmem:$0x1D000] =	vst v63  }
0x6a: {  	s30 =	simm.s32 $0x300  }
0x6b: {  	[spmem:s2] =	stream.indirect.scatter.add.f32 [tilespmem:s20], [sflag:$0x1], $0x80, s30, s19, $0xb8;
	[tilespmem:$0x1D000] =	vst v63  }
0x6c: {  	s31 =	simm.s32 $0x380  }
0x6d: {  	[spmem:s2] =	stream.indirect.scatter.add.f32 [tilespmem:s20], [sflag:$0x1], $0x80, s31, s19, $0xb8;
	[tilespmem:$0x1D000] =	vst v63  }
0x6e: {  	_ =	swait.ge [sflag:s21], $0x2000  }
0x6f: {  	[sflag:s21] =	ssyncset.done $0x0  }
0x70: {  	[sflag:s21] =	ssyncadd.s32 $0xFFFFE000  }
0x71: {  	_ =	swait.ge [sflag:s21], $0x2000  }
0x72: {  	[sflag:s21] =	ssyncset.done $0x0  }
0x73: {  	[sflag:s21] =	ssyncadd.s32 $0xFFFFE000  }
0x74: {  	_ =	swait.ge [sflag:s21], $0x2000  }
0x75: {  	[sflag:s21] =	ssyncset.done $0x0  }
0x76: {  	[sflag:s21] =	ssyncadd.s32 $0xFFFFE000  }
0x77: {  	_ =	swait.ge [sflag:s21], $0x2000  }
0x78: {  	[sflag:s21] =	ssyncset.done $0x0  }
0x79: {  	[sflag:s21] =	ssyncadd.s32 $0xFFFFE000  }
0x7a: {  	_ =	swait.ge [sflag:s21], $0x2000  }
0x7b: {  	[sflag:s21] =	ssyncset.done $0x0  }
0x7c: {  	[sflag:s21] =	ssyncadd.s32 $0xFFFFE000  }
0x7d: {  	_ =	swait.ge [sflag:s21], $0x2000  }
0x7e: {  	[sflag:s21] =	ssyncset.done $0x0  }
0x7f: {  	[sflag:s21] =	ssyncadd.s32 $0xFFFFE000  }
0x80: {  	_ =	swait.ge [sflag:s21], $0x2000  }
0x81: {  	[sflag:s21] =	ssyncset.done $0x0  }
0x82: {  	[sflag:s21] =	ssyncadd.s32 $0xFFFFE000  }
0x83: {  	_ =	swait.ge [sflag:s21], $0x2000  }
0x84: {  	s25 =	simm.s32 $0x1000;
	s28 =	simm.s32 $0x2000;
	[sflag:s21] =	ssyncset.done $0x0  }
.LBB2_4:
0x85: {  	s29 =	sshra.s32 s25, $0x2  }
0x86: {  	[sflag:s21] =	ssyncadd.s32 $0xFFFFE000;
	s25 =	smov.u32 s28;
	s26 =	sadd.s32 $0x1000, s28  }
0x87: {  	[spmem:s2] =	stream.indirect.scatter.add.f32 [tilespmem:s20], [sflag:$0x1], $0x80, s29, s19, $0xb8;
	[tilespmem:$0x1D000] =	vst v63  }
0x88: {  	p0 =	sne.s32 s28, $0x13000;
	s28 =	sadd.s32 $0x80, s29  }
0x89: {  	[spmem:s2] =	stream.indirect.scatter.add.f32 [tilespmem:s20], [sflag:$0x1], $0x80, s28, s19, $0xb8;
	[tilespmem:$0x1D000] =	vst v63  }
0x8a: {  	s28 =	sadd.s32 $0x100, s29  }
0x8b: {  	[spmem:s2] =	stream.indirect.scatter.add.f32 [tilespmem:s20], [sflag:$0x1], $0x80, s28, s19, $0xb8;
	[tilespmem:$0x1D000] =	vst v63  }
0x8c: {  	s28 =	sadd.s32 $0x180, s29  }
0x8d: {  	[spmem:s2] =	stream.indirect.scatter.add.f32 [tilespmem:s20], [sflag:$0x1], $0x80, s28, s19, $0xb8;
	[tilespmem:$0x1D000] =	vst v63  }
0x8e: {  	s28 =	sadd.s32 $0x200, s29  }
0x8f: {  	[spmem:s2] =	stream.indirect.scatter.add.f32 [tilespmem:s20], [sflag:$0x1], $0x80, s28, s19, $0xb8;
	[tilespmem:$0x1D000] =	vst v63  }
0x90: {  	s28 =	sadd.s32 $0x280, s29  }
0x91: {  	[spmem:s2] =	stream.indirect.scatter.add.f32 [tilespmem:s20], [sflag:$0x1], $0x80, s28, s19, $0xb8;
	[tilespmem:$0x1D000] =	vst v63  }
0x92: {  	s28 =	sadd.s32 $0x300, s29  }
0x93: {  	[spmem:s2] =	stream.indirect.scatter.add.f32 [tilespmem:s20], [sflag:$0x1], $0x80, s28, s19, $0xb8;
	[tilespmem:$0x1D000] =	vst v63  }
0x94: {  	s28 =	sadd.s32 $0x380, s29  }
0x95: {  	[spmem:s2] =	stream.indirect.scatter.add.f32 [tilespmem:s20], [sflag:$0x1], $0x80, s28, s19, $0xb8;
	[tilespmem:$0x1D000] =	vst v63  }
0x96: {  	_ =	swait.ge [sflag:s21], $0x2000  }
0x97: {  	[sflag:s21] =	ssyncset.done $0x0  }
0x98: {  	[sflag:s21] =	ssyncadd.s32 $0xFFFFE000  }
0x99: {  	_ =	swait.ge [sflag:s21], $0x2000  }
0x9a: {  	[sflag:s21] =	ssyncset.done $0x0  }
0x9b: {  	[sflag:s21] =	ssyncadd.s32 $0xFFFFE000  }
0x9c: {  	_ =	swait.ge [sflag:s21], $0x2000  }
0x9d: {  	[sflag:s21] =	ssyncset.done $0x0  }
0x9e: {  	[sflag:s21] =	ssyncadd.s32 $0xFFFFE000  }
0x9f: {  	_ =	swait.ge [sflag:s21], $0x2000  }
0xa0: {  	[sflag:s21] =	ssyncset.done $0x0  }
0xa1: {  	[sflag:s21] =	ssyncadd.s32 $0xFFFFE000  }
0xa2: {  	_ =	swait.ge [sflag:s21], $0x2000  }
0xa3: {  	[sflag:s21] =	ssyncset.done $0x0  }
0xa4: {  	[sflag:s21] =	ssyncadd.s32 $0xFFFFE000  }
0xa5: {  	_ =	swait.ge [sflag:s21], $0x2000  }
0xa6: {  	[sflag:s21] =	ssyncset.done $0x0  }
0xa7: {  	[sflag:s21] =	ssyncadd.s32 $0xFFFFE000  }
.Ltmp1:
0xa8: {  	_ =	swait.ge [sflag:s21], $0x2000;
	(pc) =	sbr.rel @p0 .LBB2_4-.Ltmp1, $4  }
0xa9: {  	[sflag:s21] =	ssyncset.done $0x0  }
0xaa: {  	[sflag:s21] =	ssyncadd.s32 $0xFFFFE000  }
0xab: {  	_ =	swait.ge [sflag:s21], $0x2000  }
0xac: {  	s28 =	smov.u32 s26;
	[sflag:s21] =	ssyncset.done $0x0  }
0xad: {  	s25 =	sshra.s32 s25, $0x2;
	[sflag:s21] =	ssyncadd.s32 $0xFFFFE000  }
0xae: {  	[spmem:s2] =	stream.indirect.scatter.add.f32 [tilespmem:s20], [sflag:$0x1], $0x80, s25, s19, $0xb8;
	[tilespmem:$0x1D000] =	vst v63  }
0xaf: {  	s26 =	sadd.s32 $0x80, s25  }
0xb0: {  	[spmem:s2] =	stream.indirect.scatter.add.f32 [tilespmem:s20], [sflag:$0x1], $0x80, s26, s19, $0xb8;
	[tilespmem:$0x1D000] =	vst v63  }
0xb1: {  	s31 =	sadd.s32 $0x100, s25  }
0xb2: {  	[spmem:s2] =	stream.indirect.scatter.add.f32 [tilespmem:s20], [sflag:$0x1], $0x80, s31, s19, $0xb8;
	[tilespmem:$0x1D000] =	vst v63  }
0xb3: {  	s28 =	sadd.s32 $0x180, s25  }
0xb4: {  	[spmem:s2] =	stream.indirect.scatter.add.f32 [tilespmem:s20], [sflag:$0x1], $0x80, s28, s19, $0xb8;
	[tilespmem:$0x1D000] =	vst v63  }
0xb5: {  	s29 =	sadd.s32 $0x200, s25  }
0xb6: {  	[spmem:s2] =	stream.indirect.scatter.add.f32 [tilespmem:s20], [sflag:$0x1], $0x80, s29, s19, $0xb8;
	[tilespmem:$0x1D000] =	vst v63  }
0xb7: {  	s30 =	sadd.s32 $0x280, s25  }
0xb8: {  	[spmem:s2] =	stream.indirect.scatter.add.f32 [tilespmem:s20], [sflag:$0x1], $0x80, s30, s19, $0xb8;
	[tilespmem:$0x1D000] =	vst v63  }
0xb9: {  	s31 =	sadd.s32 $0x300, s25  }
0xba: {  	[spmem:s2] =	stream.indirect.scatter.add.f32 [tilespmem:s20], [sflag:$0x1], $0x80, s31, s19, $0xb8;
	[tilespmem:$0x1D000] =	vst v63  }
0xbb: {  	s25 =	sadd.s32 $0x380, s25  }
0xbc: {  	[spmem:s2] =	stream.indirect.scatter.add.f32 [tilespmem:s20], [sflag:$0x1], $0x80, s25, s19, $0xb8;
	[tilespmem:$0x1D000] =	vst v63  }
0xbd: {  	_ =	swait.ge [sflag:s21], $0x2000  }
0xbe: {  	[sflag:s21] =	ssyncset.done $0x0  }
0xbf: {  	[sflag:s21] =	ssyncadd.s32 $0xFFFFE000  }
0xc0: {  	_ =	swait.ge [sflag:s21], $0x2000  }
0xc1: {  	[sflag:s21] =	ssyncset.done $0x0  }
0xc2: {  	[sflag:s21] =	ssyncadd.s32 $0xFFFFE000  }
0xc3: {  	_ =	swait.ge [sflag:s21], $0x2000  }
0xc4: {  	[sflag:s21] =	ssyncset.done $0x0  }
0xc5: {  	[sflag:s21] =	ssyncadd.s32 $0xFFFFE000  }
0xc6: {  	_ =	swait.ge [sflag:s21], $0x2000  }
0xc7: {  	[sflag:s21] =	ssyncset.done $0x0  }
0xc8: {  	[sflag:s21] =	ssyncadd.s32 $0xFFFFE000  }
0xc9: {  	_ =	swait.ge [sflag:s21], $0x2000  }
0xca: {  	[sflag:s21] =	ssyncset.done $0x0  }
0xcb: {  	[sflag:s21] =	ssyncadd.s32 $0xFFFFE000  }
0xcc: {  	_ =	swait.ge [sflag:s21], $0x2000  }
0xcd: {  	[sflag:s21] =	ssyncset.done $0x0  }
0xce: {  	[sflag:s21] =	ssyncadd.s32 $0xFFFFE000  }
0xcf: {  	_ =	swait.ge [sflag:s21], $0x2000  }
0xd0: {  	[sflag:s21] =	ssyncset.done $0x0  }
0xd1: {  	[sflag:s21] =	ssyncadd.s32 $0xFFFFE000  }
0xd2: {  	_ =	swait.ge [sflag:s21], $0x2000  }
0xd3: {  	s24 =	sadd.s32 $0x1, s24;
	[sflag:s21] =	ssyncset.done $0x0  }
0xd4: {  	p0 =	sne.s32 s24, s7;
	[sflag:s21] =	ssyncadd.s32 $0xFFFFE000  }
.Ltmp2:
0xd5: {  	[bflag:$0x0] =	sbarrier.arrive $0xFFFF;
	(pc) =	sbr.rel @p0 .LBB2_1-.Ltmp2, $4  }
0xd6: {  	[hbm:s6], [sflag:s22] =	dma.local [spmem:s23], $0x2800  }
0xd7: {  	_ =	swait.ge [sflag:s17], $0x2800  }
0xd8: {  	[sflag:s17] =	ssyncset.done $0x0  }
0xd9: {  	[sflag:s17] =	ssyncadd.s32 $0xFFFFD800  }
0xda: {  	_ =	sfence.sel $0x180000  }
0xdb: {  	[bflag:$0x0] =	sbarrier.arrive $0xFFFF  }
0xdc: {  	p0 =	sne.s32 s0, $0x0;
	_ =	strace $0x90000047  }
0xdd: {  	s0 =	sadd.s32 @!p0 $0x100000, s1;
	[bflag:$0x2] =	sbarrier.arrive $0xFFFF  }
0xde: {  	[sflag:s0] =	ssyncadd.tile.s32 @!p0 $0x1;
	_ =	shalt  }
.Lfunc_end2:
_tile_overlayer_lowered:
.L_overlay_start_2:
0xdf: {  	(tag) =	ssettag $0x2  }
0xe0: {  	s0 =	rddreg [dreg:$0x0];
	s2 =	stileid.u32  }
0xe1: {  	s1 =	rddreg [dreg:$0x1];
	p0 =	sne.s32 s2, $0x0  }
0xe2: {  	s3 =	rddreg [dreg:$0x2];
	[bflag:$0x3] =	sbarrier.arrive $0xFFFF;
	s2 =	simm.s32 @!p0 $0x1C02  }
0xe3: {  	[timem:s3], [sflag:s2] =	dma.local @!p0 [hbm:s0], s1  }
0xe4: {  	s0 =	simm.s32 @!p0 $0x2  }
0xe5: {  	_ =	swait.ge @!p0 [sflag:s0], s1  }
0xe6: {  	s1 =	ssub.s32 @!p0 $0x0, s1;
	[sflag:s0] =	ssyncset.done @!p0 $0x0  }
0xe7: {  	[sflag:s0] =	ssyncadd.s32 @!p0 s1  }
0xe8: {  	[bflag:$0x3] =	sbarrier.arrive $0xFFFF  }
0xe9: {  	_ =	shalt  }

</sc_bundles>
